<compile_context>
chip_gen: v7x
topology: tpu7x:2x2x1
jax: 0.10.2.dev20260603
libtpu: 0.0.44.dev20260713+nightly
codegen_flags: <defaults>
</compile_context>

<pallas_src>
import functools

import jax
import jax.numpy as jnp
from jax import lax
from jax.experimental import pallas as pl
from jax.experimental.pallas import tpu as pltpu
from jax.experimental.pallas import tpu_sc as plsc

NC = 2
NS = 16
K = 128


def _mesh():
    return plsc.VectorSubcoreMesh(core_axis_name="c", subcore_axis_name="s")


@functools.lru_cache(maxsize=None)
def _make_deg(n_pad, chunks):
    ept = n_pad // NS

    @functools.partial(
        pl.kernel,
        mesh=_mesh(),
        out_type=jax.ShapeDtypeStruct((NC * n_pad,), jnp.float32),
        scratch_types=[
            pltpu.VMEM((chunks, K), jnp.int32),
            pltpu.VMEM((K,), jnp.float32),
            pltpu.VMEM_SHARED((n_pad,), jnp.float32),
        ],
    )
    def deg_kernel(dst_hbm, ones_hbm, zeros_hbm, out_hbm, dst_v, ones_v, deg_sh):
        c = lax.axis_index("c")
        s = lax.axis_index("s")
        wid = c * NS + s

        @pl.when(s == 0)
        def _():
            pltpu.sync_copy(zeros_hbm, deg_sh)

        pltpu.sync_copy(dst_hbm.at[wid], dst_v)
        pltpu.sync_copy(ones_hbm, ones_v)
        plsc.subcore_barrier()

        def body(j, carry):
            pltpu.sync_copy(ones_v, deg_sh.at[dst_v.at[j]], add=True)
            return carry

        lax.fori_loop(0, chunks, body, 0)
        plsc.subcore_barrier()
        pltpu.sync_copy(deg_sh.at[pl.ds(s * ept, ept)],
                        out_hbm.at[pl.ds(c * n_pad + s * ept, ept)])

    return deg_kernel


@functools.lru_cache(maxsize=None)
def _make_prop(n_pad, d, chunks):
    ept = n_pad // NS

    @functools.partial(
        pl.kernel,
        mesh=_mesh(),
        out_type=jax.ShapeDtypeStruct((NC, n_pad, d), jnp.float32),
        scratch_types=[
            pltpu.VMEM((chunks // 2, K), jnp.int32),
            pltpu.VMEM((chunks // 2, K), jnp.int32),
            pltpu.VMEM((2, K, d), jnp.float32),
            pltpu.VMEM_SHARED((n_pad, d), jnp.float32),
            pltpu.SemaphoreType.DMA,
        ],
    )
    def prop_kernel(h_hbm, src_hbm, dst_hbm, zeros_hbm, out_hbm,
                    src_v, dst_v, rows_v, agg_sh, gsem):
        c = lax.axis_index("c")
        s = lax.axis_index("s")
        wid = c * NS + s

        pltpu.sync_copy(zeros_hbm.at[pl.ds(s * ept, ept)],
                        agg_sh.at[pl.ds(s * ept, ept)])

        hc = chunks // 2
        npairs = hc // 2
        for half in range(2):
            pltpu.sync_copy(src_hbm.at[wid, pl.ds(half * hc, hc)], src_v)
            pltpu.sync_copy(dst_hbm.at[wid, pl.ds(half * hc, hc)], dst_v)
            if half == 0:
                plsc.subcore_barrier()
            def gather(j, b):
                pltpu.async_copy(h_hbm.at[src_v.at[j]], rows_v.at[b], gsem)

            def wait_gather(b):
                pltpu.make_async_copy(h_hbm.at[src_v.at[0]],
                                      rows_v.at[b], gsem).wait()

            gather(0, 0)

            def body(jj, carry):
                j0 = 2 * jj
                gather(j0 + 1, 1)
                wait_gather(0)
                pltpu.sync_copy(rows_v.at[0], agg_sh.at[dst_v.at[j0]], add=True)

                @pl.when(jj + 1 < npairs)
                def _():
                    gather(j0 + 2, 0)

                wait_gather(1)
                pltpu.sync_copy(rows_v.at[1], agg_sh.at[dst_v.at[j0 + 1]],
                                add=True)
                return carry

            lax.fori_loop(0, npairs, body, 0)
        plsc.subcore_barrier()
        pltpu.sync_copy(agg_sh.at[pl.ds(s * ept, ept)],
                        out_hbm.at[c, pl.ds(s * ept, ept)])

    return prop_kernel


def _dinv(d0_ref, d1_ref, n):
    d = d0_ref[...] + d1_ref[...] + 1.0
    return lax.rsqrt(d)[:n]


@functools.lru_cache(maxsize=None)
def _make_tc_in(n, d_in, d_hid):

    def body(x_ref, w_ref, d0_ref, d1_ref, out_ref):
        dinv = _dinv(d0_ref, d1_ref, n)
        h = jnp.dot(x_ref[...], w_ref[...], preferred_element_type=jnp.float32)
        out_ref[...] = h * dinv

    return pl.pallas_call(
        body, out_shape=jax.ShapeDtypeStruct((n, d_hid), jnp.float32))


@functools.lru_cache(maxsize=None)
def _make_tc_mid(n, n_pad, d, d_next):

    def body(p_ref, hp_ref, d0_ref, d1_ref, b_ref, g_ref, be_ref, w_ref, out_ref):
        dinv = _dinv(d0_ref, d1_ref, n)
        a = (p_ref[0, :n] + p_ref[1, :n] + hp_ref[...]) * dinv + b_ref[...]
        mu = jnp.mean(a, axis=0, keepdims=True)
        var = jnp.mean((a - mu) * (a - mu), axis=0, keepdims=True)
        y = (a - mu) * lax.rsqrt(var + 1e-5) * g_ref[...] + be_ref[...]
        y = jnp.maximum(y, 0.0)
        h = jnp.dot(y, w_ref[...], preferred_element_type=jnp.float32)
        out_ref[...] = h * dinv

    return pl.pallas_call(
        body, out_shape=jax.ShapeDtypeStruct((n, d_next), jnp.float32))


@functools.lru_cache(maxsize=None)
def _make_tc_mid_now(n, n_pad, d):

    def body(p_ref, hp_ref, d0_ref, d1_ref, b_ref, g_ref, be_ref, out_ref):
        dinv = _dinv(d0_ref, d1_ref, n)
        a = (p_ref[0, :n] + p_ref[1, :n] + hp_ref[...]) * dinv + b_ref[...]
        mu = jnp.mean(a, axis=0, keepdims=True)
        var = jnp.mean((a - mu) * (a - mu), axis=0, keepdims=True)
        y = (a - mu) * lax.rsqrt(var + 1e-5) * g_ref[...] + be_ref[...]
        y = jnp.maximum(y, 0.0)
        out_ref[...] = y * dinv

    return pl.pallas_call(
        body, out_shape=jax.ShapeDtypeStruct((n, d), jnp.float32))


@functools.lru_cache(maxsize=None)
def _make_tc_out(n, n_pad, d, d_out):

    def body(p_ref, hp_ref, d0_ref, d1_ref, w_ref, b_ref, out_ref):
        dinv = _dinv(d0_ref, d1_ref, n)
        agg = (p_ref[0, :n] + p_ref[1, :n] + hp_ref[...]) * dinv
        a = jnp.dot(agg, w_ref[...], preferred_element_type=jnp.float32)
        a = a + b_ref[...]
        m = jnp.max(a, axis=-1, keepdims=True)
        e = jnp.exp(a - m)
        lse = jnp.log(jnp.sum(e, axis=-1, keepdims=True))
        out_ref[...] = a - m - lse

    return pl.pallas_call(
        body, out_shape=jax.ShapeDtypeStruct((n, d_out), jnp.float32))


def kernel(x, edge_index, W1, b1, g1, be1, W2, b2, g2, be2, W3, b3):
    n, d_in = x.shape
    e = edge_index.shape[1]
    d_hid = W1.shape[1]
    d_out = W3.shape[1]

    n_pad = ((n + 256) // 256) * 256
    epw = NC * NS * K * 4
    e_pad = ((e + epw - 1) // epw) * epw
    chunks = e_pad // (NC * NS * K)
    pad = e_pad - e

    pad_idx = jnp.arange(pad, dtype=jnp.int32)
    src = jnp.concatenate([edge_index[0], pad_idx % n])
    dst = jnp.concatenate([edge_index[1], n + pad_idx % (n_pad - n)])
    src3 = src.reshape(NC * NS, chunks, K)
    dst3 = dst.reshape(NC * NS, chunks, K)

    zeros1 = jnp.zeros((n_pad,), jnp.float32)
    ones_k = jnp.ones((K,), jnp.float32)
    zeros_h = jnp.zeros((n_pad, d_hid), jnp.float32)

    deg_flat = _make_deg(n_pad, chunks)(dst3, ones_k, zeros1)
    deg0 = deg_flat[:n_pad].reshape(n_pad, 1)
    deg1 = deg_flat[n_pad:].reshape(n_pad, 1)

    h1p = _make_tc_in(n, d_in, d_hid)(x, W1, deg0, deg1)
    p1 = _make_prop(n_pad, d_hid, chunks)(h1p, src3, dst3, zeros_h)
    h2p = _make_tc_mid(n, n_pad, d_hid, d_hid)(p1, h1p, deg0, deg1, b1, g1, be1, W2)
    p2 = _make_prop(n_pad, d_hid, chunks)(h2p, src3, dst3, zeros_h)
    y2p = _make_tc_mid_now(n, n_pad, d_hid)(p2, h2p, deg0, deg1, b2, g2, be2)
    p3 = _make_prop(n_pad, d_hid, chunks)(y2p, src3, dst3, zeros_h)
    return _make_tc_out(n, n_pad, d_hid, d_out)(p3, y2p, deg0, deg1, W3, b3)

# --- scband reference (transcript-rebuilt; emitter-appended) ---
"""Pipeline reference for scband-gcn-80977313399687 (READ-ONLY COPY).

The authoritative reference and input builder live on the scoring server;
editing this copy changes nothing except your own understanding.
"""

import jax, jax.numpy as jnp
import numpy as np

N = 10000
E = 320000
D_IN = 128
D_HID = 128
D_OUT = 40


def setup_inputs(seed: int = 0) -> dict:
    key = jax.random.key(seed)
    ks = jax.random.split(key, 16)
    x = jax.random.normal(ks[0], (N, D_IN), dtype=jnp.float32)
    edge_index = jax.random.randint(ks[1], (2, E), 0, N, dtype=jnp.int32)
    W1 = jax.random.normal(ks[2], (D_IN, D_HID), dtype=jnp.float32) * 0.05
    b1 = jnp.zeros((D_HID,), dtype=jnp.float32)
    g1 = jnp.ones((D_HID,), dtype=jnp.float32)
    be1 = jnp.zeros((D_HID,), dtype=jnp.float32)
    W2 = jax.random.normal(ks[3], (D_HID, D_HID), dtype=jnp.float32) * 0.05
    b2 = jnp.zeros((D_HID,), dtype=jnp.float32)
    g2 = jnp.ones((D_HID,), dtype=jnp.float32)
    be2 = jnp.zeros((D_HID,), dtype=jnp.float32)
    W3 = jax.random.normal(ks[4], (D_HID, D_OUT), dtype=jnp.float32) * 0.05
    b3 = jnp.zeros((D_OUT,), dtype=jnp.float32)
    return {"x": x, "edge_index": edge_index, "W1": W1, "b1": b1, "g1": g1, "be1": be1,
            "W2": W2, "b2": b2, "g2": g2, "be2": be2, "W3": W3, "b3": b3}


def _gcn_norm(edge_index, n, dtype):
    loop = jnp.arange(n, dtype=edge_index.dtype)
    src = jnp.concatenate([edge_index[0], loop])
    dst = jnp.concatenate([edge_index[1], loop])
    deg = jnp.zeros((n,), dtype=dtype).at[dst].add(1.0)
    dinv = jnp.where(deg > 0, 1.0 / jnp.sqrt(deg), 0.0)
    w = dinv[src] * dinv[dst]
    return src, dst, w


def _gcn_conv(x, src, dst, w, W, b):
    # GCNConv: linear transform, then symmetric-normalized propagation, then bias
    h = x @ W
    m = h[src] * w[:, None]
    agg = jnp.zeros_like(h).at[dst].add(m)
    return agg + b


def _batch_norm(x, g, b):
    mu = jnp.mean(x, axis=0)
    var = jnp.var(x, axis=0)
    return (x - mu) / jnp.sqrt(var + 1e-5) * g + b


def reference(x, edge_index, W1, b1, g1, be1, W2, b2, g2, be2, W3, b3):
    n = x.shape[0]
    src, dst, w = _gcn_norm(edge_index, n, x.dtype)
    h = _gcn_conv(x, src, dst, w, W1, b1)
    h = _batch_norm(h, g1, be1)
    h = jax.nn.relu(h)
    h = _gcn_conv(h, src, dst, w, W2, b2)
    h = _batch_norm(h, g2, be2)
    h = jax.nn.relu(h)
    h = _gcn_conv(h, src, dst, w, W3, b3)
    return jax.nn.log_softmax(h, axis=-1)

if __name__ == "__main__":
    import jax
    _d = setup_inputs()
    print(jax.jit(kernel)(*tuple(_d.values())))

</pallas_src>

<mosaic_0001>
#map = affine_map<(d0, d1) -> (0, 0)>
#map1 = affine_map<(d0, d1) -> (0, 0, 0)>
module attributes {stable_mosaic.version = 14 : i64} {
  func.func @prop_kernel(%arg0: i32, %arg1: i32, %arg2: memref<10000x128xf32, #tpu.memory_space<hbm>>, %arg3: memref<32x80x128xi32, #tpu.memory_space<hbm>>, %arg4: memref<32x80x128xi32, #tpu.memory_space<hbm>>, %arg5: memref<10240x128xf32, #tpu.memory_space<hbm>>, %arg6: memref<2x10240x128xf32, #tpu.memory_space<hbm>>, %arg7: memref<40x128xi32, #tpu.memory_space<vmem>>, %arg8: memref<40x128xi32, #tpu.memory_space<vmem>>, %arg9: memref<2x128x128xf32, #tpu.memory_space<vmem>>, %arg10: memref<10240x128xf32, #tpu.memory_space<vmem_shared>>, %arg11: memref<!tpu.dma_semaphore, #tpu.memory_space<semaphore_mem>>) attributes {dimension_semantics = [#tpu.dimension_semantics<core_parallel>, #tpu.dimension_semantics<subcore_parallel>], iteration_bounds = array<i64: 2, 16>, scalar_prefetch = 0 : i64, scratch_operands = 5 : i64, tpu.core_type = #tpu.core_type<sc_vector_subcore>, window_params = [{transform_indices = #map}, {transform_indices = #map1}, {transform_indices = #map1}, {transform_indices = #map}, {transform_indices = #map1}]} {
    %mul3A = arith.constant 16 : i32
    %mul3A_0 = arith.muli %arg0, %mul3A : i32
    %add3A = arith.addi %mul3A_0, %arg1 : i32
    %mul3A_1 = arith.constant 640 : i32
    %mul3A_2 = arith.muli %arg1, %mul3A_1 : i32
    %mul3A_3 = arith.constant 640 : i32
    %mul3A_4 = arith.muli %arg1, %mul3A_3 : i32
    "tpu.region"() ({
      %run_scoped3A = tpu.sem_alloc : memref<!tpu.dma_semaphore, #tpu.memory_space<semaphore_mem>>
      %dma_start3A_44 = arith.constant 0 : i32
      %dma_start3A_45 = tpu.memref_slice %arg10[%mul3A_4, %dma_start3A_44] : memref<10240x128xf32, #tpu.memory_space<vmem_shared>> -> memref<640x128xf32, #tpu.memory_space<vmem_shared>>
      %dma_start3A_46 = arith.constant 0 : i32
      %dma_start3A_47 = tpu.memref_slice %arg5[%mul3A_2, %dma_start3A_46] : memref<10240x128xf32, #tpu.memory_space<hbm>> -> memref<640x128xf32, #tpu.memory_space<hbm>>
      tpu.enqueue_dma source(%dma_start3A_47 : memref<640x128xf32, #tpu.memory_space<hbm>>) target(%dma_start3A_45 : memref<640x128xf32, #tpu.memory_space<vmem_shared>>) target_semaphore(%run_scoped3A : memref<!tpu.dma_semaphore, #tpu.memory_space<semaphore_mem>>)
      %dma_wait3A = arith.constant 0 : i32
      %dma_wait3A_48 = tpu.memref_slice %arg10[%mul3A_4, %dma_wait3A] : memref<10240x128xf32, #tpu.memory_space<vmem_shared>> -> memref<640x128xf32, #tpu.memory_space<vmem_shared>>
      %dma_wait3A_49 = arith.constant 0 : i32
      %dma_wait3A_50 = tpu.memref_slice %arg5[%mul3A_2, %dma_wait3A_49] : memref<10240x128xf32, #tpu.memory_space<hbm>> -> memref<640x128xf32, #tpu.memory_space<hbm>>
      tpu.wait_dma2 semaphore(%run_scoped3A : memref<!tpu.dma_semaphore, #tpu.memory_space<semaphore_mem>>) src(%dma_wait3A_50 : memref<640x128xf32, #tpu.memory_space<hbm>>) dst(%dma_wait3A_48 : memref<640x128xf32, #tpu.memory_space<vmem_shared>>)
      tpu.yield
    }) : () -> ()
    "tpu.region"() ({
      %run_scoped3A = tpu.sem_alloc : memref<!tpu.dma_semaphore, #tpu.memory_space<semaphore_mem>>
      %dma_start3A_44 = arith.constant 0 : i32
      %dma_start3A_45 = arith.constant 0 : i32
      %dma_start3A_46 = tpu.memref_slice %arg3[%add3A, %dma_start3A_44, %dma_start3A_45] : memref<32x80x128xi32, #tpu.memory_space<hbm>> -> memref<1x40x128xi32, #tpu.memory_space<hbm>>
      %dma_start3A_47 = tpu.memref_squeeze %dma_start3A_46 : memref<1x40x128xi32, #tpu.memory_space<hbm>> -> memref<40x128xi32, #tpu.memory_space<hbm>>
      %dma_start3A_48 = arith.constant 0 : i32
      %dma_start3A_49 = arith.constant 0 : i32
      %dma_start3A_50 = tpu.memref_slice %arg3[%add3A, %dma_start3A_48, %dma_start3A_49] : memref<32x80x128xi32, #tpu.memory_space<hbm>> -> memref<1x40x128xi32, #tpu.memory_space<hbm>>
      %dma_start3A_51 = tpu.memref_squeeze %dma_start3A_50 : memref<1x40x128xi32, #tpu.memory_space<hbm>> -> memref<40x128xi32, #tpu.memory_space<hbm>>
      tpu.enqueue_dma source(%dma_start3A_51 : memref<40x128xi32, #tpu.memory_space<hbm>>) target(%arg7 : memref<40x128xi32, #tpu.memory_space<vmem>>) target_semaphore(%run_scoped3A : memref<!tpu.dma_semaphore, #tpu.memory_space<semaphore_mem>>)
      %dma_wait3A = arith.constant 0 : i32
      %dma_wait3A_52 = arith.constant 0 : i32
      %dma_wait3A_53 = tpu.memref_slice %arg3[%add3A, %dma_wait3A, %dma_wait3A_52] : memref<32x80x128xi32, #tpu.memory_space<hbm>> -> memref<1x40x128xi32, #tpu.memory_space<hbm>>
      %dma_wait3A_54 = tpu.memref_squeeze %dma_wait3A_53 : memref<1x40x128xi32, #tpu.memory_space<hbm>> -> memref<40x128xi32, #tpu.memory_space<hbm>>
      %dma_wait3A_55 = arith.constant 0 : i32
      %dma_wait3A_56 = arith.constant 0 : i32
      %dma_wait3A_57 = tpu.memref_slice %arg3[%add3A, %dma_wait3A_55, %dma_wait3A_56] : memref<32x80x128xi32, #tpu.memory_space<hbm>> -> memref<1x40x128xi32, #tpu.memory_space<hbm>>
      %dma_wait3A_58 = tpu.memref_squeeze %dma_wait3A_57 : memref<1x40x128xi32, #tpu.memory_space<hbm>> -> memref<40x128xi32, #tpu.memory_space<hbm>>
      tpu.wait_dma2 semaphore(%run_scoped3A : memref<!tpu.dma_semaphore, #tpu.memory_space<semaphore_mem>>) src(%dma_wait3A_58 : memref<40x128xi32, #tpu.memory_space<hbm>>) dst(%arg7 : memref<40x128xi32, #tpu.memory_space<vmem>>)
      tpu.yield
    }) : () -> ()
    "tpu.region"() ({
      %run_scoped3A = tpu.sem_alloc : memref<!tpu.dma_semaphore, #tpu.memory_space<semaphore_mem>>
      %dma_start3A_44 = arith.constant 0 : i32
      %dma_start3A_45 = arith.constant 0 : i32
      %dma_start3A_46 = tpu.memref_slice %arg4[%add3A, %dma_start3A_44, %dma_start3A_45] : memref<32x80x128xi32, #tpu.memory_space<hbm>> -> memref<1x40x128xi32, #tpu.memory_space<hbm>>
      %dma_start3A_47 = tpu.memref_squeeze %dma_start3A_46 : memref<1x40x128xi32, #tpu.memory_space<hbm>> -> memref<40x128xi32, #tpu.memory_space<hbm>>
      %dma_start3A_48 = arith.constant 0 : i32
      %dma_start3A_49 = arith.constant 0 : i32
      %dma_start3A_50 = tpu.memref_slice %arg4[%add3A, %dma_start3A_48, %dma_start3A_49] : memref<32x80x128xi32, #tpu.memory_space<hbm>> -> memref<1x40x128xi32, #tpu.memory_space<hbm>>
      %dma_start3A_51 = tpu.memref_squeeze %dma_start3A_50 : memref<1x40x128xi32, #tpu.memory_space<hbm>> -> memref<40x128xi32, #tpu.memory_space<hbm>>
      tpu.enqueue_dma source(%dma_start3A_51 : memref<40x128xi32, #tpu.memory_space<hbm>>) target(%arg8 : memref<40x128xi32, #tpu.memory_space<vmem>>) target_semaphore(%run_scoped3A : memref<!tpu.dma_semaphore, #tpu.memory_space<semaphore_mem>>)
      %dma_wait3A = arith.constant 0 : i32
      %dma_wait3A_52 = arith.constant 0 : i32
      %dma_wait3A_53 = tpu.memref_slice %arg4[%add3A, %dma_wait3A, %dma_wait3A_52] : memref<32x80x128xi32, #tpu.memory_space<hbm>> -> memref<1x40x128xi32, #tpu.memory_space<hbm>>
      %dma_wait3A_54 = tpu.memref_squeeze %dma_wait3A_53 : memref<1x40x128xi32, #tpu.memory_space<hbm>> -> memref<40x128xi32, #tpu.memory_space<hbm>>
      %dma_wait3A_55 = arith.constant 0 : i32
      %dma_wait3A_56 = arith.constant 0 : i32
      %dma_wait3A_57 = tpu.memref_slice %arg4[%add3A, %dma_wait3A_55, %dma_wait3A_56] : memref<32x80x128xi32, #tpu.memory_space<hbm>> -> memref<1x40x128xi32, #tpu.memory_space<hbm>>
      %dma_wait3A_58 = tpu.memref_squeeze %dma_wait3A_57 : memref<1x40x128xi32, #tpu.memory_space<hbm>> -> memref<40x128xi32, #tpu.memory_space<hbm>>
      tpu.wait_dma2 semaphore(%run_scoped3A : memref<!tpu.dma_semaphore, #tpu.memory_space<semaphore_mem>>) src(%dma_wait3A_58 : memref<40x128xi32, #tpu.memory_space<hbm>>) dst(%arg8 : memref<40x128xi32, #tpu.memory_space<vmem>>)
      tpu.yield
    }) : () -> ()
    %barrier3A = arith.constant 0 : index
    tpu.barrier barrier_id(%barrier3A)
    %dma_start3A = arith.constant 0 : i32
    %dma_start3A_5 = arith.constant 0 : i32
    %dma_start3A_6 = arith.constant 0 : i32
    %dma_start3A_7 = arith.constant 0 : i32
    %dma_start3A_8 = tpu.memref_slice %arg9[%dma_start3A_5, %dma_start3A_6, %dma_start3A_7] : memref<2x128x128xf32, #tpu.memory_space<vmem>> -> memref<1x128x128xf32, #tpu.memory_space<vmem>>
    %dma_start3A_9 = tpu.memref_squeeze %dma_start3A_8 : memref<1x128x128xf32, #tpu.memory_space<vmem>> -> memref<128x128xf32, #tpu.memory_space<vmem>>
    %dma_start3A_10 = arith.constant 0 : i32
    %dma_start3A_11 = tpu.memref_slice %arg7[%dma_start3A, %dma_start3A_10] : memref<40x128xi32, #tpu.memory_space<vmem>> -> memref<1x128xi32, #tpu.memory_space<vmem>>
    %dma_start3A_12 = tpu.memref_squeeze %dma_start3A_11 : memref<1x128xi32, #tpu.memory_space<vmem>> -> memref<128xi32, #tpu.memory_space<vmem>>
    %dma_start3A_13 = arith.constant 0 : i32
    %dma_start3A_14 = arith.constant 0 : i32
    %dma_start3A_15 = tpu.memref_slice %arg2[%dma_start3A_13, %dma_start3A_14] : memref<10000x128xf32, #tpu.memory_space<hbm>> -> memref<10000x128xf32, #tpu.memory_space<hbm>>
    tpu.enqueue_indirect_dma source(%dma_start3A_15 : memref<10000x128xf32, #tpu.memory_space<hbm>>) target(%dma_start3A_9 : memref<128x128xf32, #tpu.memory_space<vmem>>) offsets(%dma_start3A_12 : memref<128xi32, #tpu.memory_space<vmem>>) semaphore(%arg11 : memref<!tpu.dma_semaphore, #tpu.memory_space<semaphore_mem>>)
    %scan3A = arith.constant 0 : i32
    %scan3A_16 = arith.constant 0 : i32
    %scan3A_17 = arith.constant 20 : i32
    %scan3A_18 = arith.addi %scan3A_16, %scan3A_17 : i32
    %scan3A_19 = arith.constant 1 : i32
    scf.for %scan3A_44 = %scan3A_16 to %scan3A_18 step %scan3A_19  : i32 {
      %mul3A_45 = arith.constant 2 : i32
      %mul3A_46 = arith.muli %mul3A_45, %scan3A_44 : i32
      %add3A_47 = arith.constant 1 : i32
      %add3A_48 = arith.addi %mul3A_46, %add3A_47 : i32
      %dma_start3A_49 = arith.constant 1 : i32
      %dma_start3A_50 = arith.constant 0 : i32
      %dma_start3A_51 = arith.constant 0 : i32
      %dma_start3A_52 = tpu.memref_slice %arg9[%dma_start3A_49, %dma_start3A_50, %dma_start3A_51] : memref<2x128x128xf32, #tpu.memory_space<vmem>> -> memref<1x128x128xf32, #tpu.memory_space<vmem>>
      %dma_start3A_53 = tpu.memref_squeeze %dma_start3A_52 : memref<1x128x128xf32, #tpu.memory_space<vmem>> -> memref<128x128xf32, #tpu.memory_space<vmem>>
      %dma_start3A_54 = arith.constant 0 : i32
      %dma_start3A_55 = tpu.memref_slice %arg7[%add3A_48, %dma_start3A_54] : memref<40x128xi32, #tpu.memory_space<vmem>> -> memref<1x128xi32, #tpu.memory_space<vmem>>
      %dma_start3A_56 = tpu.memref_squeeze %dma_start3A_55 : memref<1x128xi32, #tpu.memory_space<vmem>> -> memref<128xi32, #tpu.memory_space<vmem>>
      %dma_start3A_57 = arith.constant 0 : i32
      %dma_start3A_58 = arith.constant 0 : i32
      %dma_start3A_59 = tpu.memref_slice %arg2[%dma_start3A_57, %dma_start3A_58] : memref<10000x128xf32, #tpu.memory_space<hbm>> -> memref<10000x128xf32, #tpu.memory_space<hbm>>
      tpu.enqueue_indirect_dma source(%dma_start3A_59 : memref<10000x128xf32, #tpu.memory_space<hbm>>) target(%dma_start3A_53 : memref<128x128xf32, #tpu.memory_space<vmem>>) offsets(%dma_start3A_56 : memref<128xi32, #tpu.memory_space<vmem>>) semaphore(%arg11 : memref<!tpu.dma_semaphore, #tpu.memory_space<semaphore_mem>>)
      %dma_wait3A = arith.constant 0 : i32
      %dma_wait3A_60 = arith.constant 0 : i32
      %dma_wait3A_61 = arith.constant 0 : i32
      %dma_wait3A_62 = arith.constant 0 : i32
      %dma_wait3A_63 = tpu.memref_slice %arg9[%dma_wait3A_60, %dma_wait3A_61, %dma_wait3A_62] : memref<2x128x128xf32, #tpu.memory_space<vmem>> -> memref<1x128x128xf32, #tpu.memory_space<vmem>>
      %dma_wait3A_64 = tpu.memref_squeeze %dma_wait3A_63 : memref<1x128x128xf32, #tpu.memory_space<vmem>> -> memref<128x128xf32, #tpu.memory_space<vmem>>
      %dma_wait3A_65 = arith.constant 0 : i32
      %dma_wait3A_66 = tpu.memref_slice %arg7[%dma_wait3A, %dma_wait3A_65] : memref<40x128xi32, #tpu.memory_space<vmem>> -> memref<1x128xi32, #tpu.memory_space<vmem>>
      %dma_wait3A_67 = tpu.memref_squeeze %dma_wait3A_66 : memref<1x128xi32, #tpu.memory_space<vmem>> -> memref<128xi32, #tpu.memory_space<vmem>>
      %dma_wait3A_68 = arith.constant 0 : i32
      %dma_wait3A_69 = arith.constant 0 : i32
      %dma_wait3A_70 = tpu.memref_slice %arg2[%dma_wait3A_68, %dma_wait3A_69] : memref<10000x128xf32, #tpu.memory_space<hbm>> -> memref<10000x128xf32, #tpu.memory_space<hbm>>
      tpu.wait_indirect_dma semaphore(%arg11 : memref<!tpu.dma_semaphore, #tpu.memory_space<semaphore_mem>>) src(%dma_wait3A_70 : memref<10000x128xf32, #tpu.memory_space<hbm>>) dst(%dma_wait3A_64 : memref<128x128xf32, #tpu.memory_space<vmem>>)
      %run_scoped3A = arith.constant 0 : i32
      "tpu.region"() ({
        %run_scoped3A_90 = tpu.sem_alloc : memref<!tpu.dma_semaphore, #tpu.memory_space<semaphore_mem>>
        %dma_start3A_91 = arith.constant 0 : i32
        %dma_start3A_92 = arith.constant 0 : i32
        %dma_start3A_93 = tpu.memref_slice %arg9[%run_scoped3A, %dma_start3A_91, %dma_start3A_92] : memref<2x128x128xf32, #tpu.memory_space<vmem>> -> memref<1x128x128xf32, #tpu.memory_space<vmem>>
        %dma_start3A_94 = tpu.memref_squeeze %dma_start3A_93 : memref<1x128x128xf32, #tpu.memory_space<vmem>> -> memref<128x128xf32, #tpu.memory_space<vmem>>
        %dma_start3A_95 = arith.constant 0 : i32
        %dma_start3A_96 = tpu.memref_slice %arg8[%mul3A_46, %dma_start3A_95] : memref<40x128xi32, #tpu.memory_space<vmem>> -> memref<1x128xi32, #tpu.memory_space<vmem>>
        %dma_start3A_97 = tpu.memref_squeeze %dma_start3A_96 : memref<1x128xi32, #tpu.memory_space<vmem>> -> memref<128xi32, #tpu.memory_space<vmem>>
        %dma_start3A_98 = arith.constant 0 : i32
        %dma_start3A_99 = arith.constant 0 : i32
        %dma_start3A_100 = tpu.memref_slice %arg10[%dma_start3A_98, %dma_start3A_99] : memref<10240x128xf32, #tpu.memory_space<vmem_shared>> -> memref<10240x128xf32, #tpu.memory_space<vmem_shared>>
        tpu.enqueue_indirect_dma source(%dma_start3A_94 : memref<128x128xf32, #tpu.memory_space<vmem>>) target(%dma_start3A_100 : memref<10240x128xf32, #tpu.memory_space<vmem_shared>>) offsets(%dma_start3A_97 : memref<128xi32, #tpu.memory_space<vmem>>) semaphore(%run_scoped3A_90 : memref<!tpu.dma_semaphore, #tpu.memory_space<semaphore_mem>>) {add = true}
        %dma_wait3A_101 = arith.constant 0 : i32
        %dma_wait3A_102 = arith.constant 0 : i32
        %dma_wait3A_103 = tpu.memref_slice %arg9[%run_scoped3A, %dma_wait3A_101, %dma_wait3A_102] : memref<2x128x128xf32, #tpu.memory_space<vmem>> -> memref<1x128x128xf32, #tpu.memory_space<vmem>>
        %dma_wait3A_104 = tpu.memref_squeeze %dma_wait3A_103 : memref<1x128x128xf32, #tpu.memory_space<vmem>> -> memref<128x128xf32, #tpu.memory_space<vmem>>
        %dma_wait3A_105 = arith.constant 0 : i32
        %dma_wait3A_106 = tpu.memref_slice %arg8[%mul3A_46, %dma_wait3A_105] : memref<40x128xi32, #tpu.memory_space<vmem>> -> memref<1x128xi32, #tpu.memory_space<vmem>>
        %dma_wait3A_107 = tpu.memref_squeeze %dma_wait3A_106 : memref<1x128xi32, #tpu.memory_space<vmem>> -> memref<128xi32, #tpu.memory_space<vmem>>
        %dma_wait3A_108 = arith.constant 0 : i32
        %dma_wait3A_109 = arith.constant 0 : i32
        %dma_wait3A_110 = tpu.memref_slice %arg10[%dma_wait3A_108, %dma_wait3A_109] : memref<10240x128xf32, #tpu.memory_space<vmem_shared>> -> memref<10240x128xf32, #tpu.memory_space<vmem_shared>>
        tpu.wait_indirect_dma semaphore(%run_scoped3A_90 : memref<!tpu.dma_semaphore, #tpu.memory_space<semaphore_mem>>) src(%dma_wait3A_104 : memref<128x128xf32, #tpu.memory_space<vmem>>) dst(%dma_wait3A_110 : memref<10240x128xf32, #tpu.memory_space<vmem_shared>>)
        tpu.yield
      }) : () -> ()
      %add3A_71 = arith.constant 1 : i32
      %add3A_72 = arith.addi %scan3A_44, %add3A_71 : i32
      %lt3A = arith.constant 20 : i32
      %lt3A_73 = arith.cmpi slt, %add3A_72, %lt3A : i32
      %convert_element_type3A = arith.extui %lt3A_73 : i1 to i32
      %cond3A = arith.constant 0 : i32
      %cond3A_74 = arith.cmpi ne, %convert_element_type3A, %cond3A : i32
      scf.if %cond3A_74 {
        %add3A_90 = arith.constant 2 : i32
        %add3A_91 = arith.addi %mul3A_46, %add3A_90 : i32
        %dma_start3A_92 = arith.constant 0 : i32
        %dma_start3A_93 = arith.constant 0 : i32
        %dma_start3A_94 = arith.constant 0 : i32
        %dma_start3A_95 = tpu.memref_slice %arg9[%dma_start3A_92, %dma_start3A_93, %dma_start3A_94] : memref<2x128x128xf32, #tpu.memory_space<vmem>> -> memref<1x128x128xf32, #tpu.memory_space<vmem>>
        %dma_start3A_96 = tpu.memref_squeeze %dma_start3A_95 : memref<1x128x128xf32, #tpu.memory_space<vmem>> -> memref<128x128xf32, #tpu.memory_space<vmem>>
        %dma_start3A_97 = arith.constant 0 : i32
        %dma_start3A_98 = tpu.memref_slice %arg7[%add3A_91, %dma_start3A_97] : memref<40x128xi32, #tpu.memory_space<vmem>> -> memref<1x128xi32, #tpu.memory_space<vmem>>
        %dma_start3A_99 = tpu.memref_squeeze %dma_start3A_98 : memref<1x128xi32, #tpu.memory_space<vmem>> -> memref<128xi32, #tpu.memory_space<vmem>>
        %dma_start3A_100 = arith.constant 0 : i32
        %dma_start3A_101 = arith.constant 0 : i32
        %dma_start3A_102 = tpu.memref_slice %arg2[%dma_start3A_100, %dma_start3A_101] : memref<10000x128xf32, #tpu.memory_space<hbm>> -> memref<10000x128xf32, #tpu.memory_space<hbm>>
        tpu.enqueue_indirect_dma source(%dma_start3A_102 : memref<10000x128xf32, #tpu.memory_space<hbm>>) target(%dma_start3A_96 : memref<128x128xf32, #tpu.memory_space<vmem>>) offsets(%dma_start3A_99 : memref<128xi32, #tpu.memory_space<vmem>>) semaphore(%arg11 : memref<!tpu.dma_semaphore, #tpu.memory_space<semaphore_mem>>)
      } else {
      }
      %dma_wait3A_75 = arith.constant 0 : i32
      %dma_wait3A_76 = arith.constant 1 : i32
      %dma_wait3A_77 = arith.constant 0 : i32
      %dma_wait3A_78 = arith.constant 0 : i32
      %dma_wait3A_79 = tpu.memref_slice %arg9[%dma_wait3A_76, %dma_wait3A_77, %dma_wait3A_78] : memref<2x128x128xf32, #tpu.memory_space<vmem>> -> memref<1x128x128xf32, #tpu.memory_space<vmem>>
      %dma_wait3A_80 = tpu.memref_squeeze %dma_wait3A_79 : memref<1x128x128xf32, #tpu.memory_space<vmem>> -> memref<128x128xf32, #tpu.memory_space<vmem>>
      %dma_wait3A_81 = arith.constant 0 : i32
      %dma_wait3A_82 = tpu.memref_slice %arg7[%dma_wait3A_75, %dma_wait3A_81] : memref<40x128xi32, #tpu.memory_space<vmem>> -> memref<1x128xi32, #tpu.memory_space<vmem>>
      %dma_wait3A_83 = tpu.memref_squeeze %dma_wait3A_82 : memref<1x128xi32, #tpu.memory_space<vmem>> -> memref<128xi32, #tpu.memory_space<vmem>>
      %dma_wait3A_84 = arith.constant 0 : i32
      %dma_wait3A_85 = arith.constant 0 : i32
      %dma_wait3A_86 = tpu.memref_slice %arg2[%dma_wait3A_84, %dma_wait3A_85] : memref<10000x128xf32, #tpu.memory_space<hbm>> -> memref<10000x128xf32, #tpu.memory_space<hbm>>
      tpu.wait_indirect_dma semaphore(%arg11 : memref<!tpu.dma_semaphore, #tpu.memory_space<semaphore_mem>>) src(%dma_wait3A_86 : memref<10000x128xf32, #tpu.memory_space<hbm>>) dst(%dma_wait3A_80 : memref<128x128xf32, #tpu.memory_space<vmem>>)
      %add3A_87 = arith.constant 1 : i32
      %add3A_88 = arith.addi %mul3A_46, %add3A_87 : i32
      %run_scoped3A_89 = arith.constant 1 : i32
      "tpu.region"() ({
        %run_scoped3A_90 = tpu.sem_alloc : memref<!tpu.dma_semaphore, #tpu.memory_space<semaphore_mem>>
        %dma_start3A_91 = arith.constant 0 : i32
        %dma_start3A_92 = arith.constant 0 : i32
        %dma_start3A_93 = tpu.memref_slice %arg9[%run_scoped3A_89, %dma_start3A_91, %dma_start3A_92] : memref<2x128x128xf32, #tpu.memory_space<vmem>> -> memref<1x128x128xf32, #tpu.memory_space<vmem>>
        %dma_start3A_94 = tpu.memref_squeeze %dma_start3A_93 : memref<1x128x128xf32, #tpu.memory_space<vmem>> -> memref<128x128xf32, #tpu.memory_space<vmem>>
        %dma_start3A_95 = arith.constant 0 : i32
        %dma_start3A_96 = tpu.memref_slice %arg8[%add3A_88, %dma_start3A_95] : memref<40x128xi32, #tpu.memory_space<vmem>> -> memref<1x128xi32, #tpu.memory_space<vmem>>
        %dma_start3A_97 = tpu.memref_squeeze %dma_start3A_96 : memref<1x128xi32, #tpu.memory_space<vmem>> -> memref<128xi32, #tpu.memory_space<vmem>>
        %dma_start3A_98 = arith.constant 0 : i32
        %dma_start3A_99 = arith.constant 0 : i32
        %dma_start3A_100 = tpu.memref_slice %arg10[%dma_start3A_98, %dma_start3A_99] : memref<10240x128xf32, #tpu.memory_space<vmem_shared>> -> memref<10240x128xf32, #tpu.memory_space<vmem_shared>>
        tpu.enqueue_indirect_dma source(%dma_start3A_94 : memref<128x128xf32, #tpu.memory_space<vmem>>) target(%dma_start3A_100 : memref<10240x128xf32, #tpu.memory_space<vmem_shared>>) offsets(%dma_start3A_97 : memref<128xi32, #tpu.memory_space<vmem>>) semaphore(%run_scoped3A_90 : memref<!tpu.dma_semaphore, #tpu.memory_space<semaphore_mem>>) {add = true}
        %dma_wait3A_101 = arith.constant 0 : i32
        %dma_wait3A_102 = arith.constant 0 : i32
        %dma_wait3A_103 = tpu.memref_slice %arg9[%run_scoped3A_89, %dma_wait3A_101, %dma_wait3A_102] : memref<2x128x128xf32, #tpu.memory_space<vmem>> -> memref<1x128x128xf32, #tpu.memory_space<vmem>>
        %dma_wait3A_104 = tpu.memref_squeeze %dma_wait3A_103 : memref<1x128x128xf32, #tpu.memory_space<vmem>> -> memref<128x128xf32, #tpu.memory_space<vmem>>
        %dma_wait3A_105 = arith.constant 0 : i32
        %dma_wait3A_106 = tpu.memref_slice %arg8[%add3A_88, %dma_wait3A_105] : memref<40x128xi32, #tpu.memory_space<vmem>> -> memref<1x128xi32, #tpu.memory_space<vmem>>
        %dma_wait3A_107 = tpu.memref_squeeze %dma_wait3A_106 : memref<1x128xi32, #tpu.memory_space<vmem>> -> memref<128xi32, #tpu.memory_space<vmem>>
        %dma_wait3A_108 = arith.constant 0 : i32
        %dma_wait3A_109 = arith.constant 0 : i32
        %dma_wait3A_110 = tpu.memref_slice %arg10[%dma_wait3A_108, %dma_wait3A_109] : memref<10240x128xf32, #tpu.memory_space<vmem_shared>> -> memref<10240x128xf32, #tpu.memory_space<vmem_shared>>
        tpu.wait_indirect_dma semaphore(%run_scoped3A_90 : memref<!tpu.dma_semaphore, #tpu.memory_space<semaphore_mem>>) src(%dma_wait3A_104 : memref<128x128xf32, #tpu.memory_space<vmem>>) dst(%dma_wait3A_110 : memref<10240x128xf32, #tpu.memory_space<vmem_shared>>)
        tpu.yield
      }) : () -> ()
    }
    %scan3A_20 = arith.constant 20 : i32
    "tpu.region"() ({
      %run_scoped3A = tpu.sem_alloc : memref<!tpu.dma_semaphore, #tpu.memory_space<semaphore_mem>>
      %dma_start3A_44 = arith.constant 40 : i32
      %dma_start3A_45 = arith.constant 0 : i32
      %dma_start3A_46 = tpu.memref_slice %arg3[%add3A, %dma_start3A_44, %dma_start3A_45] : memref<32x80x128xi32, #tpu.memory_space<hbm>> -> memref<1x40x128xi32, #tpu.memory_space<hbm>>
      %dma_start3A_47 = tpu.memref_squeeze %dma_start3A_46 : memref<1x40x128xi32, #tpu.memory_space<hbm>> -> memref<40x128xi32, #tpu.memory_space<hbm>>
      %dma_start3A_48 = arith.constant 40 : i32
      %dma_start3A_49 = arith.constant 0 : i32
      %dma_start3A_50 = tpu.memref_slice %arg3[%add3A, %dma_start3A_48, %dma_start3A_49] : memref<32x80x128xi32, #tpu.memory_space<hbm>> -> memref<1x40x128xi32, #tpu.memory_space<hbm>>
      %dma_start3A_51 = tpu.memref_squeeze %dma_start3A_50 : memref<1x40x128xi32, #tpu.memory_space<hbm>> -> memref<40x128xi32, #tpu.memory_space<hbm>>
      tpu.enqueue_dma source(%dma_start3A_51 : memref<40x128xi32, #tpu.memory_space<hbm>>) target(%arg7 : memref<40x128xi32, #tpu.memory_space<vmem>>) target_semaphore(%run_scoped3A : memref<!tpu.dma_semaphore, #tpu.memory_space<semaphore_mem>>)
      %dma_wait3A = arith.constant 40 : i32
      %dma_wait3A_52 = arith.constant 0 : i32
      %dma_wait3A_53 = tpu.memref_slice %arg3[%add3A, %dma_wait3A, %dma_wait3A_52] : memref<32x80x128xi32, #tpu.memory_space<hbm>> -> memref<1x40x128xi32, #tpu.memory_space<hbm>>
      %dma_wait3A_54 = tpu.memref_squeeze %dma_wait3A_53 : memref<1x40x128xi32, #tpu.memory_space<hbm>> -> memref<40x128xi32, #tpu.memory_space<hbm>>
      %dma_wait3A_55 = arith.constant 40 : i32
      %dma_wait3A_56 = arith.constant 0 : i32
      %dma_wait3A_57 = tpu.memref_slice %arg3[%add3A, %dma_wait3A_55, %dma_wait3A_56] : memref<32x80x128xi32, #tpu.memory_space<hbm>> -> memref<1x40x128xi32, #tpu.memory_space<hbm>>
      %dma_wait3A_58 = tpu.memref_squeeze %dma_wait3A_57 : memref<1x40x128xi32, #tpu.memory_space<hbm>> -> memref<40x128xi32, #tpu.memory_space<hbm>>
      tpu.wait_dma2 semaphore(%run_scoped3A : memref<!tpu.dma_semaphore, #tpu.memory_space<semaphore_mem>>) src(%dma_wait3A_58 : memref<40x128xi32, #tpu.memory_space<hbm>>) dst(%arg7 : memref<40x128xi32, #tpu.memory_space<vmem>>)
      tpu.yield
    }) : () -> ()
    "tpu.region"() ({
      %run_scoped3A = tpu.sem_alloc : memref<!tpu.dma_semaphore, #tpu.memory_space<semaphore_mem>>
      %dma_start3A_44 = arith.constant 40 : i32
      %dma_start3A_45 = arith.constant 0 : i32
      %dma_start3A_46 = tpu.memref_slice %arg4[%add3A, %dma_start3A_44, %dma_start3A_45] : memref<32x80x128xi32, #tpu.memory_space<hbm>> -> memref<1x40x128xi32, #tpu.memory_space<hbm>>
      %dma_start3A_47 = tpu.memref_squeeze %dma_start3A_46 : memref<1x40x128xi32, #tpu.memory_space<hbm>> -> memref<40x128xi32, #tpu.memory_space<hbm>>
      %dma_start3A_48 = arith.constant 40 : i32
      %dma_start3A_49 = arith.constant 0 : i32
      %dma_start3A_50 = tpu.memref_slice %arg4[%add3A, %dma_start3A_48, %dma_start3A_49] : memref<32x80x128xi32, #tpu.memory_space<hbm>> -> memref<1x40x128xi32, #tpu.memory_space<hbm>>
      %dma_start3A_51 = tpu.memref_squeeze %dma_start3A_50 : memref<1x40x128xi32, #tpu.memory_space<hbm>> -> memref<40x128xi32, #tpu.memory_space<hbm>>
      tpu.enqueue_dma source(%dma_start3A_51 : memref<40x128xi32, #tpu.memory_space<hbm>>) target(%arg8 : memref<40x128xi32, #tpu.memory_space<vmem>>) target_semaphore(%run_scoped3A : memref<!tpu.dma_semaphore, #tpu.memory_space<semaphore_mem>>)
      %dma_wait3A = arith.constant 40 : i32
      %dma_wait3A_52 = arith.constant 0 : i32
      %dma_wait3A_53 = tpu.memref_slice %arg4[%add3A, %dma_wait3A, %dma_wait3A_52] : memref<32x80x128xi32, #tpu.memory_space<hbm>> -> memref<1x40x128xi32, #tpu.memory_space<hbm>>
      %dma_wait3A_54 = tpu.memref_squeeze %dma_wait3A_53 : memref<1x40x128xi32, #tpu.memory_space<hbm>> -> memref<40x128xi32, #tpu.memory_space<hbm>>
      %dma_wait3A_55 = arith.constant 40 : i32
      %dma_wait3A_56 = arith.constant 0 : i32
      %dma_wait3A_57 = tpu.memref_slice %arg4[%add3A, %dma_wait3A_55, %dma_wait3A_56] : memref<32x80x128xi32, #tpu.memory_space<hbm>> -> memref<1x40x128xi32, #tpu.memory_space<hbm>>
      %dma_wait3A_58 = tpu.memref_squeeze %dma_wait3A_57 : memref<1x40x128xi32, #tpu.memory_space<hbm>> -> memref<40x128xi32, #tpu.memory_space<hbm>>
      tpu.wait_dma2 semaphore(%run_scoped3A : memref<!tpu.dma_semaphore, #tpu.memory_space<semaphore_mem>>) src(%dma_wait3A_58 : memref<40x128xi32, #tpu.memory_space<hbm>>) dst(%arg8 : memref<40x128xi32, #tpu.memory_space<vmem>>)
      tpu.yield
    }) : () -> ()
    %dma_start3A_21 = arith.constant 0 : i32
    %dma_start3A_22 = arith.constant 0 : i32
    %dma_start3A_23 = arith.constant 0 : i32
    %dma_start3A_24 = arith.constant 0 : i32
    %dma_start3A_25 = tpu.memref_slice %arg9[%dma_start3A_22, %dma_start3A_23, %dma_start3A_24] : memref<2x128x128xf32, #tpu.memory_space<vmem>> -> memref<1x128x128xf32, #tpu.memory_space<vmem>>
    %dma_start3A_26 = tpu.memref_squeeze %dma_start3A_25 : memref<1x128x128xf32, #tpu.memory_space<vmem>> -> memref<128x128xf32, #tpu.memory_space<vmem>>
    %dma_start3A_27 = arith.constant 0 : i32
    %dma_start3A_28 = tpu.memref_slice %arg7[%dma_start3A_21, %dma_start3A_27] : memref<40x128xi32, #tpu.memory_space<vmem>> -> memref<1x128xi32, #tpu.memory_space<vmem>>
    %dma_start3A_29 = tpu.memref_squeeze %dma_start3A_28 : memref<1x128xi32, #tpu.memory_space<vmem>> -> memref<128xi32, #tpu.memory_space<vmem>>
    %dma_start3A_30 = arith.constant 0 : i32
    %dma_start3A_31 = arith.constant 0 : i32
    %dma_start3A_32 = tpu.memref_slice %arg2[%dma_start3A_30, %dma_start3A_31] : memref<10000x128xf32, #tpu.memory_space<hbm>> -> memref<10000x128xf32, #tpu.memory_space<hbm>>
    tpu.enqueue_indirect_dma source(%dma_start3A_32 : memref<10000x128xf32, #tpu.memory_space<hbm>>) target(%dma_start3A_26 : memref<128x128xf32, #tpu.memory_space<vmem>>) offsets(%dma_start3A_29 : memref<128xi32, #tpu.memory_space<vmem>>) semaphore(%arg11 : memref<!tpu.dma_semaphore, #tpu.memory_space<semaphore_mem>>)
    %scan3A_33 = arith.constant 0 : i32
    %scan3A_34 = arith.constant 0 : i32
    %scan3A_35 = arith.constant 20 : i32
    %scan3A_36 = arith.addi %scan3A_34, %scan3A_35 : i32
    %scan3A_37 = arith.constant 1 : i32
    scf.for %scan3A_44 = %scan3A_34 to %scan3A_36 step %scan3A_37  : i32 {
      %mul3A_45 = arith.constant 2 : i32
      %mul3A_46 = arith.muli %mul3A_45, %scan3A_44 : i32
      %add3A_47 = arith.constant 1 : i32
      %add3A_48 = arith.addi %mul3A_46, %add3A_47 : i32
      %dma_start3A_49 = arith.constant 1 : i32
      %dma_start3A_50 = arith.constant 0 : i32
      %dma_start3A_51 = arith.constant 0 : i32
      %dma_start3A_52 = tpu.memref_slice %arg9[%dma_start3A_49, %dma_start3A_50, %dma_start3A_51] : memref<2x128x128xf32, #tpu.memory_space<vmem>> -> memref<1x128x128xf32, #tpu.memory_space<vmem>>
      %dma_start3A_53 = tpu.memref_squeeze %dma_start3A_52 : memref<1x128x128xf32, #tpu.memory_space<vmem>> -> memref<128x128xf32, #tpu.memory_space<vmem>>
      %dma_start3A_54 = arith.constant 0 : i32
      %dma_start3A_55 = tpu.memref_slice %arg7[%add3A_48, %dma_start3A_54] : memref<40x128xi32, #tpu.memory_space<vmem>> -> memref<1x128xi32, #tpu.memory_space<vmem>>
      %dma_start3A_56 = tpu.memref_squeeze %dma_start3A_55 : memref<1x128xi32, #tpu.memory_space<vmem>> -> memref<128xi32, #tpu.memory_space<vmem>>
      %dma_start3A_57 = arith.constant 0 : i32
      %dma_start3A_58 = arith.constant 0 : i32
      %dma_start3A_59 = tpu.memref_slice %arg2[%dma_start3A_57, %dma_start3A_58] : memref<10000x128xf32, #tpu.memory_space<hbm>> -> memref<10000x128xf32, #tpu.memory_space<hbm>>
      tpu.enqueue_indirect_dma source(%dma_start3A_59 : memref<10000x128xf32, #tpu.memory_space<hbm>>) target(%dma_start3A_53 : memref<128x128xf32, #tpu.memory_space<vmem>>) offsets(%dma_start3A_56 : memref<128xi32, #tpu.memory_space<vmem>>) semaphore(%arg11 : memref<!tpu.dma_semaphore, #tpu.memory_space<semaphore_mem>>)
      %dma_wait3A = arith.constant 0 : i32
      %dma_wait3A_60 = arith.constant 0 : i32
      %dma_wait3A_61 = arith.constant 0 : i32
      %dma_wait3A_62 = arith.constant 0 : i32
      %dma_wait3A_63 = tpu.memref_slice %arg9[%dma_wait3A_60, %dma_wait3A_61, %dma_wait3A_62] : memref<2x128x128xf32, #tpu.memory_space<vmem>> -> memref<1x128x128xf32, #tpu.memory_space<vmem>>
      %dma_wait3A_64 = tpu.memref_squeeze %dma_wait3A_63 : memref<1x128x128xf32, #tpu.memory_space<vmem>> -> memref<128x128xf32, #tpu.memory_space<vmem>>
      %dma_wait3A_65 = arith.constant 0 : i32
      %dma_wait3A_66 = tpu.memref_slice %arg7[%dma_wait3A, %dma_wait3A_65] : memref<40x128xi32, #tpu.memory_space<vmem>> -> memref<1x128xi32, #tpu.memory_space<vmem>>
      %dma_wait3A_67 = tpu.memref_squeeze %dma_wait3A_66 : memref<1x128xi32, #tpu.memory_space<vmem>> -> memref<128xi32, #tpu.memory_space<vmem>>
      %dma_wait3A_68 = arith.constant 0 : i32
      %dma_wait3A_69 = arith.constant 0 : i32
      %dma_wait3A_70 = tpu.memref_slice %arg2[%dma_wait3A_68, %dma_wait3A_69] : memref<10000x128xf32, #tpu.memory_space<hbm>> -> memref<10000x128xf32, #tpu.memory_space<hbm>>
      tpu.wait_indirect_dma semaphore(%arg11 : memref<!tpu.dma_semaphore, #tpu.memory_space<semaphore_mem>>) src(%dma_wait3A_70 : memref<10000x128xf32, #tpu.memory_space<hbm>>) dst(%dma_wait3A_64 : memref<128x128xf32, #tpu.memory_space<vmem>>)
      %run_scoped3A = arith.constant 0 : i32
      "tpu.region"() ({
        %run_scoped3A_90 = tpu.sem_alloc : memref<!tpu.dma_semaphore, #tpu.memory_space<semaphore_mem>>
        %dma_start3A_91 = arith.constant 0 : i32
        %dma_start3A_92 = arith.constant 0 : i32
        %dma_start3A_93 = tpu.memref_slice %arg9[%run_scoped3A, %dma_start3A_91, %dma_start3A_92] : memref<2x128x128xf32, #tpu.memory_space<vmem>> -> memref<1x128x128xf32, #tpu.memory_space<vmem>>
        %dma_start3A_94 = tpu.memref_squeeze %dma_start3A_93 : memref<1x128x128xf32, #tpu.memory_space<vmem>> -> memref<128x128xf32, #tpu.memory_space<vmem>>
        %dma_start3A_95 = arith.constant 0 : i32
        %dma_start3A_96 = tpu.memref_slice %arg8[%mul3A_46, %dma_start3A_95] : memref<40x128xi32, #tpu.memory_space<vmem>> -> memref<1x128xi32, #tpu.memory_space<vmem>>
        %dma_start3A_97 = tpu.memref_squeeze %dma_start3A_96 : memref<1x128xi32, #tpu.memory_space<vmem>> -> memref<128xi32, #tpu.memory_space<vmem>>
        %dma_start3A_98 = arith.constant 0 : i32
        %dma_start3A_99 = arith.constant 0 : i32
        %dma_start3A_100 = tpu.memref_slice %arg10[%dma_start3A_98, %dma_start3A_99] : memref<10240x128xf32, #tpu.memory_space<vmem_shared>> -> memref<10240x128xf32, #tpu.memory_space<vmem_shared>>
        tpu.enqueue_indirect_dma source(%dma_start3A_94 : memref<128x128xf32, #tpu.memory_space<vmem>>) target(%dma_start3A_100 : memref<10240x128xf32, #tpu.memory_space<vmem_shared>>) offsets(%dma_start3A_97 : memref<128xi32, #tpu.memory_space<vmem>>) semaphore(%run_scoped3A_90 : memref<!tpu.dma_semaphore, #tpu.memory_space<semaphore_mem>>) {add = true}
        %dma_wait3A_101 = arith.constant 0 : i32
        %dma_wait3A_102 = arith.constant 0 : i32
        %dma_wait3A_103 = tpu.memref_slice %arg9[%run_scoped3A, %dma_wait3A_101, %dma_wait3A_102] : memref<2x128x128xf32, #tpu.memory_space<vmem>> -> memref<1x128x128xf32, #tpu.memory_space<vmem>>
        %dma_wait3A_104 = tpu.memref_squeeze %dma_wait3A_103 : memref<1x128x128xf32, #tpu.memory_space<vmem>> -> memref<128x128xf32, #tpu.memory_space<vmem>>
        %dma_wait3A_105 = arith.constant 0 : i32
        %dma_wait3A_106 = tpu.memref_slice %arg8[%mul3A_46, %dma_wait3A_105] : memref<40x128xi32, #tpu.memory_space<vmem>> -> memref<1x128xi32, #tpu.memory_space<vmem>>
        %dma_wait3A_107 = tpu.memref_squeeze %dma_wait3A_106 : memref<1x128xi32, #tpu.memory_space<vmem>> -> memref<128xi32, #tpu.memory_space<vmem>>
        %dma_wait3A_108 = arith.constant 0 : i32
        %dma_wait3A_109 = arith.constant 0 : i32
        %dma_wait3A_110 = tpu.memref_slice %arg10[%dma_wait3A_108, %dma_wait3A_109] : memref<10240x128xf32, #tpu.memory_space<vmem_shared>> -> memref<10240x128xf32, #tpu.memory_space<vmem_shared>>
        tpu.wait_indirect_dma semaphore(%run_scoped3A_90 : memref<!tpu.dma_semaphore, #tpu.memory_space<semaphore_mem>>) src(%dma_wait3A_104 : memref<128x128xf32, #tpu.memory_space<vmem>>) dst(%dma_wait3A_110 : memref<10240x128xf32, #tpu.memory_space<vmem_shared>>)
        tpu.yield
      }) : () -> ()
      %add3A_71 = arith.constant 1 : i32
      %add3A_72 = arith.addi %scan3A_44, %add3A_71 : i32
      %lt3A = arith.constant 20 : i32
      %lt3A_73 = arith.cmpi slt, %add3A_72, %lt3A : i32
      %convert_element_type3A = arith.extui %lt3A_73 : i1 to i32
      %cond3A = arith.constant 0 : i32
      %cond3A_74 = arith.cmpi ne, %convert_element_type3A, %cond3A : i32
      scf.if %cond3A_74 {
        %add3A_90 = arith.constant 2 : i32
        %add3A_91 = arith.addi %mul3A_46, %add3A_90 : i32
        %dma_start3A_92 = arith.constant 0 : i32
        %dma_start3A_93 = arith.constant 0 : i32
        %dma_start3A_94 = arith.constant 0 : i32
        %dma_start3A_95 = tpu.memref_slice %arg9[%dma_start3A_92, %dma_start3A_93, %dma_start3A_94] : memref<2x128x128xf32, #tpu.memory_space<vmem>> -> memref<1x128x128xf32, #tpu.memory_space<vmem>>
        %dma_start3A_96 = tpu.memref_squeeze %dma_start3A_95 : memref<1x128x128xf32, #tpu.memory_space<vmem>> -> memref<128x128xf32, #tpu.memory_space<vmem>>
        %dma_start3A_97 = arith.constant 0 : i32
        %dma_start3A_98 = tpu.memref_slice %arg7[%add3A_91, %dma_start3A_97] : memref<40x128xi32, #tpu.memory_space<vmem>> -> memref<1x128xi32, #tpu.memory_space<vmem>>
        %dma_start3A_99 = tpu.memref_squeeze %dma_start3A_98 : memref<1x128xi32, #tpu.memory_space<vmem>> -> memref<128xi32, #tpu.memory_space<vmem>>
        %dma_start3A_100 = arith.constant 0 : i32
        %dma_start3A_101 = arith.constant 0 : i32
        %dma_start3A_102 = tpu.memref_slice %arg2[%dma_start3A_100, %dma_start3A_101] : memref<10000x128xf32, #tpu.memory_space<hbm>> -> memref<10000x128xf32, #tpu.memory_space<hbm>>
        tpu.enqueue_indirect_dma source(%dma_start3A_102 : memref<10000x128xf32, #tpu.memory_space<hbm>>) target(%dma_start3A_96 : memref<128x128xf32, #tpu.memory_space<vmem>>) offsets(%dma_start3A_99 : memref<128xi32, #tpu.memory_space<vmem>>) semaphore(%arg11 : memref<!tpu.dma_semaphore, #tpu.memory_space<semaphore_mem>>)
      } else {
      }
      %dma_wait3A_75 = arith.constant 0 : i32
      %dma_wait3A_76 = arith.constant 1 : i32
      %dma_wait3A_77 = arith.constant 0 : i32
      %dma_wait3A_78 = arith.constant 0 : i32
      %dma_wait3A_79 = tpu.memref_slice %arg9[%dma_wait3A_76, %dma_wait3A_77, %dma_wait3A_78] : memref<2x128x128xf32, #tpu.memory_space<vmem>> -> memref<1x128x128xf32, #tpu.memory_space<vmem>>
      %dma_wait3A_80 = tpu.memref_squeeze %dma_wait3A_79 : memref<1x128x128xf32, #tpu.memory_space<vmem>> -> memref<128x128xf32, #tpu.memory_space<vmem>>
      %dma_wait3A_81 = arith.constant 0 : i32
      %dma_wait3A_82 = tpu.memref_slice %arg7[%dma_wait3A_75, %dma_wait3A_81] : memref<40x128xi32, #tpu.memory_space<vmem>> -> memref<1x128xi32, #tpu.memory_space<vmem>>
      %dma_wait3A_83 = tpu.memref_squeeze %dma_wait3A_82 : memref<1x128xi32, #tpu.memory_space<vmem>> -> memref<128xi32, #tpu.memory_space<vmem>>
      %dma_wait3A_84 = arith.constant 0 : i32
      %dma_wait3A_85 = arith.constant 0 : i32
      %dma_wait3A_86 = tpu.memref_slice %arg2[%dma_wait3A_84, %dma_wait3A_85] : memref<10000x128xf32, #tpu.memory_space<hbm>> -> memref<10000x128xf32, #tpu.memory_space<hbm>>
      tpu.wait_indirect_dma semaphore(%arg11 : memref<!tpu.dma_semaphore, #tpu.memory_space<semaphore_mem>>) src(%dma_wait3A_86 : memref<10000x128xf32, #tpu.memory_space<hbm>>) dst(%dma_wait3A_80 : memref<128x128xf32, #tpu.memory_space<vmem>>)
      %add3A_87 = arith.constant 1 : i32
      %add3A_88 = arith.addi %mul3A_46, %add3A_87 : i32
      %run_scoped3A_89 = arith.constant 1 : i32
      "tpu.region"() ({
        %run_scoped3A_90 = tpu.sem_alloc : memref<!tpu.dma_semaphore, #tpu.memory_space<semaphore_mem>>
        %dma_start3A_91 = arith.constant 0 : i32
        %dma_start3A_92 = arith.constant 0 : i32
        %dma_start3A_93 = tpu.memref_slice %arg9[%run_scoped3A_89, %dma_start3A_91, %dma_start3A_92] : memref<2x128x128xf32, #tpu.memory_space<vmem>> -> memref<1x128x128xf32, #tpu.memory_space<vmem>>
        %dma_start3A_94 = tpu.memref_squeeze %dma_start3A_93 : memref<1x128x128xf32, #tpu.memory_space<vmem>> -> memref<128x128xf32, #tpu.memory_space<vmem>>
        %dma_start3A_95 = arith.constant 0 : i32
        %dma_start3A_96 = tpu.memref_slice %arg8[%add3A_88, %dma_start3A_95] : memref<40x128xi32, #tpu.memory_space<vmem>> -> memref<1x128xi32, #tpu.memory_space<vmem>>
        %dma_start3A_97 = tpu.memref_squeeze %dma_start3A_96 : memref<1x128xi32, #tpu.memory_space<vmem>> -> memref<128xi32, #tpu.memory_space<vmem>>
        %dma_start3A_98 = arith.constant 0 : i32
        %dma_start3A_99 = arith.constant 0 : i32
        %dma_start3A_100 = tpu.memref_slice %arg10[%dma_start3A_98, %dma_start3A_99] : memref<10240x128xf32, #tpu.memory_space<vmem_shared>> -> memref<10240x128xf32, #tpu.memory_space<vmem_shared>>
        tpu.enqueue_indirect_dma source(%dma_start3A_94 : memref<128x128xf32, #tpu.memory_space<vmem>>) target(%dma_start3A_100 : memref<10240x128xf32, #tpu.memory_space<vmem_shared>>) offsets(%dma_start3A_97 : memref<128xi32, #tpu.memory_space<vmem>>) semaphore(%run_scoped3A_90 : memref<!tpu.dma_semaphore, #tpu.memory_space<semaphore_mem>>) {add = true}
        %dma_wait3A_101 = arith.constant 0 : i32
        %dma_wait3A_102 = arith.constant 0 : i32
        %dma_wait3A_103 = tpu.memref_slice %arg9[%run_scoped3A_89, %dma_wait3A_101, %dma_wait3A_102] : memref<2x128x128xf32, #tpu.memory_space<vmem>> -> memref<1x128x128xf32, #tpu.memory_space<vmem>>
        %dma_wait3A_104 = tpu.memref_squeeze %dma_wait3A_103 : memref<1x128x128xf32, #tpu.memory_space<vmem>> -> memref<128x128xf32, #tpu.memory_space<vmem>>
        %dma_wait3A_105 = arith.constant 0 : i32
        %dma_wait3A_106 = tpu.memref_slice %arg8[%add3A_88, %dma_wait3A_105] : memref<40x128xi32, #tpu.memory_space<vmem>> -> memref<1x128xi32, #tpu.memory_space<vmem>>
        %dma_wait3A_107 = tpu.memref_squeeze %dma_wait3A_106 : memref<1x128xi32, #tpu.memory_space<vmem>> -> memref<128xi32, #tpu.memory_space<vmem>>
        %dma_wait3A_108 = arith.constant 0 : i32
        %dma_wait3A_109 = arith.constant 0 : i32
        %dma_wait3A_110 = tpu.memref_slice %arg10[%dma_wait3A_108, %dma_wait3A_109] : memref<10240x128xf32, #tpu.memory_space<vmem_shared>> -> memref<10240x128xf32, #tpu.memory_space<vmem_shared>>
        tpu.wait_indirect_dma semaphore(%run_scoped3A_90 : memref<!tpu.dma_semaphore, #tpu.memory_space<semaphore_mem>>) src(%dma_wait3A_104 : memref<128x128xf32, #tpu.memory_space<vmem>>) dst(%dma_wait3A_110 : memref<10240x128xf32, #tpu.memory_space<vmem_shared>>)
        tpu.yield
      }) : () -> ()
    }
    %scan3A_38 = arith.constant 20 : i32
    %barrier3A_39 = arith.constant 0 : index
    tpu.barrier barrier_id(%barrier3A_39)
    %mul3A_40 = arith.constant 640 : i32
    %mul3A_41 = arith.muli %arg1, %mul3A_40 : i32
    %mul3A_42 = arith.constant 640 : i32
    %mul3A_43 = arith.muli %arg1, %mul3A_42 : i32
    "tpu.region"() ({
      %run_scoped3A = tpu.sem_alloc : memref<!tpu.dma_semaphore, #tpu.memory_space<semaphore_mem>>
      %dma_start3A_44 = arith.constant 0 : i32
      %dma_start3A_45 = tpu.memref_slice %arg6[%arg0, %mul3A_43, %dma_start3A_44] : memref<2x10240x128xf32, #tpu.memory_space<hbm>> -> memref<1x640x128xf32, #tpu.memory_space<hbm>>
      %dma_start3A_46 = tpu.memref_squeeze %dma_start3A_45 : memref<1x640x128xf32, #tpu.memory_space<hbm>> -> memref<640x128xf32, #tpu.memory_space<hbm>>
      %dma_start3A_47 = arith.constant 0 : i32
      %dma_start3A_48 = tpu.memref_slice %arg10[%mul3A_41, %dma_start3A_47] : memref<10240x128xf32, #tpu.memory_space<vmem_shared>> -> memref<640x128xf32, #tpu.memory_space<vmem_shared>>
      tpu.enqueue_dma source(%dma_start3A_48 : memref<640x128xf32, #tpu.memory_space<vmem_shared>>) target(%dma_start3A_46 : memref<640x128xf32, #tpu.memory_space<hbm>>) target_semaphore(%run_scoped3A : memref<!tpu.dma_semaphore, #tpu.memory_space<semaphore_mem>>)
      %dma_wait3A = arith.constant 0 : i32
      %dma_wait3A_49 = tpu.memref_slice %arg6[%arg0, %mul3A_43, %dma_wait3A] : memref<2x10240x128xf32, #tpu.memory_space<hbm>> -> memref<1x640x128xf32, #tpu.memory_space<hbm>>
      %dma_wait3A_50 = tpu.memref_squeeze %dma_wait3A_49 : memref<1x640x128xf32, #tpu.memory_space<hbm>> -> memref<640x128xf32, #tpu.memory_space<hbm>>
      %dma_wait3A_51 = arith.constant 0 : i32
      %dma_wait3A_52 = tpu.memref_slice %arg10[%mul3A_41, %dma_wait3A_51] : memref<10240x128xf32, #tpu.memory_space<vmem_shared>> -> memref<640x128xf32, #tpu.memory_space<vmem_shared>>
      tpu.wait_dma2 semaphore(%run_scoped3A : memref<!tpu.dma_semaphore, #tpu.memory_space<semaphore_mem>>) src(%dma_wait3A_52 : memref<640x128xf32, #tpu.memory_space<vmem_shared>>) dst(%dma_wait3A_50 : memref<640x128xf32, #tpu.memory_space<hbm>>)
      tpu.yield
    }) : () -> ()
    return
  }
}

#map = affine_map<(d0, d1) -> (0, 0, 0)>
#map1 = affine_map<(d0, d1) -> (0)>
module attributes {stable_mosaic.version = 14 : i64} {
  func.func @deg_kernel(%arg0: i32, %arg1: i32, %arg2: memref<32x80x128xi32, #tpu.memory_space<hbm>>, %arg3: memref<128xf32, #tpu.memory_space<hbm>>, %arg4: memref<10240xf32, #tpu.memory_space<hbm>>, %arg5: memref<20480xf32, #tpu.memory_space<hbm>>, %arg6: memref<80x128xi32, #tpu.memory_space<vmem>>, %arg7: memref<128xf32, #tpu.memory_space<vmem>>, %arg8: memref<10240xf32, #tpu.memory_space<vmem_shared>>) attributes {dimension_semantics = [#tpu.dimension_semantics<core_parallel>, #tpu.dimension_semantics<subcore_parallel>], iteration_bounds = array<i64: 2, 16>, scalar_prefetch = 0 : i64, scratch_operands = 3 : i64, tpu.core_type = #tpu.core_type<sc_vector_subcore>, window_params = [{transform_indices = #map}, {transform_indices = #map1}, {transform_indices = #map1}, {transform_indices = #map1}]} {
    %mul3A = arith.constant 16 : i32
    %mul3A_0 = arith.muli %arg0, %mul3A : i32
    %add3A = arith.addi %mul3A_0, %arg1 : i32
    %eq3A = arith.constant 0 : i32
    %eq3A_1 = arith.cmpi eq, %arg1, %eq3A : i32
    %convert_element_type3A = arith.extui %eq3A_1 : i1 to i32
    %cond3A = arith.constant 0 : i32
    %cond3A_2 = arith.cmpi ne, %convert_element_type3A, %cond3A : i32
    scf.if %cond3A_2 {
      "tpu.region"() ({
        %run_scoped3A = tpu.sem_alloc : memref<!tpu.dma_semaphore, #tpu.memory_space<semaphore_mem>>
        tpu.enqueue_dma source(%arg4 : memref<10240xf32, #tpu.memory_space<hbm>>) target(%arg8 : memref<10240xf32, #tpu.memory_space<vmem_shared>>) target_semaphore(%run_scoped3A : memref<!tpu.dma_semaphore, #tpu.memory_space<semaphore_mem>>)
        tpu.wait_dma2 semaphore(%run_scoped3A : memref<!tpu.dma_semaphore, #tpu.memory_space<semaphore_mem>>) src(%arg4 : memref<10240xf32, #tpu.memory_space<hbm>>) dst(%arg8 : memref<10240xf32, #tpu.memory_space<vmem_shared>>)
        tpu.yield
      }) : () -> ()
    } else {
    }
    "tpu.region"() ({
      %run_scoped3A = tpu.sem_alloc : memref<!tpu.dma_semaphore, #tpu.memory_space<semaphore_mem>>
      %dma_start3A = arith.constant 0 : i32
      %dma_start3A_16 = arith.constant 0 : i32
      %dma_start3A_17 = tpu.memref_slice %arg2[%add3A, %dma_start3A, %dma_start3A_16] : memref<32x80x128xi32, #tpu.memory_space<hbm>> -> memref<1x80x128xi32, #tpu.memory_space<hbm>>
      %dma_start3A_18 = tpu.memref_squeeze %dma_start3A_17 : memref<1x80x128xi32, #tpu.memory_space<hbm>> -> memref<80x128xi32, #tpu.memory_space<hbm>>
      %dma_start3A_19 = arith.constant 0 : i32
      %dma_start3A_20 = arith.constant 0 : i32
      %dma_start3A_21 = tpu.memref_slice %arg2[%add3A, %dma_start3A_19, %dma_start3A_20] : memref<32x80x128xi32, #tpu.memory_space<hbm>> -> memref<1x80x128xi32, #tpu.memory_space<hbm>>
      %dma_start3A_22 = tpu.memref_squeeze %dma_start3A_21 : memref<1x80x128xi32, #tpu.memory_space<hbm>> -> memref<80x128xi32, #tpu.memory_space<hbm>>
      tpu.enqueue_dma source(%dma_start3A_22 : memref<80x128xi32, #tpu.memory_space<hbm>>) target(%arg6 : memref<80x128xi32, #tpu.memory_space<vmem>>) target_semaphore(%run_scoped3A : memref<!tpu.dma_semaphore, #tpu.memory_space<semaphore_mem>>)
      %dma_wait3A = arith.constant 0 : i32
      %dma_wait3A_23 = arith.constant 0 : i32
      %dma_wait3A_24 = tpu.memref_slice %arg2[%add3A, %dma_wait3A, %dma_wait3A_23] : memref<32x80x128xi32, #tpu.memory_space<hbm>> -> memref<1x80x128xi32, #tpu.memory_space<hbm>>
      %dma_wait3A_25 = tpu.memref_squeeze %dma_wait3A_24 : memref<1x80x128xi32, #tpu.memory_space<hbm>> -> memref<80x128xi32, #tpu.memory_space<hbm>>
      %dma_wait3A_26 = arith.constant 0 : i32
      %dma_wait3A_27 = arith.constant 0 : i32
      %dma_wait3A_28 = tpu.memref_slice %arg2[%add3A, %dma_wait3A_26, %dma_wait3A_27] : memref<32x80x128xi32, #tpu.memory_space<hbm>> -> memref<1x80x128xi32, #tpu.memory_space<hbm>>
      %dma_wait3A_29 = tpu.memref_squeeze %dma_wait3A_28 : memref<1x80x128xi32, #tpu.memory_space<hbm>> -> memref<80x128xi32, #tpu.memory_space<hbm>>
      tpu.wait_dma2 semaphore(%run_scoped3A : memref<!tpu.dma_semaphore, #tpu.memory_space<semaphore_mem>>) src(%dma_wait3A_29 : memref<80x128xi32, #tpu.memory_space<hbm>>) dst(%arg6 : memref<80x128xi32, #tpu.memory_space<vmem>>)
      tpu.yield
    }) : () -> ()
    "tpu.region"() ({
      %run_scoped3A = tpu.sem_alloc : memref<!tpu.dma_semaphore, #tpu.memory_space<semaphore_mem>>
      tpu.enqueue_dma source(%arg3 : memref<128xf32, #tpu.memory_space<hbm>>) target(%arg7 : memref<128xf32, #tpu.memory_space<vmem>>) target_semaphore(%run_scoped3A : memref<!tpu.dma_semaphore, #tpu.memory_space<semaphore_mem>>)
      tpu.wait_dma2 semaphore(%run_scoped3A : memref<!tpu.dma_semaphore, #tpu.memory_space<semaphore_mem>>) src(%arg3 : memref<128xf32, #tpu.memory_space<hbm>>) dst(%arg7 : memref<128xf32, #tpu.memory_space<vmem>>)
      tpu.yield
    }) : () -> ()
    %barrier3A = arith.constant 0 : index
    tpu.barrier barrier_id(%barrier3A)
    %scan3A = arith.constant 0 : i32
    %scan3A_3 = arith.constant 0 : i32
    %scan3A_4 = arith.constant 80 : i32
    %scan3A_5 = arith.addi %scan3A_3, %scan3A_4 : i32
    %scan3A_6 = arith.constant 1 : i32
    scf.for %scan3A_16 = %scan3A_3 to %scan3A_5 step %scan3A_6  : i32 {
      "tpu.region"() ({
        %run_scoped3A = tpu.sem_alloc : memref<!tpu.dma_semaphore, #tpu.memory_space<semaphore_mem>>
        %dma_start3A = arith.constant 0 : i32
        %dma_start3A_17 = tpu.memref_slice %arg6[%scan3A_16, %dma_start3A] : memref<80x128xi32, #tpu.memory_space<vmem>> -> memref<1x128xi32, #tpu.memory_space<vmem>>
        %dma_start3A_18 = tpu.memref_squeeze %dma_start3A_17 : memref<1x128xi32, #tpu.memory_space<vmem>> -> memref<128xi32, #tpu.memory_space<vmem>>
        %dma_start3A_19 = arith.constant 0 : i32
        %dma_start3A_20 = tpu.memref_slice %arg8[%dma_start3A_19] : memref<10240xf32, #tpu.memory_space<vmem_shared>> -> memref<10240xf32, #tpu.memory_space<vmem_shared>>
        tpu.enqueue_indirect_dma source(%arg7 : memref<128xf32, #tpu.memory_space<vmem>>) target(%dma_start3A_20 : memref<10240xf32, #tpu.memory_space<vmem_shared>>) offsets(%dma_start3A_18 : memref<128xi32, #tpu.memory_space<vmem>>) semaphore(%run_scoped3A : memref<!tpu.dma_semaphore, #tpu.memory_space<semaphore_mem>>) {add = true}
        %dma_wait3A = arith.constant 0 : i32
        %dma_wait3A_21 = tpu.memref_slice %arg6[%scan3A_16, %dma_wait3A] : memref<80x128xi32, #tpu.memory_space<vmem>> -> memref<1x128xi32, #tpu.memory_space<vmem>>
        %dma_wait3A_22 = tpu.memref_squeeze %dma_wait3A_21 : memref<1x128xi32, #tpu.memory_space<vmem>> -> memref<128xi32, #tpu.memory_space<vmem>>
        %dma_wait3A_23 = arith.constant 0 : i32
        %dma_wait3A_24 = tpu.memref_slice %arg8[%dma_wait3A_23] : memref<10240xf32, #tpu.memory_space<vmem_shared>> -> memref<10240xf32, #tpu.memory_space<vmem_shared>>
        tpu.wait_indirect_dma semaphore(%run_scoped3A : memref<!tpu.dma_semaphore, #tpu.memory_space<semaphore_mem>>) src(%arg7 : memref<128xf32, #tpu.memory_space<vmem>>) dst(%dma_wait3A_24 : memref<10240xf32, #tpu.memory_space<vmem_shared>>)
        tpu.yield
      }) : () -> ()
    }
    %scan3A_7 = arith.constant 80 : i32
    %barrier3A_8 = arith.constant 0 : index
    tpu.barrier barrier_id(%barrier3A_8)
    %mul3A_9 = arith.constant 640 : i32
    %mul3A_10 = arith.muli %arg1, %mul3A_9 : i32
    %mul3A_11 = arith.constant 10240 : i32
    %mul3A_12 = arith.muli %arg0, %mul3A_11 : i32
    %mul3A_13 = arith.constant 640 : i32
    %mul3A_14 = arith.muli %arg1, %mul3A_13 : i32
    %add3A_15 = arith.addi %mul3A_12, %mul3A_14 : i32
    "tpu.region"() ({
      %run_scoped3A = tpu.sem_alloc : memref<!tpu.dma_semaphore, #tpu.memory_space<semaphore_mem>>
      %dma_start3A = tpu.memref_slice %arg5[%add3A_15] : memref<20480xf32, #tpu.memory_space<hbm>> -> memref<640xf32, #tpu.memory_space<hbm>>
      %dma_start3A_16 = tpu.memref_slice %arg8[%mul3A_10] : memref<10240xf32, #tpu.memory_space<vmem_shared>> -> memref<640xf32, #tpu.memory_space<vmem_shared>>
      tpu.enqueue_dma source(%dma_start3A_16 : memref<640xf32, #tpu.memory_space<vmem_shared>>) target(%dma_start3A : memref<640xf32, #tpu.memory_space<hbm>>) target_semaphore(%run_scoped3A : memref<!tpu.dma_semaphore, #tpu.memory_space<semaphore_mem>>)
      %dma_wait3A = tpu.memref_slice %arg5[%add3A_15] : memref<20480xf32, #tpu.memory_space<hbm>> -> memref<640xf32, #tpu.memory_space<hbm>>
      %dma_wait3A_17 = tpu.memref_slice %arg8[%mul3A_10] : memref<10240xf32, #tpu.memory_space<vmem_shared>> -> memref<640xf32, #tpu.memory_space<vmem_shared>>
      tpu.wait_dma2 semaphore(%run_scoped3A : memref<!tpu.dma_semaphore, #tpu.memory_space<semaphore_mem>>) src(%dma_wait3A_17 : memref<640xf32, #tpu.memory_space<vmem_shared>>) dst(%dma_wait3A : memref<640xf32, #tpu.memory_space<hbm>>)
      tpu.yield
    }) : () -> ()
    return
  }
}

#map = affine_map<(d0, d1) -> (0, 0)>
#map1 = affine_map<(d0, d1) -> (0, 0, 0)>
module attributes {stable_mosaic.version = 14 : i64} {
  func.func @prop_kernel(%arg0: i32, %arg1: i32, %arg2: memref<10000x128xf32, #tpu.memory_space<hbm>>, %arg3: memref<32x80x128xi32, #tpu.memory_space<hbm>>, %arg4: memref<32x80x128xi32, #tpu.memory_space<hbm>>, %arg5: memref<10240x128xf32, #tpu.memory_space<hbm>>, %arg6: memref<2x10240x128xf32, #tpu.memory_space<hbm>>, %arg7: memref<40x128xi32, #tpu.memory_space<vmem>>, %arg8: memref<40x128xi32, #tpu.memory_space<vmem>>, %arg9: memref<2x128x128xf32, #tpu.memory_space<vmem>>, %arg10: memref<10240x128xf32, #tpu.memory_space<vmem_shared>>, %arg11: memref<!tpu.dma_semaphore, #tpu.memory_space<semaphore_mem>>) attributes {dimension_semantics = [#tpu.dimension_semantics<core_parallel>, #tpu.dimension_semantics<subcore_parallel>], iteration_bounds = array<i64: 2, 16>, scalar_prefetch = 0 : i64, scratch_operands = 5 : i64, tpu.core_type = #tpu.core_type<sc_vector_subcore>, window_params = [{transform_indices = #map}, {transform_indices = #map1}, {transform_indices = #map1}, {transform_indices = #map}, {transform_indices = #map1}]} {
    %mul3A = arith.constant 16 : i32
    %mul3A_0 = arith.muli %arg0, %mul3A : i32
    %add3A = arith.addi %mul3A_0, %arg1 : i32
    %mul3A_1 = arith.constant 640 : i32
    %mul3A_2 = arith.muli %arg1, %mul3A_1 : i32
    %mul3A_3 = arith.constant 640 : i32
    %mul3A_4 = arith.muli %arg1, %mul3A_3 : i32
    "tpu.region"() ({
      %run_scoped3A = tpu.sem_alloc : memref<!tpu.dma_semaphore, #tpu.memory_space<semaphore_mem>>
      %dma_start3A_44 = arith.constant 0 : i32
      %dma_start3A_45 = tpu.memref_slice %arg10[%mul3A_4, %dma_start3A_44] : memref<10240x128xf32, #tpu.memory_space<vmem_shared>> -> memref<640x128xf32, #tpu.memory_space<vmem_shared>>
      %dma_start3A_46 = arith.constant 0 : i32
      %dma_start3A_47 = tpu.memref_slice %arg5[%mul3A_2, %dma_start3A_46] : memref<10240x128xf32, #tpu.memory_space<hbm>> -> memref<640x128xf32, #tpu.memory_space<hbm>>
      tpu.enqueue_dma source(%dma_start3A_47 : memref<640x128xf32, #tpu.memory_space<hbm>>) target(%dma_start3A_45 : memref<640x128xf32, #tpu.memory_space<vmem_shared>>) target_semaphore(%run_scoped3A : memref<!tpu.dma_semaphore, #tpu.memory_space<semaphore_mem>>)
      %dma_wait3A = arith.constant 0 : i32
      %dma_wait3A_48 = tpu.memref_slice %arg10[%mul3A_4, %dma_wait3A] : memref<10240x128xf32, #tpu.memory_space<vmem_shared>> -> memref<640x128xf32, #tpu.memory_space<vmem_shared>>
      %dma_wait3A_49 = arith.constant 0 : i32
      %dma_wait3A_50 = tpu.memref_slice %arg5[%mul3A_2, %dma_wait3A_49] : memref<10240x128xf32, #tpu.memory_space<hbm>> -> memref<640x128xf32, #tpu.memory_space<hbm>>
      tpu.wait_dma2 semaphore(%run_scoped3A : memref<!tpu.dma_semaphore, #tpu.memory_space<semaphore_mem>>) src(%dma_wait3A_50 : memref<640x128xf32, #tpu.memory_space<hbm>>) dst(%dma_wait3A_48 : memref<640x128xf32, #tpu.memory_space<vmem_shared>>)
      tpu.yield
    }) : () -> ()
    "tpu.region"() ({
      %run_scoped3A = tpu.sem_alloc : memref<!tpu.dma_semaphore, #tpu.memory_space<semaphore_mem>>
      %dma_start3A_44 = arith.constant 0 : i32
      %dma_start3A_45 = arith.constant 0 : i32
      %dma_start3A_46 = tpu.memref_slice %arg3[%add3A, %dma_start3A_44, %dma_start3A_45] : memref<32x80x128xi32, #tpu.memory_space<hbm>> -> memref<1x40x128xi32, #tpu.memory_space<hbm>>
      %dma_start3A_47 = tpu.memref_squeeze %dma_start3A_46 : memref<1x40x128xi32, #tpu.memory_space<hbm>> -> memref<40x128xi32, #tpu.memory_space<hbm>>
      %dma_start3A_48 = arith.constant 0 : i32
      %dma_start3A_49 = arith.constant 0 : i32
      %dma_start3A_50 = tpu.memref_slice %arg3[%add3A, %dma_start3A_48, %dma_start3A_49] : memref<32x80x128xi32, #tpu.memory_space<hbm>> -> memref<1x40x128xi32, #tpu.memory_space<hbm>>
      %dma_start3A_51 = tpu.memref_squeeze %dma_start3A_50 : memref<1x40x128xi32, #tpu.memory_space<hbm>> -> memref<40x128xi32, #tpu.memory_space<hbm>>
      tpu.enqueue_dma source(%dma_start3A_51 : memref<40x128xi32, #tpu.memory_space<hbm>>) target(%arg7 : memref<40x128xi32, #tpu.memory_space<vmem>>) target_semaphore(%run_scoped3A : memref<!tpu.dma_semaphore, #tpu.memory_space<semaphore_mem>>)
      %dma_wait3A = arith.constant 0 : i32
      %dma_wait3A_52 = arith.constant 0 : i32
      %dma_wait3A_53 = tpu.memref_slice %arg3[%add3A, %dma_wait3A, %dma_wait3A_52] : memref<32x80x128xi32, #tpu.memory_space<hbm>> -> memref<1x40x128xi32, #tpu.memory_space<hbm>>
      %dma_wait3A_54 = tpu.memref_squeeze %dma_wait3A_53 : memref<1x40x128xi32, #tpu.memory_space<hbm>> -> memref<40x128xi32, #tpu.memory_space<hbm>>
      %dma_wait3A_55 = arith.constant 0 : i32
      %dma_wait3A_56 = arith.constant 0 : i32
      %dma_wait3A_57 = tpu.memref_slice %arg3[%add3A, %dma_wait3A_55, %dma_wait3A_56] : memref<32x80x128xi32, #tpu.memory_space<hbm>> -> memref<1x40x128xi32, #tpu.memory_space<hbm>>
      %dma_wait3A_58 = tpu.memref_squeeze %dma_wait3A_57 : memref<1x40x128xi32, #tpu.memory_space<hbm>> -> memref<40x128xi32, #tpu.memory_space<hbm>>
      tpu.wait_dma2 semaphore(%run_scoped3A : memref<!tpu.dma_semaphore, #tpu.memory_space<semaphore_mem>>) src(%dma_wait3A_58 : memref<40x128xi32, #tpu.memory_space<hbm>>) dst(%arg7 : memref<40x128xi32, #tpu.memory_space<vmem>>)
      tpu.yield
    }) : () -> ()
    "tpu.region"() ({
      %run_scoped3A = tpu.sem_alloc : memref<!tpu.dma_semaphore, #tpu.memory_space<semaphore_mem>>
      %dma_start3A_44 = arith.constant 0 : i32
      %dma_start3A_45 = arith.constant 0 : i32
      %dma_start3A_46 = tpu.memref_slice %arg4[%add3A, %dma_start3A_44, %dma_start3A_45] : memref<32x80x128xi32, #tpu.memory_space<hbm>> -> memref<1x40x128xi32, #tpu.memory_space<hbm>>
      %dma_start3A_47 = tpu.memref_squeeze %dma_start3A_46 : memref<1x40x128xi32, #tpu.memory_space<hbm>> -> memref<40x128xi32, #tpu.memory_space<hbm>>
      %dma_start3A_48 = arith.constant 0 : i32
      %dma_start3A_49 = arith.constant 0 : i32
      %dma_start3A_50 = tpu.memref_slice %arg4[%add3A, %dma_start3A_48, %dma_start3A_49] : memref<32x80x128xi32, #tpu.memory_space<hbm>> -> memref<1x40x128xi32, #tpu.memory_space<hbm>>
      %dma_start3A_51 = tpu.memref_squeeze %dma_start3A_50 : memref<1x40x128xi32, #tpu.memory_space<hbm>> -> memref<40x128xi32, #tpu.memory_space<hbm>>
      tpu.enqueue_dma source(%dma_start3A_51 : memref<40x128xi32, #tpu.memory_space<hbm>>) target(%arg8 : memref<40x128xi32, #tpu.memory_space<vmem>>) target_semaphore(%run_scoped3A : memref<!tpu.dma_semaphore, #tpu.memory_space<semaphore_mem>>)
      %dma_wait3A = arith.constant 0 : i32
      %dma_wait3A_52 = arith.constant 0 : i32
      %dma_wait3A_53 = tpu.memref_slice %arg4[%add3A, %dma_wait3A, %dma_wait3A_52] : memref<32x80x128xi32, #tpu.memory_space<hbm>> -> memref<1x40x128xi32, #tpu.memory_space<hbm>>
      %dma_wait3A_54 = tpu.memref_squeeze %dma_wait3A_53 : memref<1x40x128xi32, #tpu.memory_space<hbm>> -> memref<40x128xi32, #tpu.memory_space<hbm>>
      %dma_wait3A_55 = arith.constant 0 : i32
      %dma_wait3A_56 = arith.constant 0 : i32
      %dma_wait3A_57 = tpu.memref_slice %arg4[%add3A, %dma_wait3A_55, %dma_wait3A_56] : memref<32x80x128xi32, #tpu.memory_space<hbm>> -> memref<1x40x128xi32, #tpu.memory_space<hbm>>
      %dma_wait3A_58 = tpu.memref_squeeze %dma_wait3A_57 : memref<1x40x128xi32, #tpu.memory_space<hbm>> -> memref<40x128xi32, #tpu.memory_space<hbm>>
      tpu.wait_dma2 semaphore(%run_scoped3A : memref<!tpu.dma_semaphore, #tpu.memory_space<semaphore_mem>>) src(%dma_wait3A_58 : memref<40x128xi32, #tpu.memory_space<hbm>>) dst(%arg8 : memref<40x128xi32, #tpu.memory_space<vmem>>)
      tpu.yield
    }) : () -> ()
    %barrier3A = arith.constant 0 : index
    tpu.barrier barrier_id(%barrier3A)
    %dma_start3A = arith.constant 0 : i32
    %dma_start3A_5 = arith.constant 0 : i32
    %dma_start3A_6 = arith.constant 0 : i32
    %dma_start3A_7 = arith.constant 0 : i32
    %dma_start3A_8 = tpu.memref_slice %arg9[%dma_start3A_5, %dma_start3A_6, %dma_start3A_7] : memref<2x128x128xf32, #tpu.memory_space<vmem>> -> memref<1x128x128xf32, #tpu.memory_space<vmem>>
    %dma_start3A_9 = tpu.memref_squeeze %dma_start3A_8 : memref<1x128x128xf32, #tpu.memory_space<vmem>> -> memref<128x128xf32, #tpu.memory_space<vmem>>
    %dma_start3A_10 = arith.constant 0 : i32
    %dma_start3A_11 = tpu.memref_slice %arg7[%dma_start3A, %dma_start3A_10] : memref<40x128xi32, #tpu.memory_space<vmem>> -> memref<1x128xi32, #tpu.memory_space<vmem>>
    %dma_start3A_12 = tpu.memref_squeeze %dma_start3A_11 : memref<1x128xi32, #tpu.memory_space<vmem>> -> memref<128xi32, #tpu.memory_space<vmem>>
    %dma_start3A_13 = arith.constant 0 : i32
    %dma_start3A_14 = arith.constant 0 : i32
    %dma_start3A_15 = tpu.memref_slice %arg2[%dma_start3A_13, %dma_start3A_14] : memref<10000x128xf32, #tpu.memory_space<hbm>> -> memref<10000x128xf32, #tpu.memory_space<hbm>>
    tpu.enqueue_indirect_dma source(%dma_start3A_15 : memref<10000x128xf32, #tpu.memory_space<hbm>>) target(%dma_start3A_9 : memref<128x128xf32, #tpu.memory_space<vmem>>) offsets(%dma_start3A_12 : memref<128xi32, #tpu.memory_space<vmem>>) semaphore(%arg11 : memref<!tpu.dma_semaphore, #tpu.memory_space<semaphore_mem>>)
    %scan3A = arith.constant 0 : i32
    %scan3A_16 = arith.constant 0 : i32
    %scan3A_17 = arith.constant 20 : i32
    %scan3A_18 = arith.addi %scan3A_16, %scan3A_17 : i32
    %scan3A_19 = arith.constant 1 : i32
    scf.for %scan3A_44 = %scan3A_16 to %scan3A_18 step %scan3A_19  : i32 {
      %mul3A_45 = arith.constant 2 : i32
      %mul3A_46 = arith.muli %mul3A_45, %scan3A_44 : i32
      %add3A_47 = arith.constant 1 : i32
      %add3A_48 = arith.addi %mul3A_46, %add3A_47 : i32
      %dma_start3A_49 = arith.constant 1 : i32
      %dma_start3A_50 = arith.constant 0 : i32
      %dma_start3A_51 = arith.constant 0 : i32
      %dma_start3A_52 = tpu.memref_slice %arg9[%dma_start3A_49, %dma_start3A_50, %dma_start3A_51] : memref<2x128x128xf32, #tpu.memory_space<vmem>> -> memref<1x128x128xf32, #tpu.memory_space<vmem>>
      %dma_start3A_53 = tpu.memref_squeeze %dma_start3A_52 : memref<1x128x128xf32, #tpu.memory_space<vmem>> -> memref<128x128xf32, #tpu.memory_space<vmem>>
      %dma_start3A_54 = arith.constant 0 : i32
      %dma_start3A_55 = tpu.memref_slice %arg7[%add3A_48, %dma_start3A_54] : memref<40x128xi32, #tpu.memory_space<vmem>> -> memref<1x128xi32, #tpu.memory_space<vmem>>
      %dma_start3A_56 = tpu.memref_squeeze %dma_start3A_55 : memref<1x128xi32, #tpu.memory_space<vmem>> -> memref<128xi32, #tpu.memory_space<vmem>>
      %dma_start3A_57 = arith.constant 0 : i32
      %dma_start3A_58 = arith.constant 0 : i32
      %dma_start3A_59 = tpu.memref_slice %arg2[%dma_start3A_57, %dma_start3A_58] : memref<10000x128xf32, #tpu.memory_space<hbm>> -> memref<10000x128xf32, #tpu.memory_space<hbm>>
      tpu.enqueue_indirect_dma source(%dma_start3A_59 : memref<10000x128xf32, #tpu.memory_space<hbm>>) target(%dma_start3A_53 : memref<128x128xf32, #tpu.memory_space<vmem>>) offsets(%dma_start3A_56 : memref<128xi32, #tpu.memory_space<vmem>>) semaphore(%arg11 : memref<!tpu.dma_semaphore, #tpu.memory_space<semaphore_mem>>)
      %dma_wait3A = arith.constant 0 : i32
      %dma_wait3A_60 = arith.constant 0 : i32
      %dma_wait3A_61 = arith.constant 0 : i32
      %dma_wait3A_62 = arith.constant 0 : i32
      %dma_wait3A_63 = tpu.memref_slice %arg9[%dma_wait3A_60, %dma_wait3A_61, %dma_wait3A_62] : memref<2x128x128xf32, #tpu.memory_space<vmem>> -> memref<1x128x128xf32, #tpu.memory_space<vmem>>
      %dma_wait3A_64 = tpu.memref_squeeze %dma_wait3A_63 : memref<1x128x128xf32, #tpu.memory_space<vmem>> -> memref<128x128xf32, #tpu.memory_space<vmem>>
      %dma_wait3A_65 = arith.constant 0 : i32
      %dma_wait3A_66 = tpu.memref_slice %arg7[%dma_wait3A, %dma_wait3A_65] : memref<40x128xi32, #tpu.memory_space<vmem>> -> memref<1x128xi32, #tpu.memory_space<vmem>>
      %dma_wait3A_67 = tpu.memref_squeeze %dma_wait3A_66 : memref<1x128xi32, #tpu.memory_space<vmem>> -> memref<128xi32, #tpu.memory_space<vmem>>
      %dma_wait3A_68 = arith.constant 0 : i32
      %dma_wait3A_69 = arith.constant 0 : i32
      %dma_wait3A_70 = tpu.memref_slice %arg2[%dma_wait3A_68, %dma_wait3A_69] : memref<10000x128xf32, #tpu.memory_space<hbm>> -> memref<10000x128xf32, #tpu.memory_space<hbm>>
      tpu.wait_indirect_dma semaphore(%arg11 : memref<!tpu.dma_semaphore, #tpu.memory_space<semaphore_mem>>) src(%dma_wait3A_70 : memref<10000x128xf32, #tpu.memory_space<hbm>>) dst(%dma_wait3A_64 : memref<128x128xf32, #tpu.memory_space<vmem>>)
      %run_scoped3A = arith.constant 0 : i32
      "tpu.region"() ({
        %run_scoped3A_90 = tpu.sem_alloc : memref<!tpu.dma_semaphore, #tpu.memory_space<semaphore_mem>>
        %dma_start3A_91 = arith.constant 0 : i32
        %dma_start3A_92 = arith.constant 0 : i32
        %dma_start3A_93 = tpu.memref_slice %arg9[%run_scoped3A, %dma_start3A_91, %dma_start3A_92] : memref<2x128x128xf32, #tpu.memory_space<vmem>> -> memref<1x128x128xf32, #tpu.memory_space<vmem>>
        %dma_start3A_94 = tpu.memref_squeeze %dma_start3A_93 : memref<1x128x128xf32, #tpu.memory_space<vmem>> -> memref<128x128xf32, #tpu.memory_space<vmem>>
        %dma_start3A_95 = arith.constant 0 : i32
        %dma_start3A_96 = tpu.memref_slice %arg8[%mul3A_46, %dma_start3A_95] : memref<40x128xi32, #tpu.memory_space<vmem>> -> memref<1x128xi32, #tpu.memory_space<vmem>>
        %dma_start3A_97 = tpu.memref_squeeze %dma_start3A_96 : memref<1x128xi32, #tpu.memory_space<vmem>> -> memref<128xi32, #tpu.memory_space<vmem>>
        %dma_start3A_98 = arith.constant 0 : i32
        %dma_start3A_99 = arith.constant 0 : i32
        %dma_start3A_100 = tpu.memref_slice %arg10[%dma_start3A_98, %dma_start3A_99] : memref<10240x128xf32, #tpu.memory_space<vmem_shared>> -> memref<10240x128xf32, #tpu.memory_space<vmem_shared>>
        tpu.enqueue_indirect_dma source(%dma_start3A_94 : memref<128x128xf32, #tpu.memory_space<vmem>>) target(%dma_start3A_100 : memref<10240x128xf32, #tpu.memory_space<vmem_shared>>) offsets(%dma_start3A_97 : memref<128xi32, #tpu.memory_space<vmem>>) semaphore(%run_scoped3A_90 : memref<!tpu.dma_semaphore, #tpu.memory_space<semaphore_mem>>) {add = true}
        %dma_wait3A_101 = arith.constant 0 : i32
        %dma_wait3A_102 = arith.constant 0 : i32
        %dma_wait3A_103 = tpu.memref_slice %arg9[%run_scoped3A, %dma_wait3A_101, %dma_wait3A_102] : memref<2x128x128xf32, #tpu.memory_space<vmem>> -> memref<1x128x128xf32, #tpu.memory_space<vmem>>
        %dma_wait3A_104 = tpu.memref_squeeze %dma_wait3A_103 : memref<1x128x128xf32, #tpu.memory_space<vmem>> -> memref<128x128xf32, #tpu.memory_space<vmem>>
        %dma_wait3A_105 = arith.constant 0 : i32
        %dma_wait3A_106 = tpu.memref_slice %arg8[%mul3A_46, %dma_wait3A_105] : memref<40x128xi32, #tpu.memory_space<vmem>> -> memref<1x128xi32, #tpu.memory_space<vmem>>
        %dma_wait3A_107 = tpu.memref_squeeze %dma_wait3A_106 : memref<1x128xi32, #tpu.memory_space<vmem>> -> memref<128xi32, #tpu.memory_space<vmem>>
        %dma_wait3A_108 = arith.constant 0 : i32
        %dma_wait3A_109 = arith.constant 0 : i32
        %dma_wait3A_110 = tpu.memref_slice %arg10[%dma_wait3A_108, %dma_wait3A_109] : memref<10240x128xf32, #tpu.memory_space<vmem_shared>> -> memref<10240x128xf32, #tpu.memory_space<vmem_shared>>
        tpu.wait_indirect_dma semaphore(%run_scoped3A_90 : memref<!tpu.dma_semaphore, #tpu.memory_space<semaphore_mem>>) src(%dma_wait3A_104 : memref<128x128xf32, #tpu.memory_space<vmem>>) dst(%dma_wait3A_110 : memref<10240x128xf32, #tpu.memory_space<vmem_shared>>)
        tpu.yield
      }) : () -> ()
      %add3A_71 = arith.constant 1 : i32
      %add3A_72 = arith.addi %scan3A_44, %add3A_71 : i32
      %lt3A = arith.constant 20 : i32
      %lt3A_73 = arith.cmpi slt, %add3A_72, %lt3A : i32
      %convert_element_type3A = arith.extui %lt3A_73 : i1 to i32
      %cond3A = arith.constant 0 : i32
      %cond3A_74 = arith.cmpi ne, %convert_element_type3A, %cond3A : i32
      scf.if %cond3A_74 {
        %add3A_90 = arith.constant 2 : i32
        %add3A_91 = arith.addi %mul3A_46, %add3A_90 : i32
        %dma_start3A_92 = arith.constant 0 : i32
        %dma_start3A_93 = arith.constant 0 : i32
        %dma_start3A_94 = arith.constant 0 : i32
        %dma_start3A_95 = tpu.memref_slice %arg9[%dma_start3A_92, %dma_start3A_93, %dma_start3A_94] : memref<2x128x128xf32, #tpu.memory_space<vmem>> -> memref<1x128x128xf32, #tpu.memory_space<vmem>>
        %dma_start3A_96 = tpu.memref_squeeze %dma_start3A_95 : memref<1x128x128xf32, #tpu.memory_space<vmem>> -> memref<128x128xf32, #tpu.memory_space<vmem>>
        %dma_start3A_97 = arith.constant 0 : i32
        %dma_start3A_98 = tpu.memref_slice %arg7[%add3A_91, %dma_start3A_97] : memref<40x128xi32, #tpu.memory_space<vmem>> -> memref<1x128xi32, #tpu.memory_space<vmem>>
        %dma_start3A_99 = tpu.memref_squeeze %dma_start3A_98 : memref<1x128xi32, #tpu.memory_space<vmem>> -> memref<128xi32, #tpu.memory_space<vmem>>
        %dma_start3A_100 = arith.constant 0 : i32
        %dma_start3A_101 = arith.constant 0 : i32
        %dma_start3A_102 = tpu.memref_slice %arg2[%dma_start3A_100, %dma_start3A_101] : memref<10000x128xf32, #tpu.memory_space<hbm>> -> memref<10000x128xf32, #tpu.memory_space<hbm>>
        tpu.enqueue_indirect_dma source(%dma_start3A_102 : memref<10000x128xf32, #tpu.memory_space<hbm>>) target(%dma_start3A_96 : memref<128x128xf32, #tpu.memory_space<vmem>>) offsets(%dma_start3A_99 : memref<128xi32, #tpu.memory_space<vmem>>) semaphore(%arg11 : memref<!tpu.dma_semaphore, #tpu.memory_space<semaphore_mem>>)
      } else {
      }
      %dma_wait3A_75 = arith.constant 0 : i32
      %dma_wait3A_76 = arith.constant 1 : i32
      %dma_wait3A_77 = arith.constant 0 : i32
      %dma_wait3A_78 = arith.constant 0 : i32
      %dma_wait3A_79 = tpu.memref_slice %arg9[%dma_wait3A_76, %dma_wait3A_77, %dma_wait3A_78] : memref<2x128x128xf32, #tpu.memory_space<vmem>> -> memref<1x128x128xf32, #tpu.memory_space<vmem>>
      %dma_wait3A_80 = tpu.memref_squeeze %dma_wait3A_79 : memref<1x128x128xf32, #tpu.memory_space<vmem>> -> memref<128x128xf32, #tpu.memory_space<vmem>>
      %dma_wait3A_81 = arith.constant 0 : i32
      %dma_wait3A_82 = tpu.memref_slice %arg7[%dma_wait3A_75, %dma_wait3A_81] : memref<40x128xi32, #tpu.memory_space<vmem>> -> memref<1x128xi32, #tpu.memory_space<vmem>>
      %dma_wait3A_83 = tpu.memref_squeeze %dma_wait3A_82 : memref<1x128xi32, #tpu.memory_space<vmem>> -> memref<128xi32, #tpu.memory_space<vmem>>
      %dma_wait3A_84 = arith.constant 0 : i32
      %dma_wait3A_85 = arith.constant 0 : i32
      %dma_wait3A_86 = tpu.memref_slice %arg2[%dma_wait3A_84, %dma_wait3A_85] : memref<10000x128xf32, #tpu.memory_space<hbm>> -> memref<10000x128xf32, #tpu.memory_space<hbm>>
      tpu.wait_indirect_dma semaphore(%arg11 : memref<!tpu.dma_semaphore, #tpu.memory_space<semaphore_mem>>) src(%dma_wait3A_86 : memref<10000x128xf32, #tpu.memory_space<hbm>>) dst(%dma_wait3A_80 : memref<128x128xf32, #tpu.memory_space<vmem>>)
      %add3A_87 = arith.constant 1 : i32
      %add3A_88 = arith.addi %mul3A_46, %add3A_87 : i32
      %run_scoped3A_89 = arith.constant 1 : i32
      "tpu.region"() ({
        %run_scoped3A_90 = tpu.sem_alloc : memref<!tpu.dma_semaphore, #tpu.memory_space<semaphore_mem>>
        %dma_start3A_91 = arith.constant 0 : i32
        %dma_start3A_92 = arith.constant 0 : i32
        %dma_start3A_93 = tpu.memref_slice %arg9[%run_scoped3A_89, %dma_start3A_91, %dma_start3A_92] : memref<2x128x128xf32, #tpu.memory_space<vmem>> -> memref<1x128x128xf32, #tpu.memory_space<vmem>>
        %dma_start3A_94 = tpu.memref_squeeze %dma_start3A_93 : memref<1x128x128xf32, #tpu.memory_space<vmem>> -> memref<128x128xf32, #tpu.memory_space<vmem>>
        %dma_start3A_95 = arith.constant 0 : i32
        %dma_start3A_96 = tpu.memref_slice %arg8[%add3A_88, %dma_start3A_95] : memref<40x128xi32, #tpu.memory_space<vmem>> -> memref<1x128xi32, #tpu.memory_space<vmem>>
        %dma_start3A_97 = tpu.memref_squeeze %dma_start3A_96 : memref<1x128xi32, #tpu.memory_space<vmem>> -> memref<128xi32, #tpu.memory_space<vmem>>
        %dma_start3A_98 = arith.constant 0 : i32
        %dma_start3A_99 = arith.constant 0 : i32
        %dma_start3A_100 = tpu.memref_slice %arg10[%dma_start3A_98, %dma_start3A_99] : memref<10240x128xf32, #tpu.memory_space<vmem_shared>> -> memref<10240x128xf32, #tpu.memory_space<vmem_shared>>
        tpu.enqueue_indirect_dma source(%dma_start3A_94 : memref<128x128xf32, #tpu.memory_space<vmem>>) target(%dma_start3A_100 : memref<10240x128xf32, #tpu.memory_space<vmem_shared>>) offsets(%dma_start3A_97 : memref<128xi32, #tpu.memory_space<vmem>>) semaphore(%run_scoped3A_90 : memref<!tpu.dma_semaphore, #tpu.memory_space<semaphore_mem>>) {add = true}
        %dma_wait3A_101 = arith.constant 0 : i32
        %dma_wait3A_102 = arith.constant 0 : i32
        %dma_wait3A_103 = tpu.memref_slice %arg9[%run_scoped3A_89, %dma_wait3A_101, %dma_wait3A_102] : memref<2x128x128xf32, #tpu.memory_space<vmem>> -> memref<1x128x128xf32, #tpu.memory_space<vmem>>
        %dma_wait3A_104 = tpu.memref_squeeze %dma_wait3A_103 : memref<1x128x128xf32, #tpu.memory_space<vmem>> -> memref<128x128xf32, #tpu.memory_space<vmem>>
        %dma_wait3A_105 = arith.constant 0 : i32
        %dma_wait3A_106 = tpu.memref_slice %arg8[%add3A_88, %dma_wait3A_105] : memref<40x128xi32, #tpu.memory_space<vmem>> -> memref<1x128xi32, #tpu.memory_space<vmem>>
        %dma_wait3A_107 = tpu.memref_squeeze %dma_wait3A_106 : memref<1x128xi32, #tpu.memory_space<vmem>> -> memref<128xi32, #tpu.memory_space<vmem>>
        %dma_wait3A_108 = arith.constant 0 : i32
        %dma_wait3A_109 = arith.constant 0 : i32
        %dma_wait3A_110 = tpu.memref_slice %arg10[%dma_wait3A_108, %dma_wait3A_109] : memref<10240x128xf32, #tpu.memory_space<vmem_shared>> -> memref<10240x128xf32, #tpu.memory_space<vmem_shared>>
        tpu.wait_indirect_dma semaphore(%run_scoped3A_90 : memref<!tpu.dma_semaphore, #tpu.memory_space<semaphore_mem>>) src(%dma_wait3A_104 : memref<128x128xf32, #tpu.memory_space<vmem>>) dst(%dma_wait3A_110 : memref<10240x128xf32, #tpu.memory_space<vmem_shared>>)
        tpu.yield
      }) : () -> ()
    }
    %scan3A_20 = arith.constant 20 : i32
    "tpu.region"() ({
      %run_scoped3A = tpu.sem_alloc : memref<!tpu.dma_semaphore, #tpu.memory_space<semaphore_mem>>
      %dma_start3A_44 = arith.constant 40 : i32
      %dma_start3A_45 = arith.constant 0 : i32
      %dma_start3A_46 = tpu.memref_slice %arg3[%add3A, %dma_start3A_44, %dma_start3A_45] : memref<32x80x128xi32, #tpu.memory_space<hbm>> -> memref<1x40x128xi32, #tpu.memory_space<hbm>>
      %dma_start3A_47 = tpu.memref_squeeze %dma_start3A_46 : memref<1x40x128xi32, #tpu.memory_space<hbm>> -> memref<40x128xi32, #tpu.memory_space<hbm>>
      %dma_start3A_48 = arith.constant 40 : i32
      %dma_start3A_49 = arith.constant 0 : i32
      %dma_start3A_50 = tpu.memref_slice %arg3[%add3A, %dma_start3A_48, %dma_start3A_49] : memref<32x80x128xi32, #tpu.memory_space<hbm>> -> memref<1x40x128xi32, #tpu.memory_space<hbm>>
      %dma_start3A_51 = tpu.memref_squeeze %dma_start3A_50 : memref<1x40x128xi32, #tpu.memory_space<hbm>> -> memref<40x128xi32, #tpu.memory_space<hbm>>
      tpu.enqueue_dma source(%dma_start3A_51 : memref<40x128xi32, #tpu.memory_space<hbm>>) target(%arg7 : memref<40x128xi32, #tpu.memory_space<vmem>>) target_semaphore(%run_scoped3A : memref<!tpu.dma_semaphore, #tpu.memory_space<semaphore_mem>>)
      %dma_wait3A = arith.constant 40 : i32
      %dma_wait3A_52 = arith.constant 0 : i32
      %dma_wait3A_53 = tpu.memref_slice %arg3[%add3A, %dma_wait3A, %dma_wait3A_52] : memref<32x80x128xi32, #tpu.memory_space<hbm>> -> memref<1x40x128xi32, #tpu.memory_space<hbm>>
      %dma_wait3A_54 = tpu.memref_squeeze %dma_wait3A_53 : memref<1x40x128xi32, #tpu.memory_space<hbm>> -> memref<40x128xi32, #tpu.memory_space<hbm>>
      %dma_wait3A_55 = arith.constant 40 : i32
      %dma_wait3A_56 = arith.constant 0 : i32
      %dma_wait3A_57 = tpu.memref_slice %arg3[%add3A, %dma_wait3A_55, %dma_wait3A_56] : memref<32x80x128xi32, #tpu.memory_space<hbm>> -> memref<1x40x128xi32, #tpu.memory_space<hbm>>
      %dma_wait3A_58 = tpu.memref_squeeze %dma_wait3A_57 : memref<1x40x128xi32, #tpu.memory_space<hbm>> -> memref<40x128xi32, #tpu.memory_space<hbm>>
      tpu.wait_dma2 semaphore(%run_scoped3A : memref<!tpu.dma_semaphore, #tpu.memory_space<semaphore_mem>>) src(%dma_wait3A_58 : memref<40x128xi32, #tpu.memory_space<hbm>>) dst(%arg7 : memref<40x128xi32, #tpu.memory_space<vmem>>)
      tpu.yield
    }) : () -> ()
    "tpu.region"() ({
      %run_scoped3A = tpu.sem_alloc : memref<!tpu.dma_semaphore, #tpu.memory_space<semaphore_mem>>
      %dma_start3A_44 = arith.constant 40 : i32
      %dma_start3A_45 = arith.constant 0 : i32
      %dma_start3A_46 = tpu.memref_slice %arg4[%add3A, %dma_start3A_44, %dma_start3A_45] : memref<32x80x128xi32, #tpu.memory_space<hbm>> -> memref<1x40x128xi32, #tpu.memory_space<hbm>>
      %dma_start3A_47 = tpu.memref_squeeze %dma_start3A_46 : memref<1x40x128xi32, #tpu.memory_space<hbm>> -> memref<40x128xi32, #tpu.memory_space<hbm>>
      %dma_start3A_48 = arith.constant 40 : i32
      %dma_start3A_49 = arith.constant 0 : i32
      %dma_start3A_50 = tpu.memref_slice %arg4[%add3A, %dma_start3A_48, %dma_start3A_49] : memref<32x80x128xi32, #tpu.memory_space<hbm>> -> memref<1x40x128xi32, #tpu.memory_space<hbm>>
      %dma_start3A_51 = tpu.memref_squeeze %dma_start3A_50 : memref<1x40x128xi32, #tpu.memory_space<hbm>> -> memref<40x128xi32, #tpu.memory_space<hbm>>
      tpu.enqueue_dma source(%dma_start3A_51 : memref<40x128xi32, #tpu.memory_space<hbm>>) target(%arg8 : memref<40x128xi32, #tpu.memory_space<vmem>>) target_semaphore(%run_scoped3A : memref<!tpu.dma_semaphore, #tpu.memory_space<semaphore_mem>>)
      %dma_wait3A = arith.constant 40 : i32
      %dma_wait3A_52 = arith.constant 0 : i32
      %dma_wait3A_53 = tpu.memref_slice %arg4[%add3A, %dma_wait3A, %dma_wait3A_52] : memref<32x80x128xi32, #tpu.memory_space<hbm>> -> memref<1x40x128xi32, #tpu.memory_space<hbm>>
      %dma_wait3A_54 = tpu.memref_squeeze %dma_wait3A_53 : memref<1x40x128xi32, #tpu.memory_space<hbm>> -> memref<40x128xi32, #tpu.memory_space<hbm>>
      %dma_wait3A_55 = arith.constant 40 : i32
      %dma_wait3A_56 = arith.constant 0 : i32
      %dma_wait3A_57 = tpu.memref_slice %arg4[%add3A, %dma_wait3A_55, %dma_wait3A_56] : memref<32x80x128xi32, #tpu.memory_space<hbm>> -> memref<1x40x128xi32, #tpu.memory_space<hbm>>
      %dma_wait3A_58 = tpu.memref_squeeze %dma_wait3A_57 : memref<1x40x128xi32, #tpu.memory_space<hbm>> -> memref<40x128xi32, #tpu.memory_space<hbm>>
      tpu.wait_dma2 semaphore(%run_scoped3A : memref<!tpu.dma_semaphore, #tpu.memory_space<semaphore_mem>>) src(%dma_wait3A_58 : memref<40x128xi32, #tpu.memory_space<hbm>>) dst(%arg8 : memref<40x128xi32, #tpu.memory_space<vmem>>)
      tpu.yield
    }) : () -> ()
    %dma_start3A_21 = arith.constant 0 : i32
    %dma_start3A_22 = arith.constant 0 : i32
    %dma_start3A_23 = arith.constant 0 : i32
    %dma_start3A_24 = arith.constant 0 : i32
    %dma_start3A_25 = tpu.memref_slice %arg9[%dma_start3A_22, %dma_start3A_23, %dma_start3A_24] : memref<2x128x128xf32, #tpu.memory_space<vmem>> -> memref<1x128x128xf32, #tpu.memory_space<vmem>>
    %dma_start3A_26 = tpu.memref_squeeze %dma_start3A_25 : memref<1x128x128xf32, #tpu.memory_space<vmem>> -> memref<128x128xf32, #tpu.memory_space<vmem>>
    %dma_start3A_27 = arith.constant 0 : i32
    %dma_start3A_28 = tpu.memref_slice %arg7[%dma_start3A_21, %dma_start3A_27] : memref<40x128xi32, #tpu.memory_space<vmem>> -> memref<1x128xi32, #tpu.memory_space<vmem>>
    %dma_start3A_29 = tpu.memref_squeeze %dma_start3A_28 : memref<1x128xi32, #tpu.memory_space<vmem>> -> memref<128xi32, #tpu.memory_space<vmem>>
    %dma_start3A_30 = arith.constant 0 : i32
    %dma_start3A_31 = arith.constant 0 : i32
    %dma_start3A_32 = tpu.memref_slice %arg2[%dma_start3A_30, %dma_start3A_31] : memref<10000x128xf32, #tpu.memory_space<hbm>> -> memref<10000x128xf32, #tpu.memory_space<hbm>>
    tpu.enqueue_indirect_dma source(%dma_start3A_32 : memref<10000x128xf32, #tpu.memory_space<hbm>>) target(%dma_start3A_26 : memref<128x128xf32, #tpu.memory_space<vmem>>) offsets(%dma_start3A_29 : memref<128xi32, #tpu.memory_space<vmem>>) semaphore(%arg11 : memref<!tpu.dma_semaphore, #tpu.memory_space<semaphore_mem>>)
    %scan3A_33 = arith.constant 0 : i32
    %scan3A_34 = arith.constant 0 : i32
    %scan3A_35 = arith.constant 20 : i32
    %scan3A_36 = arith.addi %scan3A_34, %scan3A_35 : i32
    %scan3A_37 = arith.constant 1 : i32
    scf.for %scan3A_44 = %scan3A_34 to %scan3A_36 step %scan3A_37  : i32 {
      %mul3A_45 = arith.constant 2 : i32
      %mul3A_46 = arith.muli %mul3A_45, %scan3A_44 : i32
      %add3A_47 = arith.constant 1 : i32
      %add3A_48 = arith.addi %mul3A_46, %add3A_47 : i32
      %dma_start3A_49 = arith.constant 1 : i32
      %dma_start3A_50 = arith.constant 0 : i32
      %dma_start3A_51 = arith.constant 0 : i32
      %dma_start3A_52 = tpu.memref_slice %arg9[%dma_start3A_49, %dma_start3A_50, %dma_start3A_51] : memref<2x128x128xf32, #tpu.memory_space<vmem>> -> memref<1x128x128xf32, #tpu.memory_space<vmem>>
      %dma_start3A_53 = tpu.memref_squeeze %dma_start3A_52 : memref<1x128x128xf32, #tpu.memory_space<vmem>> -> memref<128x128xf32, #tpu.memory_space<vmem>>
      %dma_start3A_54 = arith.constant 0 : i32
      %dma_start3A_55 = tpu.memref_slice %arg7[%add3A_48, %dma_start3A_54] : memref<40x128xi32, #tpu.memory_space<vmem>> -> memref<1x128xi32, #tpu.memory_space<vmem>>
      %dma_start3A_56 = tpu.memref_squeeze %dma_start3A_55 : memref<1x128xi32, #tpu.memory_space<vmem>> -> memref<128xi32, #tpu.memory_space<vmem>>
      %dma_start3A_57 = arith.constant 0 : i32
      %dma_start3A_58 = arith.constant 0 : i32
      %dma_start3A_59 = tpu.memref_slice %arg2[%dma_start3A_57, %dma_start3A_58] : memref<10000x128xf32, #tpu.memory_space<hbm>> -> memref<10000x128xf32, #tpu.memory_space<hbm>>
      tpu.enqueue_indirect_dma source(%dma_start3A_59 : memref<10000x128xf32, #tpu.memory_space<hbm>>) target(%dma_start3A_53 : memref<128x128xf32, #tpu.memory_space<vmem>>) offsets(%dma_start3A_56 : memref<128xi32, #tpu.memory_space<vmem>>) semaphore(%arg11 : memref<!tpu.dma_semaphore, #tpu.memory_space<semaphore_mem>>)
      %dma_wait3A = arith.constant 0 : i32
      %dma_wait3A_60 = arith.constant 0 : i32
      %dma_wait3A_61 = arith.constant 0 : i32
      %dma_wait3A_62 = arith.constant 0 : i32
      %dma_wait3A_63 = tpu.memref_slice %arg9[%dma_wait3A_60, %dma_wait3A_61, %dma_wait3A_62] : memref<2x128x128xf32, #tpu.memory_space<vmem>> -> memref<1x128x128xf32, #tpu.memory_space<vmem>>
      %dma_wait3A_64 = tpu.memref_squeeze %dma_wait3A_63 : memref<1x128x128xf32, #tpu.memory_space<vmem>> -> memref<128x128xf32, #tpu.memory_space<vmem>>
      %dma_wait3A_65 = arith.constant 0 : i32
      %dma_wait3A_66 = tpu.memref_slice %arg7[%dma_wait3A, %dma_wait3A_65] : memref<40x128xi32, #tpu.memory_space<vmem>> -> memref<1x128xi32, #tpu.memory_space<vmem>>
      %dma_wait3A_67 = tpu.memref_squeeze %dma_wait3A_66 : memref<1x128xi32, #tpu.memory_space<vmem>> -> memref<128xi32, #tpu.memory_space<vmem>>
      %dma_wait3A_68 = arith.constant 0 : i32
      %dma_wait3A_69 = arith.constant 0 : i32
      %dma_wait3A_70 = tpu.memref_slice %arg2[%dma_wait3A_68, %dma_wait3A_69] : memref<10000x128xf32, #tpu.memory_space<hbm>> -> memref<10000x128xf32, #tpu.memory_space<hbm>>
      tpu.wait_indirect_dma semaphore(%arg11 : memref<!tpu.dma_semaphore, #tpu.memory_space<semaphore_mem>>) src(%dma_wait3A_70 : memref<10000x128xf32, #tpu.memory_space<hbm>>) dst(%dma_wait3A_64 : memref<128x128xf32, #tpu.memory_space<vmem>>)
      %run_scoped3A = arith.constant 0 : i32
      "tpu.region"() ({
        %run_scoped3A_90 = tpu.sem_alloc : memref<!tpu.dma_semaphore, #tpu.memory_space<semaphore_mem>>
        %dma_start3A_91 = arith.constant 0 : i32
        %dma_start3A_92 = arith.constant 0 : i32
        %dma_start3A_93 = tpu.memref_slice %arg9[%run_scoped3A, %dma_start3A_91, %dma_start3A_92] : memref<2x128x128xf32, #tpu.memory_space<vmem>> -> memref<1x128x128xf32, #tpu.memory_space<vmem>>
        %dma_start3A_94 = tpu.memref_squeeze %dma_start3A_93 : memref<1x128x128xf32, #tpu.memory_space<vmem>> -> memref<128x128xf32, #tpu.memory_space<vmem>>
        %dma_start3A_95 = arith.constant 0 : i32
        %dma_start3A_96 = tpu.memref_slice %arg8[%mul3A_46, %dma_start3A_95] : memref<40x128xi32, #tpu.memory_space<vmem>> -> memref<1x128xi32, #tpu.memory_space<vmem>>
        %dma_start3A_97 = tpu.memref_squeeze %dma_start3A_96 : memref<1x128xi32, #tpu.memory_space<vmem>> -> memref<128xi32, #tpu.memory_space<vmem>>
        %dma_start3A_98 = arith.constant 0 : i32
        %dma_start3A_99 = arith.constant 0 : i32
        %dma_start3A_100 = tpu.memref_slice %arg10[%dma_start3A_98, %dma_start3A_99] : memref<10240x128xf32, #tpu.memory_space<vmem_shared>> -> memref<10240x128xf32, #tpu.memory_space<vmem_shared>>
        tpu.enqueue_indirect_dma source(%dma_start3A_94 : memref<128x128xf32, #tpu.memory_space<vmem>>) target(%dma_start3A_100 : memref<10240x128xf32, #tpu.memory_space<vmem_shared>>) offsets(%dma_start3A_97 : memref<128xi32, #tpu.memory_space<vmem>>) semaphore(%run_scoped3A_90 : memref<!tpu.dma_semaphore, #tpu.memory_space<semaphore_mem>>) {add = true}
        %dma_wait3A_101 = arith.constant 0 : i32
        %dma_wait3A_102 = arith.constant 0 : i32
        %dma_wait3A_103 = tpu.memref_slice %arg9[%run_scoped3A, %dma_wait3A_101, %dma_wait3A_102] : memref<2x128x128xf32, #tpu.memory_space<vmem>> -> memref<1x128x128xf32, #tpu.memory_space<vmem>>
        %dma_wait3A_104 = tpu.memref_squeeze %dma_wait3A_103 : memref<1x128x128xf32, #tpu.memory_space<vmem>> -> memref<128x128xf32, #tpu.memory_space<vmem>>
        %dma_wait3A_105 = arith.constant 0 : i32
        %dma_wait3A_106 = tpu.memref_slice %arg8[%mul3A_46, %dma_wait3A_105] : memref<40x128xi32, #tpu.memory_space<vmem>> -> memref<1x128xi32, #tpu.memory_space<vmem>>
        %dma_wait3A_107 = tpu.memref_squeeze %dma_wait3A_106 : memref<1x128xi32, #tpu.memory_space<vmem>> -> memref<128xi32, #tpu.memory_space<vmem>>
        %dma_wait3A_108 = arith.constant 0 : i32
        %dma_wait3A_109 = arith.constant 0 : i32
        %dma_wait3A_110 = tpu.memref_slice %arg10[%dma_wait3A_108, %dma_wait3A_109] : memref<10240x128xf32, #tpu.memory_space<vmem_shared>> -> memref<10240x128xf32, #tpu.memory_space<vmem_shared>>
        tpu.wait_indirect_dma semaphore(%run_scoped3A_90 : memref<!tpu.dma_semaphore, #tpu.memory_space<semaphore_mem>>) src(%dma_wait3A_104 : memref<128x128xf32, #tpu.memory_space<vmem>>) dst(%dma_wait3A_110 : memref<10240x128xf32, #tpu.memory_space<vmem_shared>>)
        tpu.yield
      }) : () -> ()
      %add3A_71 = arith.constant 1 : i32
      %add3A_72 = arith.addi %scan3A_44, %add3A_71 : i32
      %lt3A = arith.constant 20 : i32
      %lt3A_73 = arith.cmpi slt, %add3A_72, %lt3A : i32
      %convert_element_type3A = arith.extui %lt3A_73 : i1 to i32
      %cond3A = arith.constant 0 : i32
      %cond3A_74 = arith.cmpi ne, %convert_element_type3A, %cond3A : i32
      scf.if %cond3A_74 {
        %add3A_90 = arith.constant 2 : i32
        %add3A_91 = arith.addi %mul3A_46, %add3A_90 : i32
        %dma_start3A_92 = arith.constant 0 : i32
        %dma_start3A_93 = arith.constant 0 : i32
        %dma_start3A_94 = arith.constant 0 : i32
        %dma_start3A_95 = tpu.memref_slice %arg9[%dma_start3A_92, %dma_start3A_93, %dma_start3A_94] : memref<2x128x128xf32, #tpu.memory_space<vmem>> -> memref<1x128x128xf32, #tpu.memory_space<vmem>>
        %dma_start3A_96 = tpu.memref_squeeze %dma_start3A_95 : memref<1x128x128xf32, #tpu.memory_space<vmem>> -> memref<128x128xf32, #tpu.memory_space<vmem>>
        %dma_start3A_97 = arith.constant 0 : i32
        %dma_start3A_98 = tpu.memref_slice %arg7[%add3A_91, %dma_start3A_97] : memref<40x128xi32, #tpu.memory_space<vmem>> -> memref<1x128xi32, #tpu.memory_space<vmem>>
        %dma_start3A_99 = tpu.memref_squeeze %dma_start3A_98 : memref<1x128xi32, #tpu.memory_space<vmem>> -> memref<128xi32, #tpu.memory_space<vmem>>
        %dma_start3A_100 = arith.constant 0 : i32
        %dma_start3A_101 = arith.constant 0 : i32
        %dma_start3A_102 = tpu.memref_slice %arg2[%dma_start3A_100, %dma_start3A_101] : memref<10000x128xf32, #tpu.memory_space<hbm>> -> memref<10000x128xf32, #tpu.memory_space<hbm>>
        tpu.enqueue_indirect_dma source(%dma_start3A_102 : memref<10000x128xf32, #tpu.memory_space<hbm>>) target(%dma_start3A_96 : memref<128x128xf32, #tpu.memory_space<vmem>>) offsets(%dma_start3A_99 : memref<128xi32, #tpu.memory_space<vmem>>) semaphore(%arg11 : memref<!tpu.dma_semaphore, #tpu.memory_space<semaphore_mem>>)
      } else {
      }
      %dma_wait3A_75 = arith.constant 0 : i32
      %dma_wait3A_76 = arith.constant 1 : i32
      %dma_wait3A_77 = arith.constant 0 : i32
      %dma_wait3A_78 = arith.constant 0 : i32
      %dma_wait3A_79 = tpu.memref_slice %arg9[%dma_wait3A_76, %dma_wait3A_77, %dma_wait3A_78] : memref<2x128x128xf32, #tpu.memory_space<vmem>> -> memref<1x128x128xf32, #tpu.memory_space<vmem>>
      %dma_wait3A_80 = tpu.memref_squeeze %dma_wait3A_79 : memref<1x128x128xf32, #tpu.memory_space<vmem>> -> memref<128x128xf32, #tpu.memory_space<vmem>>
      %dma_wait3A_81 = arith.constant 0 : i32
      %dma_wait3A_82 = tpu.memref_slice %arg7[%dma_wait3A_75, %dma_wait3A_81] : memref<40x128xi32, #tpu.memory_space<vmem>> -> memref<1x128xi32, #tpu.memory_space<vmem>>
      %dma_wait3A_83 = tpu.memref_squeeze %dma_wait3A_82 : memref<1x128xi32, #tpu.memory_space<vmem>> -> memref<128xi32, #tpu.memory_space<vmem>>
      %dma_wait3A_84 = arith.constant 0 : i32
      %dma_wait3A_85 = arith.constant 0 : i32
      %dma_wait3A_86 = tpu.memref_slice %arg2[%dma_wait3A_84, %dma_wait3A_85] : memref<10000x128xf32, #tpu.memory_space<hbm>> -> memref<10000x128xf32, #tpu.memory_space<hbm>>
      tpu.wait_indirect_dma semaphore(%arg11 : memref<!tpu.dma_semaphore, #tpu.memory_space<semaphore_mem>>) src(%dma_wait3A_86 : memref<10000x128xf32, #tpu.memory_space<hbm>>) dst(%dma_wait3A_80 : memref<128x128xf32, #tpu.memory_space<vmem>>)
      %add3A_87 = arith.constant 1 : i32
      %add3A_88 = arith.addi %mul3A_46, %add3A_87 : i32
      %run_scoped3A_89 = arith.constant 1 : i32
      "tpu.region"() ({
        %run_scoped3A_90 = tpu.sem_alloc : memref<!tpu.dma_semaphore, #tpu.memory_space<semaphore_mem>>
        %dma_start3A_91 = arith.constant 0 : i32
        %dma_start3A_92 = arith.constant 0 : i32
        %dma_start3A_93 = tpu.memref_slice %arg9[%run_scoped3A_89, %dma_start3A_91, %dma_start3A_92] : memref<2x128x128xf32, #tpu.memory_space<vmem>> -> memref<1x128x128xf32, #tpu.memory_space<vmem>>
        %dma_start3A_94 = tpu.memref_squeeze %dma_start3A_93 : memref<1x128x128xf32, #tpu.memory_space<vmem>> -> memref<128x128xf32, #tpu.memory_space<vmem>>
        %dma_start3A_95 = arith.constant 0 : i32
        %dma_start3A_96 = tpu.memref_slice %arg8[%add3A_88, %dma_start3A_95] : memref<40x128xi32, #tpu.memory_space<vmem>> -> memref<1x128xi32, #tpu.memory_space<vmem>>
        %dma_start3A_97 = tpu.memref_squeeze %dma_start3A_96 : memref<1x128xi32, #tpu.memory_space<vmem>> -> memref<128xi32, #tpu.memory_space<vmem>>
        %dma_start3A_98 = arith.constant 0 : i32
        %dma_start3A_99 = arith.constant 0 : i32
        %dma_start3A_100 = tpu.memref_slice %arg10[%dma_start3A_98, %dma_start3A_99] : memref<10240x128xf32, #tpu.memory_space<vmem_shared>> -> memref<10240x128xf32, #tpu.memory_space<vmem_shared>>
        tpu.enqueue_indirect_dma source(%dma_start3A_94 : memref<128x128xf32, #tpu.memory_space<vmem>>) target(%dma_start3A_100 : memref<10240x128xf32, #tpu.memory_space<vmem_shared>>) offsets(%dma_start3A_97 : memref<128xi32, #tpu.memory_space<vmem>>) semaphore(%run_scoped3A_90 : memref<!tpu.dma_semaphore, #tpu.memory_space<semaphore_mem>>) {add = true}
        %dma_wait3A_101 = arith.constant 0 : i32
        %dma_wait3A_102 = arith.constant 0 : i32
        %dma_wait3A_103 = tpu.memref_slice %arg9[%run_scoped3A_89, %dma_wait3A_101, %dma_wait3A_102] : memref<2x128x128xf32, #tpu.memory_space<vmem>> -> memref<1x128x128xf32, #tpu.memory_space<vmem>>
        %dma_wait3A_104 = tpu.memref_squeeze %dma_wait3A_103 : memref<1x128x128xf32, #tpu.memory_space<vmem>> -> memref<128x128xf32, #tpu.memory_space<vmem>>
        %dma_wait3A_105 = arith.constant 0 : i32
        %dma_wait3A_106 = tpu.memref_slice %arg8[%add3A_88, %dma_wait3A_105] : memref<40x128xi32, #tpu.memory_space<vmem>> -> memref<1x128xi32, #tpu.memory_space<vmem>>
        %dma_wait3A_107 = tpu.memref_squeeze %dma_wait3A_106 : memref<1x128xi32, #tpu.memory_space<vmem>> -> memref<128xi32, #tpu.memory_space<vmem>>
        %dma_wait3A_108 = arith.constant 0 : i32
        %dma_wait3A_109 = arith.constant 0 : i32
        %dma_wait3A_110 = tpu.memref_slice %arg10[%dma_wait3A_108, %dma_wait3A_109] : memref<10240x128xf32, #tpu.memory_space<vmem_shared>> -> memref<10240x128xf32, #tpu.memory_space<vmem_shared>>
        tpu.wait_indirect_dma semaphore(%run_scoped3A_90 : memref<!tpu.dma_semaphore, #tpu.memory_space<semaphore_mem>>) src(%dma_wait3A_104 : memref<128x128xf32, #tpu.memory_space<vmem>>) dst(%dma_wait3A_110 : memref<10240x128xf32, #tpu.memory_space<vmem_shared>>)
        tpu.yield
      }) : () -> ()
    }
    %scan3A_38 = arith.constant 20 : i32
    %barrier3A_39 = arith.constant 0 : index
    tpu.barrier barrier_id(%barrier3A_39)
    %mul3A_40 = arith.constant 640 : i32
    %mul3A_41 = arith.muli %arg1, %mul3A_40 : i32
    %mul3A_42 = arith.constant 640 : i32
    %mul3A_43 = arith.muli %arg1, %mul3A_42 : i32
    "tpu.region"() ({
      %run_scoped3A = tpu.sem_alloc : memref<!tpu.dma_semaphore, #tpu.memory_space<semaphore_mem>>
      %dma_start3A_44 = arith.constant 0 : i32
      %dma_start3A_45 = tpu.memref_slice %arg6[%arg0, %mul3A_43, %dma_start3A_44] : memref<2x10240x128xf32, #tpu.memory_space<hbm>> -> memref<1x640x128xf32, #tpu.memory_space<hbm>>
      %dma_start3A_46 = tpu.memref_squeeze %dma_start3A_45 : memref<1x640x128xf32, #tpu.memory_space<hbm>> -> memref<640x128xf32, #tpu.memory_space<hbm>>
      %dma_start3A_47 = arith.constant 0 : i32
      %dma_start3A_48 = tpu.memref_slice %arg10[%mul3A_41, %dma_start3A_47] : memref<10240x128xf32, #tpu.memory_space<vmem_shared>> -> memref<640x128xf32, #tpu.memory_space<vmem_shared>>
      tpu.enqueue_dma source(%dma_start3A_48 : memref<640x128xf32, #tpu.memory_space<vmem_shared>>) target(%dma_start3A_46 : memref<640x128xf32, #tpu.memory_space<hbm>>) target_semaphore(%run_scoped3A : memref<!tpu.dma_semaphore, #tpu.memory_space<semaphore_mem>>)
      %dma_wait3A = arith.constant 0 : i32
      %dma_wait3A_49 = tpu.memref_slice %arg6[%arg0, %mul3A_43, %dma_wait3A] : memref<2x10240x128xf32, #tpu.memory_space<hbm>> -> memref<1x640x128xf32, #tpu.memory_space<hbm>>
      %dma_wait3A_50 = tpu.memref_squeeze %dma_wait3A_49 : memref<1x640x128xf32, #tpu.memory_space<hbm>> -> memref<640x128xf32, #tpu.memory_space<hbm>>
      %dma_wait3A_51 = arith.constant 0 : i32
      %dma_wait3A_52 = tpu.memref_slice %arg10[%mul3A_41, %dma_wait3A_51] : memref<10240x128xf32, #tpu.memory_space<vmem_shared>> -> memref<640x128xf32, #tpu.memory_space<vmem_shared>>
      tpu.wait_dma2 semaphore(%run_scoped3A : memref<!tpu.dma_semaphore, #tpu.memory_space<semaphore_mem>>) src(%dma_wait3A_52 : memref<640x128xf32, #tpu.memory_space<vmem_shared>>) dst(%dma_wait3A_50 : memref<640x128xf32, #tpu.memory_space<hbm>>)
      tpu.yield
    }) : () -> ()
    return
  }
}

#map = affine_map<(d0, d1) -> (0, 0)>
#map1 = affine_map<(d0, d1) -> (0, 0, 0)>
module attributes {stable_mosaic.version = 14 : i64} {
  func.func @prop_kernel(%arg0: i32, %arg1: i32, %arg2: memref<10000x128xf32, #tpu.memory_space<hbm>>, %arg3: memref<32x80x128xi32, #tpu.memory_space<hbm>>, %arg4: memref<32x80x128xi32, #tpu.memory_space<hbm>>, %arg5: memref<10240x128xf32, #tpu.memory_space<hbm>>, %arg6: memref<2x10240x128xf32, #tpu.memory_space<hbm>>, %arg7: memref<40x128xi32, #tpu.memory_space<vmem>>, %arg8: memref<40x128xi32, #tpu.memory_space<vmem>>, %arg9: memref<2x128x128xf32, #tpu.memory_space<vmem>>, %arg10: memref<10240x128xf32, #tpu.memory_space<vmem_shared>>, %arg11: memref<!tpu.dma_semaphore, #tpu.memory_space<semaphore_mem>>) attributes {dimension_semantics = [#tpu.dimension_semantics<core_parallel>, #tpu.dimension_semantics<subcore_parallel>], iteration_bounds = array<i64: 2, 16>, scalar_prefetch = 0 : i64, scratch_operands = 5 : i64, tpu.core_type = #tpu.core_type<sc_vector_subcore>, window_params = [{transform_indices = #map}, {transform_indices = #map1}, {transform_indices = #map1}, {transform_indices = #map}, {transform_indices = #map1}]} {
    %mul3A = arith.constant 16 : i32
    %mul3A_0 = arith.muli %arg0, %mul3A : i32
    %add3A = arith.addi %mul3A_0, %arg1 : i32
    %mul3A_1 = arith.constant 640 : i32
    %mul3A_2 = arith.muli %arg1, %mul3A_1 : i32
    %mul3A_3 = arith.constant 640 : i32
    %mul3A_4 = arith.muli %arg1, %mul3A_3 : i32
    "tpu.region"() ({
      %run_scoped3A = tpu.sem_alloc : memref<!tpu.dma_semaphore, #tpu.memory_space<semaphore_mem>>
      %dma_start3A_44 = arith.constant 0 : i32
      %dma_start3A_45 = tpu.memref_slice %arg10[%mul3A_4, %dma_start3A_44] : memref<10240x128xf32, #tpu.memory_space<vmem_shared>> -> memref<640x128xf32, #tpu.memory_space<vmem_shared>>
      %dma_start3A_46 = arith.constant 0 : i32
      %dma_start3A_47 = tpu.memref_slice %arg5[%mul3A_2, %dma_start3A_46] : memref<10240x128xf32, #tpu.memory_space<hbm>> -> memref<640x128xf32, #tpu.memory_space<hbm>>
      tpu.enqueue_dma source(%dma_start3A_47 : memref<640x128xf32, #tpu.memory_space<hbm>>) target(%dma_start3A_45 : memref<640x128xf32, #tpu.memory_space<vmem_shared>>) target_semaphore(%run_scoped3A : memref<!tpu.dma_semaphore, #tpu.memory_space<semaphore_mem>>)
      %dma_wait3A = arith.constant 0 : i32
      %dma_wait3A_48 = tpu.memref_slice %arg10[%mul3A_4, %dma_wait3A] : memref<10240x128xf32, #tpu.memory_space<vmem_shared>> -> memref<640x128xf32, #tpu.memory_space<vmem_shared>>
      %dma_wait3A_49 = arith.constant 0 : i32
      %dma_wait3A_50 = tpu.memref_slice %arg5[%mul3A_2, %dma_wait3A_49] : memref<10240x128xf32, #tpu.memory_space<hbm>> -> memref<640x128xf32, #tpu.memory_space<hbm>>
      tpu.wait_dma2 semaphore(%run_scoped3A : memref<!tpu.dma_semaphore, #tpu.memory_space<semaphore_mem>>) src(%dma_wait3A_50 : memref<640x128xf32, #tpu.memory_space<hbm>>) dst(%dma_wait3A_48 : memref<640x128xf32, #tpu.memory_space<vmem_shared>>)
      tpu.yield
    }) : () -> ()
    "tpu.region"() ({
      %run_scoped3A = tpu.sem_alloc : memref<!tpu.dma_semaphore, #tpu.memory_space<semaphore_mem>>
      %dma_start3A_44 = arith.constant 0 : i32
      %dma_start3A_45 = arith.constant 0 : i32
      %dma_start3A_46 = tpu.memref_slice %arg3[%add3A, %dma_start3A_44, %dma_start3A_45] : memref<32x80x128xi32, #tpu.memory_space<hbm>> -> memref<1x40x128xi32, #tpu.memory_space<hbm>>
      %dma_start3A_47 = tpu.memref_squeeze %dma_start3A_46 : memref<1x40x128xi32, #tpu.memory_space<hbm>> -> memref<40x128xi32, #tpu.memory_space<hbm>>
      %dma_start3A_48 = arith.constant 0 : i32
      %dma_start3A_49 = arith.constant 0 : i32
      %dma_start3A_50 = tpu.memref_slice %arg3[%add3A, %dma_start3A_48, %dma_start3A_49] : memref<32x80x128xi32, #tpu.memory_space<hbm>> -> memref<1x40x128xi32, #tpu.memory_space<hbm>>
      %dma_start3A_51 = tpu.memref_squeeze %dma_start3A_50 : memref<1x40x128xi32, #tpu.memory_space<hbm>> -> memref<40x128xi32, #tpu.memory_space<hbm>>
      tpu.enqueue_dma source(%dma_start3A_51 : memref<40x128xi32, #tpu.memory_space<hbm>>) target(%arg7 : memref<40x128xi32, #tpu.memory_space<vmem>>) target_semaphore(%run_scoped3A : memref<!tpu.dma_semaphore, #tpu.memory_space<semaphore_mem>>)
      %dma_wait3A = arith.constant 0 : i32
      %dma_wait3A_52 = arith.constant 0 : i32
      %dma_wait3A_53 = tpu.memref_slice %arg3[%add3A, %dma_wait3A, %dma_wait3A_52] : memref<32x80x128xi32, #tpu.memory_space<hbm>> -> memref<1x40x128xi32, #tpu.memory_space<hbm>>
      %dma_wait3A_54 = tpu.memref_squeeze %dma_wait3A_53 : memref<1x40x128xi32, #tpu.memory_space<hbm>> -> memref<40x128xi32, #tpu.memory_space<hbm>>
      %dma_wait3A_55 = arith.constant 0 : i32
      %dma_wait3A_56 = arith.constant 0 : i32
      %dma_wait3A_57 = tpu.memref_slice %arg3[%add3A, %dma_wait3A_55, %dma_wait3A_56] : memref<32x80x128xi32, #tpu.memory_space<hbm>> -> memref<1x40x128xi32, #tpu.memory_space<hbm>>
      %dma_wait3A_58 = tpu.memref_squeeze %dma_wait3A_57 : memref<1x40x128xi32, #tpu.memory_space<hbm>> -> memref<40x128xi32, #tpu.memory_space<hbm>>
      tpu.wait_dma2 semaphore(%run_scoped3A : memref<!tpu.dma_semaphore, #tpu.memory_space<semaphore_mem>>) src(%dma_wait3A_58 : memref<40x128xi32, #tpu.memory_space<hbm>>) dst(%arg7 : memref<40x128xi32, #tpu.memory_space<vmem>>)
      tpu.yield
    }) : () -> ()
    "tpu.region"() ({
      %run_scoped3A = tpu.sem_alloc : memref<!tpu.dma_semaphore, #tpu.memory_space<semaphore_mem>>
      %dma_start3A_44 = arith.constant 0 : i32
      %dma_start3A_45 = arith.constant 0 : i32
      %dma_start3A_46 = tpu.memref_slice %arg4[%add3A, %dma_start3A_44, %dma_start3A_45] : memref<32x80x128xi32, #tpu.memory_space<hbm>> -> memref<1x40x128xi32, #tpu.memory_space<hbm>>
      %dma_start3A_47 = tpu.memref_squeeze %dma_start3A_46 : memref<1x40x128xi32, #tpu.memory_space<hbm>> -> memref<40x128xi32, #tpu.memory_space<hbm>>
      %dma_start3A_48 = arith.constant 0 : i32
      %dma_start3A_49 = arith.constant 0 : i32
      %dma_start3A_50 = tpu.memref_slice %arg4[%add3A, %dma_start3A_48, %dma_start3A_49] : memref<32x80x128xi32, #tpu.memory_space<hbm>> -> memref<1x40x128xi32, #tpu.memory_space<hbm>>
      %dma_start3A_51 = tpu.memref_squeeze %dma_start3A_50 : memref<1x40x128xi32, #tpu.memory_space<hbm>> -> memref<40x128xi32, #tpu.memory_space<hbm>>
      tpu.enqueue_dma source(%dma_start3A_51 : memref<40x128xi32, #tpu.memory_space<hbm>>) target(%arg8 : memref<40x128xi32, #tpu.memory_space<vmem>>) target_semaphore(%run_scoped3A : memref<!tpu.dma_semaphore, #tpu.memory_space<semaphore_mem>>)
      %dma_wait3A = arith.constant 0 : i32
      %dma_wait3A_52 = arith.constant 0 : i32
      %dma_wait3A_53 = tpu.memref_slice %arg4[%add3A, %dma_wait3A, %dma_wait3A_52] : memref<32x80x128xi32, #tpu.memory_space<hbm>> -> memref<1x40x128xi32, #tpu.memory_space<hbm>>
      %dma_wait3A_54 = tpu.memref_squeeze %dma_wait3A_53 : memref<1x40x128xi32, #tpu.memory_space<hbm>> -> memref<40x128xi32, #tpu.memory_space<hbm>>
      %dma_wait3A_55 = arith.constant 0 : i32
      %dma_wait3A_56 = arith.constant 0 : i32
      %dma_wait3A_57 = tpu.memref_slice %arg4[%add3A, %dma_wait3A_55, %dma_wait3A_56] : memref<32x80x128xi32, #tpu.memory_space<hbm>> -> memref<1x40x128xi32, #tpu.memory_space<hbm>>
      %dma_wait3A_58 = tpu.memref_squeeze %dma_wait3A_57 : memref<1x40x128xi32, #tpu.memory_space<hbm>> -> memref<40x128xi32, #tpu.memory_space<hbm>>
      tpu.wait_dma2 semaphore(%run_scoped3A : memref<!tpu.dma_semaphore, #tpu.memory_space<semaphore_mem>>) src(%dma_wait3A_58 : memref<40x128xi32, #tpu.memory_space<hbm>>) dst(%arg8 : memref<40x128xi32, #tpu.memory_space<vmem>>)
      tpu.yield
    }) : () -> ()
    %barrier3A = arith.constant 0 : index
    tpu.barrier barrier_id(%barrier3A)
    %dma_start3A = arith.constant 0 : i32
    %dma_start3A_5 = arith.constant 0 : i32
    %dma_start3A_6 = arith.constant 0 : i32
    %dma_start3A_7 = arith.constant 0 : i32
    %dma_start3A_8 = tpu.memref_slice %arg9[%dma_start3A_5, %dma_start3A_6, %dma_start3A_7] : memref<2x128x128xf32, #tpu.memory_space<vmem>> -> memref<1x128x128xf32, #tpu.memory_space<vmem>>
    %dma_start3A_9 = tpu.memref_squeeze %dma_start3A_8 : memref<1x128x128xf32, #tpu.memory_space<vmem>> -> memref<128x128xf32, #tpu.memory_space<vmem>>
    %dma_start3A_10 = arith.constant 0 : i32
    %dma_start3A_11 = tpu.memref_slice %arg7[%dma_start3A, %dma_start3A_10] : memref<40x128xi32, #tpu.memory_space<vmem>> -> memref<1x128xi32, #tpu.memory_space<vmem>>
    %dma_start3A_12 = tpu.memref_squeeze %dma_start3A_11 : memref<1x128xi32, #tpu.memory_space<vmem>> -> memref<128xi32, #tpu.memory_space<vmem>>
    %dma_start3A_13 = arith.constant 0 : i32
    %dma_start3A_14 = arith.constant 0 : i32
    %dma_start3A_15 = tpu.memref_slice %arg2[%dma_start3A_13, %dma_start3A_14] : memref<10000x128xf32, #tpu.memory_space<hbm>> -> memref<10000x128xf32, #tpu.memory_space<hbm>>
    tpu.enqueue_indirect_dma source(%dma_start3A_15 : memref<10000x128xf32, #tpu.memory_space<hbm>>) target(%dma_start3A_9 : memref<128x128xf32, #tpu.memory_space<vmem>>) offsets(%dma_start3A_12 : memref<128xi32, #tpu.memory_space<vmem>>) semaphore(%arg11 : memref<!tpu.dma_semaphore, #tpu.memory_space<semaphore_mem>>)
    %scan3A = arith.constant 0 : i32
    %scan3A_16 = arith.constant 0 : i32
    %scan3A_17 = arith.constant 20 : i32
    %scan3A_18 = arith.addi %scan3A_16, %scan3A_17 : i32
    %scan3A_19 = arith.constant 1 : i32
    scf.for %scan3A_44 = %scan3A_16 to %scan3A_18 step %scan3A_19  : i32 {
      %mul3A_45 = arith.constant 2 : i32
      %mul3A_46 = arith.muli %mul3A_45, %scan3A_44 : i32
      %add3A_47 = arith.constant 1 : i32
      %add3A_48 = arith.addi %mul3A_46, %add3A_47 : i32
      %dma_start3A_49 = arith.constant 1 : i32
      %dma_start3A_50 = arith.constant 0 : i32
      %dma_start3A_51 = arith.constant 0 : i32
      %dma_start3A_52 = tpu.memref_slice %arg9[%dma_start3A_49, %dma_start3A_50, %dma_start3A_51] : memref<2x128x128xf32, #tpu.memory_space<vmem>> -> memref<1x128x128xf32, #tpu.memory_space<vmem>>
      %dma_start3A_53 = tpu.memref_squeeze %dma_start3A_52 : memref<1x128x128xf32, #tpu.memory_space<vmem>> -> memref<128x128xf32, #tpu.memory_space<vmem>>
      %dma_start3A_54 = arith.constant 0 : i32
      %dma_start3A_55 = tpu.memref_slice %arg7[%add3A_48, %dma_start3A_54] : memref<40x128xi32, #tpu.memory_space<vmem>> -> memref<1x128xi32, #tpu.memory_space<vmem>>
      %dma_start3A_56 = tpu.memref_squeeze %dma_start3A_55 : memref<1x128xi32, #tpu.memory_space<vmem>> -> memref<128xi32, #tpu.memory_space<vmem>>
      %dma_start3A_57 = arith.constant 0 : i32
      %dma_start3A_58 = arith.constant 0 : i32
      %dma_start3A_59 = tpu.memref_slice %arg2[%dma_start3A_57, %dma_start3A_58] : memref<10000x128xf32, #tpu.memory_space<hbm>> -> memref<10000x128xf32, #tpu.memory_space<hbm>>
      tpu.enqueue_indirect_dma source(%dma_start3A_59 : memref<10000x128xf32, #tpu.memory_space<hbm>>) target(%dma_start3A_53 : memref<128x128xf32, #tpu.memory_space<vmem>>) offsets(%dma_start3A_56 : memref<128xi32, #tpu.memory_space<vmem>>) semaphore(%arg11 : memref<!tpu.dma_semaphore, #tpu.memory_space<semaphore_mem>>)
      %dma_wait3A = arith.constant 0 : i32
      %dma_wait3A_60 = arith.constant 0 : i32
      %dma_wait3A_61 = arith.constant 0 : i32
      %dma_wait3A_62 = arith.constant 0 : i32
      %dma_wait3A_63 = tpu.memref_slice %arg9[%dma_wait3A_60, %dma_wait3A_61, %dma_wait3A_62] : memref<2x128x128xf32, #tpu.memory_space<vmem>> -> memref<1x128x128xf32, #tpu.memory_space<vmem>>
      %dma_wait3A_64 = tpu.memref_squeeze %dma_wait3A_63 : memref<1x128x128xf32, #tpu.memory_space<vmem>> -> memref<128x128xf32, #tpu.memory_space<vmem>>
      %dma_wait3A_65 = arith.constant 0 : i32
      %dma_wait3A_66 = tpu.memref_slice %arg7[%dma_wait3A, %dma_wait3A_65] : memref<40x128xi32, #tpu.memory_space<vmem>> -> memref<1x128xi32, #tpu.memory_space<vmem>>
      %dma_wait3A_67 = tpu.memref_squeeze %dma_wait3A_66 : memref<1x128xi32, #tpu.memory_space<vmem>> -> memref<128xi32, #tpu.memory_space<vmem>>
      %dma_wait3A_68 = arith.constant 0 : i32
      %dma_wait3A_69 = arith.constant 0 : i32
      %dma_wait3A_70 = tpu.memref_slice %arg2[%dma_wait3A_68, %dma_wait3A_69] : memref<10000x128xf32, #tpu.memory_space<hbm>> -> memref<10000x128xf32, #tpu.memory_space<hbm>>
      tpu.wait_indirect_dma semaphore(%arg11 : memref<!tpu.dma_semaphore, #tpu.memory_space<semaphore_mem>>) src(%dma_wait3A_70 : memref<10000x128xf32, #tpu.memory_space<hbm>>) dst(%dma_wait3A_64 : memref<128x128xf32, #tpu.memory_space<vmem>>)
      %run_scoped3A = arith.constant 0 : i32
      "tpu.region"() ({
        %run_scoped3A_90 = tpu.sem_alloc : memref<!tpu.dma_semaphore, #tpu.memory_space<semaphore_mem>>
        %dma_start3A_91 = arith.constant 0 : i32
        %dma_start3A_92 = arith.constant 0 : i32
        %dma_start3A_93 = tpu.memref_slice %arg9[%run_scoped3A, %dma_start3A_91, %dma_start3A_92] : memref<2x128x128xf32, #tpu.memory_space<vmem>> -> memref<1x128x128xf32, #tpu.memory_space<vmem>>
        %dma_start3A_94 = tpu.memref_squeeze %dma_start3A_93 : memref<1x128x128xf32, #tpu.memory_space<vmem>> -> memref<128x128xf32, #tpu.memory_space<vmem>>
        %dma_start3A_95 = arith.constant 0 : i32
        %dma_start3A_96 = tpu.memref_slice %arg8[%mul3A_46, %dma_start3A_95] : memref<40x128xi32, #tpu.memory_space<vmem>> -> memref<1x128xi32, #tpu.memory_space<vmem>>
        %dma_start3A_97 = tpu.memref_squeeze %dma_start3A_96 : memref<1x128xi32, #tpu.memory_space<vmem>> -> memref<128xi32, #tpu.memory_space<vmem>>
        %dma_start3A_98 = arith.constant 0 : i32
        %dma_start3A_99 = arith.constant 0 : i32
        %dma_start3A_100 = tpu.memref_slice %arg10[%dma_start3A_98, %dma_start3A_99] : memref<10240x128xf32, #tpu.memory_space<vmem_shared>> -> memref<10240x128xf32, #tpu.memory_space<vmem_shared>>
        tpu.enqueue_indirect_dma source(%dma_start3A_94 : memref<128x128xf32, #tpu.memory_space<vmem>>) target(%dma_start3A_100 : memref<10240x128xf32, #tpu.memory_space<vmem_shared>>) offsets(%dma_start3A_97 : memref<128xi32, #tpu.memory_space<vmem>>) semaphore(%run_scoped3A_90 : memref<!tpu.dma_semaphore, #tpu.memory_space<semaphore_mem>>) {add = true}
        %dma_wait3A_101 = arith.constant 0 : i32
        %dma_wait3A_102 = arith.constant 0 : i32
        %dma_wait3A_103 = tpu.memref_slice %arg9[%run_scoped3A, %dma_wait3A_101, %dma_wait3A_102] : memref<2x128x128xf32, #tpu.memory_space<vmem>> -> memref<1x128x128xf32, #tpu.memory_space<vmem>>
        %dma_wait3A_104 = tpu.memref_squeeze %dma_wait3A_103 : memref<1x128x128xf32, #tpu.memory_space<vmem>> -> memref<128x128xf32, #tpu.memory_space<vmem>>
        %dma_wait3A_105 = arith.constant 0 : i32
        %dma_wait3A_106 = tpu.memref_slice %arg8[%mul3A_46, %dma_wait3A_105] : memref<40x128xi32, #tpu.memory_space<vmem>> -> memref<1x128xi32, #tpu.memory_space<vmem>>
        %dma_wait3A_107 = tpu.memref_squeeze %dma_wait3A_106 : memref<1x128xi32, #tpu.memory_space<vmem>> -> memref<128xi32, #tpu.memory_space<vmem>>
        %dma_wait3A_108 = arith.constant 0 : i32
        %dma_wait3A_109 = arith.constant 0 : i32
        %dma_wait3A_110 = tpu.memref_slice %arg10[%dma_wait3A_108, %dma_wait3A_109] : memref<10240x128xf32, #tpu.memory_space<vmem_shared>> -> memref<10240x128xf32, #tpu.memory_space<vmem_shared>>
        tpu.wait_indirect_dma semaphore(%run_scoped3A_90 : memref<!tpu.dma_semaphore, #tpu.memory_space<semaphore_mem>>) src(%dma_wait3A_104 : memref<128x128xf32, #tpu.memory_space<vmem>>) dst(%dma_wait3A_110 : memref<10240x128xf32, #tpu.memory_space<vmem_shared>>)
        tpu.yield
      }) : () -> ()
      %add3A_71 = arith.constant 1 : i32
      %add3A_72 = arith.addi %scan3A_44, %add3A_71 : i32
      %lt3A = arith.constant 20 : i32
      %lt3A_73 = arith.cmpi slt, %add3A_72, %lt3A : i32
      %convert_element_type3A = arith.extui %lt3A_73 : i1 to i32
      %cond3A = arith.constant 0 : i32
      %cond3A_74 = arith.cmpi ne, %convert_element_type3A, %cond3A : i32
      scf.if %cond3A_74 {
        %add3A_90 = arith.constant 2 : i32
        %add3A_91 = arith.addi %mul3A_46, %add3A_90 : i32
        %dma_start3A_92 = arith.constant 0 : i32
        %dma_start3A_93 = arith.constant 0 : i32
        %dma_start3A_94 = arith.constant 0 : i32
        %dma_start3A_95 = tpu.memref_slice %arg9[%dma_start3A_92, %dma_start3A_93, %dma_start3A_94] : memref<2x128x128xf32, #tpu.memory_space<vmem>> -> memref<1x128x128xf32, #tpu.memory_space<vmem>>
        %dma_start3A_96 = tpu.memref_squeeze %dma_start3A_95 : memref<1x128x128xf32, #tpu.memory_space<vmem>> -> memref<128x128xf32, #tpu.memory_space<vmem>>
        %dma_start3A_97 = arith.constant 0 : i32
        %dma_start3A_98 = tpu.memref_slice %arg7[%add3A_91, %dma_start3A_97] : memref<40x128xi32, #tpu.memory_space<vmem>> -> memref<1x128xi32, #tpu.memory_space<vmem>>
        %dma_start3A_99 = tpu.memref_squeeze %dma_start3A_98 : memref<1x128xi32, #tpu.memory_space<vmem>> -> memref<128xi32, #tpu.memory_space<vmem>>
        %dma_start3A_100 = arith.constant 0 : i32
        %dma_start3A_101 = arith.constant 0 : i32
        %dma_start3A_102 = tpu.memref_slice %arg2[%dma_start3A_100, %dma_start3A_101] : memref<10000x128xf32, #tpu.memory_space<hbm>> -> memref<10000x128xf32, #tpu.memory_space<hbm>>
        tpu.enqueue_indirect_dma source(%dma_start3A_102 : memref<10000x128xf32, #tpu.memory_space<hbm>>) target(%dma_start3A_96 : memref<128x128xf32, #tpu.memory_space<vmem>>) offsets(%dma_start3A_99 : memref<128xi32, #tpu.memory_space<vmem>>) semaphore(%arg11 : memref<!tpu.dma_semaphore, #tpu.memory_space<semaphore_mem>>)
      } else {
      }
      %dma_wait3A_75 = arith.constant 0 : i32
      %dma_wait3A_76 = arith.constant 1 : i32
      %dma_wait3A_77 = arith.constant 0 : i32
      %dma_wait3A_78 = arith.constant 0 : i32
      %dma_wait3A_79 = tpu.memref_slice %arg9[%dma_wait3A_76, %dma_wait3A_77, %dma_wait3A_78] : memref<2x128x128xf32, #tpu.memory_space<vmem>> -> memref<1x128x128xf32, #tpu.memory_space<vmem>>
      %dma_wait3A_80 = tpu.memref_squeeze %dma_wait3A_79 : memref<1x128x128xf32, #tpu.memory_space<vmem>> -> memref<128x128xf32, #tpu.memory_space<vmem>>
      %dma_wait3A_81 = arith.constant 0 : i32
      %dma_wait3A_82 = tpu.memref_slice %arg7[%dma_wait3A_75, %dma_wait3A_81] : memref<40x128xi32, #tpu.memory_space<vmem>> -> memref<1x128xi32, #tpu.memory_space<vmem>>
      %dma_wait3A_83 = tpu.memref_squeeze %dma_wait3A_82 : memref<1x128xi32, #tpu.memory_space<vmem>> -> memref<128xi32, #tpu.memory_space<vmem>>
      %dma_wait3A_84 = arith.constant 0 : i32
      %dma_wait3A_85 = arith.constant 0 : i32
      %dma_wait3A_86 = tpu.memref_slice %arg2[%dma_wait3A_84, %dma_wait3A_85] : memref<10000x128xf32, #tpu.memory_space<hbm>> -> memref<10000x128xf32, #tpu.memory_space<hbm>>
      tpu.wait_indirect_dma semaphore(%arg11 : memref<!tpu.dma_semaphore, #tpu.memory_space<semaphore_mem>>) src(%dma_wait3A_86 : memref<10000x128xf32, #tpu.memory_space<hbm>>) dst(%dma_wait3A_80 : memref<128x128xf32, #tpu.memory_space<vmem>>)
      %add3A_87 = arith.constant 1 : i32
      %add3A_88 = arith.addi %mul3A_46, %add3A_87 : i32
      %run_scoped3A_89 = arith.constant 1 : i32
      "tpu.region"() ({
        %run_scoped3A_90 = tpu.sem_alloc : memref<!tpu.dma_semaphore, #tpu.memory_space<semaphore_mem>>
        %dma_start3A_91 = arith.constant 0 : i32
        %dma_start3A_92 = arith.constant 0 : i32
        %dma_start3A_93 = tpu.memref_slice %arg9[%run_scoped3A_89, %dma_start3A_91, %dma_start3A_92] : memref<2x128x128xf32, #tpu.memory_space<vmem>> -> memref<1x128x128xf32, #tpu.memory_space<vmem>>
        %dma_start3A_94 = tpu.memref_squeeze %dma_start3A_93 : memref<1x128x128xf32, #tpu.memory_space<vmem>> -> memref<128x128xf32, #tpu.memory_space<vmem>>
        %dma_start3A_95 = arith.constant 0 : i32
        %dma_start3A_96 = tpu.memref_slice %arg8[%add3A_88, %dma_start3A_95] : memref<40x128xi32, #tpu.memory_space<vmem>> -> memref<1x128xi32, #tpu.memory_space<vmem>>
        %dma_start3A_97 = tpu.memref_squeeze %dma_start3A_96 : memref<1x128xi32, #tpu.memory_space<vmem>> -> memref<128xi32, #tpu.memory_space<vmem>>
        %dma_start3A_98 = arith.constant 0 : i32
        %dma_start3A_99 = arith.constant 0 : i32
        %dma_start3A_100 = tpu.memref_slice %arg10[%dma_start3A_98, %dma_start3A_99] : memref<10240x128xf32, #tpu.memory_space<vmem_shared>> -> memref<10240x128xf32, #tpu.memory_space<vmem_shared>>
        tpu.enqueue_indirect_dma source(%dma_start3A_94 : memref<128x128xf32, #tpu.memory_space<vmem>>) target(%dma_start3A_100 : memref<10240x128xf32, #tpu.memory_space<vmem_shared>>) offsets(%dma_start3A_97 : memref<128xi32, #tpu.memory_space<vmem>>) semaphore(%run_scoped3A_90 : memref<!tpu.dma_semaphore, #tpu.memory_space<semaphore_mem>>) {add = true}
        %dma_wait3A_101 = arith.constant 0 : i32
        %dma_wait3A_102 = arith.constant 0 : i32
        %dma_wait3A_103 = tpu.memref_slice %arg9[%run_scoped3A_89, %dma_wait3A_101, %dma_wait3A_102] : memref<2x128x128xf32, #tpu.memory_space<vmem>> -> memref<1x128x128xf32, #tpu.memory_space<vmem>>
        %dma_wait3A_104 = tpu.memref_squeeze %dma_wait3A_103 : memref<1x128x128xf32, #tpu.memory_space<vmem>> -> memref<128x128xf32, #tpu.memory_space<vmem>>
        %dma_wait3A_105 = arith.constant 0 : i32
        %dma_wait3A_106 = tpu.memref_slice %arg8[%add3A_88, %dma_wait3A_105] : memref<40x128xi32, #tpu.memory_space<vmem>> -> memref<1x128xi32, #tpu.memory_space<vmem>>
        %dma_wait3A_107 = tpu.memref_squeeze %dma_wait3A_106 : memref<1x128xi32, #tpu.memory_space<vmem>> -> memref<128xi32, #tpu.memory_space<vmem>>
        %dma_wait3A_108 = arith.constant 0 : i32
        %dma_wait3A_109 = arith.constant 0 : i32
        %dma_wait3A_110 = tpu.memref_slice %arg10[%dma_wait3A_108, %dma_wait3A_109] : memref<10240x128xf32, #tpu.memory_space<vmem_shared>> -> memref<10240x128xf32, #tpu.memory_space<vmem_shared>>
        tpu.wait_indirect_dma semaphore(%run_scoped3A_90 : memref<!tpu.dma_semaphore, #tpu.memory_space<semaphore_mem>>) src(%dma_wait3A_104 : memref<128x128xf32, #tpu.memory_space<vmem>>) dst(%dma_wait3A_110 : memref<10240x128xf32, #tpu.memory_space<vmem_shared>>)
        tpu.yield
      }) : () -> ()
    }
    %scan3A_20 = arith.constant 20 : i32
    "tpu.region"() ({
      %run_scoped3A = tpu.sem_alloc : memref<!tpu.dma_semaphore, #tpu.memory_space<semaphore_mem>>
      %dma_start3A_44 = arith.constant 40 : i32
      %dma_start3A_45 = arith.constant 0 : i32
      %dma_start3A_46 = tpu.memref_slice %arg3[%add3A, %dma_start3A_44, %dma_start3A_45] : memref<32x80x128xi32, #tpu.memory_space<hbm>> -> memref<1x40x128xi32, #tpu.memory_space<hbm>>
      %dma_start3A_47 = tpu.memref_squeeze %dma_start3A_46 : memref<1x40x128xi32, #tpu.memory_space<hbm>> -> memref<40x128xi32, #tpu.memory_space<hbm>>
      %dma_start3A_48 = arith.constant 40 : i32
      %dma_start3A_49 = arith.constant 0 : i32
      %dma_start3A_50 = tpu.memref_slice %arg3[%add3A, %dma_start3A_48, %dma_start3A_49] : memref<32x80x128xi32, #tpu.memory_space<hbm>> -> memref<1x40x128xi32, #tpu.memory_space<hbm>>
      %dma_start3A_51 = tpu.memref_squeeze %dma_start3A_50 : memref<1x40x128xi32, #tpu.memory_space<hbm>> -> memref<40x128xi32, #tpu.memory_space<hbm>>
      tpu.enqueue_dma source(%dma_start3A_51 : memref<40x128xi32, #tpu.memory_space<hbm>>) target(%arg7 : memref<40x128xi32, #tpu.memory_space<vmem>>) target_semaphore(%run_scoped3A : memref<!tpu.dma_semaphore, #tpu.memory_space<semaphore_mem>>)
      %dma_wait3A = arith.constant 40 : i32
      %dma_wait3A_52 = arith.constant 0 : i32
      %dma_wait3A_53 = tpu.memref_slice %arg3[%add3A, %dma_wait3A, %dma_wait3A_52] : memref<32x80x128xi32, #tpu.memory_space<hbm>> -> memref<1x40x128xi32, #tpu.memory_space<hbm>>
      %dma_wait3A_54 = tpu.memref_squeeze %dma_wait3A_53 : memref<1x40x128xi32, #tpu.memory_space<hbm>> -> memref<40x128xi32, #tpu.memory_space<hbm>>
      %dma_wait3A_55 = arith.constant 40 : i32
      %dma_wait3A_56 = arith.constant 0 : i32
      %dma_wait3A_57 = tpu.memref_slice %arg3[%add3A, %dma_wait3A_55, %dma_wait3A_56] : memref<32x80x128xi32, #tpu.memory_space<hbm>> -> memref<1x40x128xi32, #tpu.memory_space<hbm>>
      %dma_wait3A_58 = tpu.memref_squeeze %dma_wait3A_57 : memref<1x40x128xi32, #tpu.memory_space<hbm>> -> memref<40x128xi32, #tpu.memory_space<hbm>>
      tpu.wait_dma2 semaphore(%run_scoped3A : memref<!tpu.dma_semaphore, #tpu.memory_space<semaphore_mem>>) src(%dma_wait3A_58 : memref<40x128xi32, #tpu.memory_space<hbm>>) dst(%arg7 : memref<40x128xi32, #tpu.memory_space<vmem>>)
      tpu.yield
    }) : () -> ()
    "tpu.region"() ({
      %run_scoped3A = tpu.sem_alloc : memref<!tpu.dma_semaphore, #tpu.memory_space<semaphore_mem>>
      %dma_start3A_44 = arith.constant 40 : i32
      %dma_start3A_45 = arith.constant 0 : i32
      %dma_start3A_46 = tpu.memref_slice %arg4[%add3A, %dma_start3A_44, %dma_start3A_45] : memref<32x80x128xi32, #tpu.memory_space<hbm>> -> memref<1x40x128xi32, #tpu.memory_space<hbm>>
      %dma_start3A_47 = tpu.memref_squeeze %dma_start3A_46 : memref<1x40x128xi32, #tpu.memory_space<hbm>> -> memref<40x128xi32, #tpu.memory_space<hbm>>
      %dma_start3A_48 = arith.constant 40 : i32
      %dma_start3A_49 = arith.constant 0 : i32
      %dma_start3A_50 = tpu.memref_slice %arg4[%add3A, %dma_start3A_48, %dma_start3A_49] : memref<32x80x128xi32, #tpu.memory_space<hbm>> -> memref<1x40x128xi32, #tpu.memory_space<hbm>>
      %dma_start3A_51 = tpu.memref_squeeze %dma_start3A_50 : memref<1x40x128xi32, #tpu.memory_space<hbm>> -> memref<40x128xi32, #tpu.memory_space<hbm>>
      tpu.enqueue_dma source(%dma_start3A_51 : memref<40x128xi32, #tpu.memory_space<hbm>>) target(%arg8 : memref<40x128xi32, #tpu.memory_space<vmem>>) target_semaphore(%run_scoped3A : memref<!tpu.dma_semaphore, #tpu.memory_space<semaphore_mem>>)
      %dma_wait3A = arith.constant 40 : i32
      %dma_wait3A_52 = arith.constant 0 : i32
      %dma_wait3A_53 = tpu.memref_slice %arg4[%add3A, %dma_wait3A, %dma_wait3A_52] : memref<32x80x128xi32, #tpu.memory_space<hbm>> -> memref<1x40x128xi32, #tpu.memory_space<hbm>>
      %dma_wait3A_54 = tpu.memref_squeeze %dma_wait3A_53 : memref<1x40x128xi32, #tpu.memory_space<hbm>> -> memref<40x128xi32, #tpu.memory_space<hbm>>
      %dma_wait3A_55 = arith.constant 40 : i32
      %dma_wait3A_56 = arith.constant 0 : i32
      %dma_wait3A_57 = tpu.memref_slice %arg4[%add3A, %dma_wait3A_55, %dma_wait3A_56] : memref<32x80x128xi32, #tpu.memory_space<hbm>> -> memref<1x40x128xi32, #tpu.memory_space<hbm>>
      %dma_wait3A_58 = tpu.memref_squeeze %dma_wait3A_57 : memref<1x40x128xi32, #tpu.memory_space<hbm>> -> memref<40x128xi32, #tpu.memory_space<hbm>>
      tpu.wait_dma2 semaphore(%run_scoped3A : memref<!tpu.dma_semaphore, #tpu.memory_space<semaphore_mem>>) src(%dma_wait3A_58 : memref<40x128xi32, #tpu.memory_space<hbm>>) dst(%arg8 : memref<40x128xi32, #tpu.memory_space<vmem>>)
      tpu.yield
    }) : () -> ()
    %dma_start3A_21 = arith.constant 0 : i32
    %dma_start3A_22 = arith.constant 0 : i32
    %dma_start3A_23 = arith.constant 0 : i32
    %dma_start3A_24 = arith.constant 0 : i32
    %dma_start3A_25 = tpu.memref_slice %arg9[%dma_start3A_22, %dma_start3A_23, %dma_start3A_24] : memref<2x128x128xf32, #tpu.memory_space<vmem>> -> memref<1x128x128xf32, #tpu.memory_space<vmem>>
    %dma_start3A_26 = tpu.memref_squeeze %dma_start3A_25 : memref<1x128x128xf32, #tpu.memory_space<vmem>> -> memref<128x128xf32, #tpu.memory_space<vmem>>
    %dma_start3A_27 = arith.constant 0 : i32
    %dma_start3A_28 = tpu.memref_slice %arg7[%dma_start3A_21, %dma_start3A_27] : memref<40x128xi32, #tpu.memory_space<vmem>> -> memref<1x128xi32, #tpu.memory_space<vmem>>
    %dma_start3A_29 = tpu.memref_squeeze %dma_start3A_28 : memref<1x128xi32, #tpu.memory_space<vmem>> -> memref<128xi32, #tpu.memory_space<vmem>>
    %dma_start3A_30 = arith.constant 0 : i32
    %dma_start3A_31 = arith.constant 0 : i32
    %dma_start3A_32 = tpu.memref_slice %arg2[%dma_start3A_30, %dma_start3A_31] : memref<10000x128xf32, #tpu.memory_space<hbm>> -> memref<10000x128xf32, #tpu.memory_space<hbm>>
    tpu.enqueue_indirect_dma source(%dma_start3A_32 : memref<10000x128xf32, #tpu.memory_space<hbm>>) target(%dma_start3A_26 : memref<128x128xf32, #tpu.memory_space<vmem>>) offsets(%dma_start3A_29 : memref<128xi32, #tpu.memory_space<vmem>>) semaphore(%arg11 : memref<!tpu.dma_semaphore, #tpu.memory_space<semaphore_mem>>)
    %scan3A_33 = arith.constant 0 : i32
    %scan3A_34 = arith.constant 0 : i32
    %scan3A_35 = arith.constant 20 : i32
    %scan3A_36 = arith.addi %scan3A_34, %scan3A_35 : i32
    %scan3A_37 = arith.constant 1 : i32
    scf.for %scan3A_44 = %scan3A_34 to %scan3A_36 step %scan3A_37  : i32 {
      %mul3A_45 = arith.constant 2 : i32
      %mul3A_46 = arith.muli %mul3A_45, %scan3A_44 : i32
      %add3A_47 = arith.constant 1 : i32
      %add3A_48 = arith.addi %mul3A_46, %add3A_47 : i32
      %dma_start3A_49 = arith.constant 1 : i32
      %dma_start3A_50 = arith.constant 0 : i32
      %dma_start3A_51 = arith.constant 0 : i32
      %dma_start3A_52 = tpu.memref_slice %arg9[%dma_start3A_49, %dma_start3A_50, %dma_start3A_51] : memref<2x128x128xf32, #tpu.memory_space<vmem>> -> memref<1x128x128xf32, #tpu.memory_space<vmem>>
      %dma_start3A_53 = tpu.memref_squeeze %dma_start3A_52 : memref<1x128x128xf32, #tpu.memory_space<vmem>> -> memref<128x128xf32, #tpu.memory_space<vmem>>
      %dma_start3A_54 = arith.constant 0 : i32
      %dma_start3A_55 = tpu.memref_slice %arg7[%add3A_48, %dma_start3A_54] : memref<40x128xi32, #tpu.memory_space<vmem>> -> memref<1x128xi32, #tpu.memory_space<vmem>>
      %dma_start3A_56 = tpu.memref_squeeze %dma_start3A_55 : memref<1x128xi32, #tpu.memory_space<vmem>> -> memref<128xi32, #tpu.memory_space<vmem>>
      %dma_start3A_57 = arith.constant 0 : i32
      %dma_start3A_58 = arith.constant 0 : i32
      %dma_start3A_59 = tpu.memref_slice %arg2[%dma_start3A_57, %dma_start3A_58] : memref<10000x128xf32, #tpu.memory_space<hbm>> -> memref<10000x128xf32, #tpu.memory_space<hbm>>
      tpu.enqueue_indirect_dma source(%dma_start3A_59 : memref<10000x128xf32, #tpu.memory_space<hbm>>) target(%dma_start3A_53 : memref<128x128xf32, #tpu.memory_space<vmem>>) offsets(%dma_start3A_56 : memref<128xi32, #tpu.memory_space<vmem>>) semaphore(%arg11 : memref<!tpu.dma_semaphore, #tpu.memory_space<semaphore_mem>>)
      %dma_wait3A = arith.constant 0 : i32
      %dma_wait3A_60 = arith.constant 0 : i32
      %dma_wait3A_61 = arith.constant 0 : i32
      %dma_wait3A_62 = arith.constant 0 : i32
      %dma_wait3A_63 = tpu.memref_slice %arg9[%dma_wait3A_60, %dma_wait3A_61, %dma_wait3A_62] : memref<2x128x128xf32, #tpu.memory_space<vmem>> -> memref<1x128x128xf32, #tpu.memory_space<vmem>>
      %dma_wait3A_64 = tpu.memref_squeeze %dma_wait3A_63 : memref<1x128x128xf32, #tpu.memory_space<vmem>> -> memref<128x128xf32, #tpu.memory_space<vmem>>
      %dma_wait3A_65 = arith.constant 0 : i32
      %dma_wait3A_66 = tpu.memref_slice %arg7[%dma_wait3A, %dma_wait3A_65] : memref<40x128xi32, #tpu.memory_space<vmem>> -> memref<1x128xi32, #tpu.memory_space<vmem>>
      %dma_wait3A_67 = tpu.memref_squeeze %dma_wait3A_66 : memref<1x128xi32, #tpu.memory_space<vmem>> -> memref<128xi32, #tpu.memory_space<vmem>>
      %dma_wait3A_68 = arith.constant 0 : i32
      %dma_wait3A_69 = arith.constant 0 : i32
      %dma_wait3A_70 = tpu.memref_slice %arg2[%dma_wait3A_68, %dma_wait3A_69] : memref<10000x128xf32, #tpu.memory_space<hbm>> -> memref<10000x128xf32, #tpu.memory_space<hbm>>
      tpu.wait_indirect_dma semaphore(%arg11 : memref<!tpu.dma_semaphore, #tpu.memory_space<semaphore_mem>>) src(%dma_wait3A_70 : memref<10000x128xf32, #tpu.memory_space<hbm>>) dst(%dma_wait3A_64 : memref<128x128xf32, #tpu.memory_space<vmem>>)
      %run_scoped3A = arith.constant 0 : i32
      "tpu.region"() ({
        %run_scoped3A_90 = tpu.sem_alloc : memref<!tpu.dma_semaphore, #tpu.memory_space<semaphore_mem>>
        %dma_start3A_91 = arith.constant 0 : i32
        %dma_start3A_92 = arith.constant 0 : i32
        %dma_start3A_93 = tpu.memref_slice %arg9[%run_scoped3A, %dma_start3A_91, %dma_start3A_92] : memref<2x128x128xf32, #tpu.memory_space<vmem>> -> memref<1x128x128xf32, #tpu.memory_space<vmem>>
        %dma_start3A_94 = tpu.memref_squeeze %dma_start3A_93 : memref<1x128x128xf32, #tpu.memory_space<vmem>> -> memref<128x128xf32, #tpu.memory_space<vmem>>
        %dma_start3A_95 = arith.constant 0 : i32
        %dma_start3A_96 = tpu.memref_slice %arg8[%mul3A_46, %dma_start3A_95] : memref<40x128xi32, #tpu.memory_space<vmem>> -> memref<1x128xi32, #tpu.memory_space<vmem>>
        %dma_start3A_97 = tpu.memref_squeeze %dma_start3A_96 : memref<1x128xi32, #tpu.memory_space<vmem>> -> memref<128xi32, #tpu.memory_space<vmem>>
        %dma_start3A_98 = arith.constant 0 : i32
        %dma_start3A_99 = arith.constant 0 : i32
        %dma_start3A_100 = tpu.memref_slice %arg10[%dma_start3A_98, %dma_start3A_99] : memref<10240x128xf32, #tpu.memory_space<vmem_shared>> -> memref<10240x128xf32, #tpu.memory_space<vmem_shared>>
        tpu.enqueue_indirect_dma source(%dma_start3A_94 : memref<128x128xf32, #tpu.memory_space<vmem>>) target(%dma_start3A_100 : memref<10240x128xf32, #tpu.memory_space<vmem_shared>>) offsets(%dma_start3A_97 : memref<128xi32, #tpu.memory_space<vmem>>) semaphore(%run_scoped3A_90 : memref<!tpu.dma_semaphore, #tpu.memory_space<semaphore_mem>>) {add = true}
        %dma_wait3A_101 = arith.constant 0 : i32
        %dma_wait3A_102 = arith.constant 0 : i32
        %dma_wait3A_103 = tpu.memref_slice %arg9[%run_scoped3A, %dma_wait3A_101, %dma_wait3A_102] : memref<2x128x128xf32, #tpu.memory_space<vmem>> -> memref<1x128x128xf32, #tpu.memory_space<vmem>>
        %dma_wait3A_104 = tpu.memref_squeeze %dma_wait3A_103 : memref<1x128x128xf32, #tpu.memory_space<vmem>> -> memref<128x128xf32, #tpu.memory_space<vmem>>
        %dma_wait3A_105 = arith.constant 0 : i32
        %dma_wait3A_106 = tpu.memref_slice %arg8[%mul3A_46, %dma_wait3A_105] : memref<40x128xi32, #tpu.memory_space<vmem>> -> memref<1x128xi32, #tpu.memory_space<vmem>>
        %dma_wait3A_107 = tpu.memref_squeeze %dma_wait3A_106 : memref<1x128xi32, #tpu.memory_space<vmem>> -> memref<128xi32, #tpu.memory_space<vmem>>
        %dma_wait3A_108 = arith.constant 0 : i32
        %dma_wait3A_109 = arith.constant 0 : i32
        %dma_wait3A_110 = tpu.memref_slice %arg10[%dma_wait3A_108, %dma_wait3A_109] : memref<10240x128xf32, #tpu.memory_space<vmem_shared>> -> memref<10240x128xf32, #tpu.memory_space<vmem_shared>>
        tpu.wait_indirect_dma semaphore(%run_scoped3A_90 : memref<!tpu.dma_semaphore, #tpu.memory_space<semaphore_mem>>) src(%dma_wait3A_104 : memref<128x128xf32, #tpu.memory_space<vmem>>) dst(%dma_wait3A_110 : memref<10240x128xf32, #tpu.memory_space<vmem_shared>>)
        tpu.yield
      }) : () -> ()
      %add3A_71 = arith.constant 1 : i32
      %add3A_72 = arith.addi %scan3A_44, %add3A_71 : i32
      %lt3A = arith.constant 20 : i32
      %lt3A_73 = arith.cmpi slt, %add3A_72, %lt3A : i32
      %convert_element_type3A = arith.extui %lt3A_73 : i1 to i32
      %cond3A = arith.constant 0 : i32
      %cond3A_74 = arith.cmpi ne, %convert_element_type3A, %cond3A : i32
      scf.if %cond3A_74 {
        %add3A_90 = arith.constant 2 : i32
        %add3A_91 = arith.addi %mul3A_46, %add3A_90 : i32
        %dma_start3A_92 = arith.constant 0 : i32
        %dma_start3A_93 = arith.constant 0 : i32
        %dma_start3A_94 = arith.constant 0 : i32
        %dma_start3A_95 = tpu.memref_slice %arg9[%dma_start3A_92, %dma_start3A_93, %dma_start3A_94] : memref<2x128x128xf32, #tpu.memory_space<vmem>> -> memref<1x128x128xf32, #tpu.memory_space<vmem>>
        %dma_start3A_96 = tpu.memref_squeeze %dma_start3A_95 : memref<1x128x128xf32, #tpu.memory_space<vmem>> -> memref<128x128xf32, #tpu.memory_space<vmem>>
        %dma_start3A_97 = arith.constant 0 : i32
        %dma_start3A_98 = tpu.memref_slice %arg7[%add3A_91, %dma_start3A_97] : memref<40x128xi32, #tpu.memory_space<vmem>> -> memref<1x128xi32, #tpu.memory_space<vmem>>
        %dma_start3A_99 = tpu.memref_squeeze %dma_start3A_98 : memref<1x128xi32, #tpu.memory_space<vmem>> -> memref<128xi32, #tpu.memory_space<vmem>>
        %dma_start3A_100 = arith.constant 0 : i32
        %dma_start3A_101 = arith.constant 0 : i32
        %dma_start3A_102 = tpu.memref_slice %arg2[%dma_start3A_100, %dma_start3A_101] : memref<10000x128xf32, #tpu.memory_space<hbm>> -> memref<10000x128xf32, #tpu.memory_space<hbm>>
        tpu.enqueue_indirect_dma source(%dma_start3A_102 : memref<10000x128xf32, #tpu.memory_space<hbm>>) target(%dma_start3A_96 : memref<128x128xf32, #tpu.memory_space<vmem>>) offsets(%dma_start3A_99 : memref<128xi32, #tpu.memory_space<vmem>>) semaphore(%arg11 : memref<!tpu.dma_semaphore, #tpu.memory_space<semaphore_mem>>)
      } else {
      }
      %dma_wait3A_75 = arith.constant 0 : i32
      %dma_wait3A_76 = arith.constant 1 : i32
      %dma_wait3A_77 = arith.constant 0 : i32
      %dma_wait3A_78 = arith.constant 0 : i32
      %dma_wait3A_79 = tpu.memref_slice %arg9[%dma_wait3A_76, %dma_wait3A_77, %dma_wait3A_78] : memref<2x128x128xf32, #tpu.memory_space<vmem>> -> memref<1x128x128xf32, #tpu.memory_space<vmem>>
      %dma_wait3A_80 = tpu.memref_squeeze %dma_wait3A_79 : memref<1x128x128xf32, #tpu.memory_space<vmem>> -> memref<128x128xf32, #tpu.memory_space<vmem>>
      %dma_wait3A_81 = arith.constant 0 : i32
      %dma_wait3A_82 = tpu.memref_slice %arg7[%dma_wait3A_75, %dma_wait3A_81] : memref<40x128xi32, #tpu.memory_space<vmem>> -> memref<1x128xi32, #tpu.memory_space<vmem>>
      %dma_wait3A_83 = tpu.memref_squeeze %dma_wait3A_82 : memref<1x128xi32, #tpu.memory_space<vmem>> -> memref<128xi32, #tpu.memory_space<vmem>>
      %dma_wait3A_84 = arith.constant 0 : i32
      %dma_wait3A_85 = arith.constant 0 : i32
      %dma_wait3A_86 = tpu.memref_slice %arg2[%dma_wait3A_84, %dma_wait3A_85] : memref<10000x128xf32, #tpu.memory_space<hbm>> -> memref<10000x128xf32, #tpu.memory_space<hbm>>
      tpu.wait_indirect_dma semaphore(%arg11 : memref<!tpu.dma_semaphore, #tpu.memory_space<semaphore_mem>>) src(%dma_wait3A_86 : memref<10000x128xf32, #tpu.memory_space<hbm>>) dst(%dma_wait3A_80 : memref<128x128xf32, #tpu.memory_space<vmem>>)
      %add3A_87 = arith.constant 1 : i32
      %add3A_88 = arith.addi %mul3A_46, %add3A_87 : i32
      %run_scoped3A_89 = arith.constant 1 : i32
      "tpu.region"() ({
        %run_scoped3A_90 = tpu.sem_alloc : memref<!tpu.dma_semaphore, #tpu.memory_space<semaphore_mem>>
        %dma_start3A_91 = arith.constant 0 : i32
        %dma_start3A_92 = arith.constant 0 : i32
        %dma_start3A_93 = tpu.memref_slice %arg9[%run_scoped3A_89, %dma_start3A_91, %dma_start3A_92] : memref<2x128x128xf32, #tpu.memory_space<vmem>> -> memref<1x128x128xf32, #tpu.memory_space<vmem>>
        %dma_start3A_94 = tpu.memref_squeeze %dma_start3A_93 : memref<1x128x128xf32, #tpu.memory_space<vmem>> -> memref<128x128xf32, #tpu.memory_space<vmem>>
        %dma_start3A_95 = arith.constant 0 : i32
        %dma_start3A_96 = tpu.memref_slice %arg8[%add3A_88, %dma_start3A_95] : memref<40x128xi32, #tpu.memory_space<vmem>> -> memref<1x128xi32, #tpu.memory_space<vmem>>
        %dma_start3A_97 = tpu.memref_squeeze %dma_start3A_96 : memref<1x128xi32, #tpu.memory_space<vmem>> -> memref<128xi32, #tpu.memory_space<vmem>>
        %dma_start3A_98 = arith.constant 0 : i32
        %dma_start3A_99 = arith.constant 0 : i32
        %dma_start3A_100 = tpu.memref_slice %arg10[%dma_start3A_98, %dma_start3A_99] : memref<10240x128xf32, #tpu.memory_space<vmem_shared>> -> memref<10240x128xf32, #tpu.memory_space<vmem_shared>>
        tpu.enqueue_indirect_dma source(%dma_start3A_94 : memref<128x128xf32, #tpu.memory_space<vmem>>) target(%dma_start3A_100 : memref<10240x128xf32, #tpu.memory_space<vmem_shared>>) offsets(%dma_start3A_97 : memref<128xi32, #tpu.memory_space<vmem>>) semaphore(%run_scoped3A_90 : memref<!tpu.dma_semaphore, #tpu.memory_space<semaphore_mem>>) {add = true}
        %dma_wait3A_101 = arith.constant 0 : i32
        %dma_wait3A_102 = arith.constant 0 : i32
        %dma_wait3A_103 = tpu.memref_slice %arg9[%run_scoped3A_89, %dma_wait3A_101, %dma_wait3A_102] : memref<2x128x128xf32, #tpu.memory_space<vmem>> -> memref<1x128x128xf32, #tpu.memory_space<vmem>>
        %dma_wait3A_104 = tpu.memref_squeeze %dma_wait3A_103 : memref<1x128x128xf32, #tpu.memory_space<vmem>> -> memref<128x128xf32, #tpu.memory_space<vmem>>
        %dma_wait3A_105 = arith.constant 0 : i32
        %dma_wait3A_106 = tpu.memref_slice %arg8[%add3A_88, %dma_wait3A_105] : memref<40x128xi32, #tpu.memory_space<vmem>> -> memref<1x128xi32, #tpu.memory_space<vmem>>
        %dma_wait3A_107 = tpu.memref_squeeze %dma_wait3A_106 : memref<1x128xi32, #tpu.memory_space<vmem>> -> memref<128xi32, #tpu.memory_space<vmem>>
        %dma_wait3A_108 = arith.constant 0 : i32
        %dma_wait3A_109 = arith.constant 0 : i32
        %dma_wait3A_110 = tpu.memref_slice %arg10[%dma_wait3A_108, %dma_wait3A_109] : memref<10240x128xf32, #tpu.memory_space<vmem_shared>> -> memref<10240x128xf32, #tpu.memory_space<vmem_shared>>
        tpu.wait_indirect_dma semaphore(%run_scoped3A_90 : memref<!tpu.dma_semaphore, #tpu.memory_space<semaphore_mem>>) src(%dma_wait3A_104 : memref<128x128xf32, #tpu.memory_space<vmem>>) dst(%dma_wait3A_110 : memref<10240x128xf32, #tpu.memory_space<vmem_shared>>)
        tpu.yield
      }) : () -> ()
    }
    %scan3A_38 = arith.constant 20 : i32
    %barrier3A_39 = arith.constant 0 : index
    tpu.barrier barrier_id(%barrier3A_39)
    %mul3A_40 = arith.constant 640 : i32
    %mul3A_41 = arith.muli %arg1, %mul3A_40 : i32
    %mul3A_42 = arith.constant 640 : i32
    %mul3A_43 = arith.muli %arg1, %mul3A_42 : i32
    "tpu.region"() ({
      %run_scoped3A = tpu.sem_alloc : memref<!tpu.dma_semaphore, #tpu.memory_space<semaphore_mem>>
      %dma_start3A_44 = arith.constant 0 : i32
      %dma_start3A_45 = tpu.memref_slice %arg6[%arg0, %mul3A_43, %dma_start3A_44] : memref<2x10240x128xf32, #tpu.memory_space<hbm>> -> memref<1x640x128xf32, #tpu.memory_space<hbm>>
      %dma_start3A_46 = tpu.memref_squeeze %dma_start3A_45 : memref<1x640x128xf32, #tpu.memory_space<hbm>> -> memref<640x128xf32, #tpu.memory_space<hbm>>
      %dma_start3A_47 = arith.constant 0 : i32
      %dma_start3A_48 = tpu.memref_slice %arg10[%mul3A_41, %dma_start3A_47] : memref<10240x128xf32, #tpu.memory_space<vmem_shared>> -> memref<640x128xf32, #tpu.memory_space<vmem_shared>>
      tpu.enqueue_dma source(%dma_start3A_48 : memref<640x128xf32, #tpu.memory_space<vmem_shared>>) target(%dma_start3A_46 : memref<640x128xf32, #tpu.memory_space<hbm>>) target_semaphore(%run_scoped3A : memref<!tpu.dma_semaphore, #tpu.memory_space<semaphore_mem>>)
      %dma_wait3A = arith.constant 0 : i32
      %dma_wait3A_49 = tpu.memref_slice %arg6[%arg0, %mul3A_43, %dma_wait3A] : memref<2x10240x128xf32, #tpu.memory_space<hbm>> -> memref<1x640x128xf32, #tpu.memory_space<hbm>>
      %dma_wait3A_50 = tpu.memref_squeeze %dma_wait3A_49 : memref<1x640x128xf32, #tpu.memory_space<hbm>> -> memref<640x128xf32, #tpu.memory_space<hbm>>
      %dma_wait3A_51 = arith.constant 0 : i32
      %dma_wait3A_52 = tpu.memref_slice %arg10[%mul3A_41, %dma_wait3A_51] : memref<10240x128xf32, #tpu.memory_space<vmem_shared>> -> memref<640x128xf32, #tpu.memory_space<vmem_shared>>
      tpu.wait_dma2 semaphore(%run_scoped3A : memref<!tpu.dma_semaphore, #tpu.memory_space<semaphore_mem>>) src(%dma_wait3A_52 : memref<640x128xf32, #tpu.memory_space<vmem_shared>>) dst(%dma_wait3A_50 : memref<640x128xf32, #tpu.memory_space<hbm>>)
      tpu.yield
    }) : () -> ()
    return
  }
}

module attributes {stable_mosaic.version = 14 : i64} {
  func.func @body(%arg0: memref<10000x128xf32, #tpu.memory_space<vmem>>, %arg1: memref<128x128xf32, #tpu.memory_space<vmem>>, %arg2: memref<10240x1xf32, #tpu.memory_space<vmem>>, %arg3: memref<10240x1xf32, #tpu.memory_space<vmem>>, %arg4: memref<10000x128xf32, #tpu.memory_space<vmem>>) attributes {dimension_semantics = [], scalar_prefetch = 0 : i64, scratch_operands = 0 : i64, tpu.core_type = #tpu.core_type<tc>} {
    %get3A = arith.constant 0 : index
    %get3A_0 = arith.constant 0 : index
    %get3A_1 = vector.load %arg2[%get3A, %get3A_0] : memref<10240x1xf32, #tpu.memory_space<vmem>>, vector<10240x1xf32>
    %get3A_2 = arith.constant 0 : index
    %get3A_3 = arith.constant 0 : index
    %get3A_4 = vector.load %arg3[%get3A_2, %get3A_3] : memref<10240x1xf32, #tpu.memory_space<vmem>>, vector<10240x1xf32>
    %add3A = arith.addf %get3A_1, %get3A_4 : vector<10240x1xf32>
    %add3A_5 = arith.constant 1.000000e+00 : f32
    %add3A_6 = vector.broadcast %add3A_5 : f32 to vector<10240x1xf32>
    %add3A_7 = arith.addf %add3A, %add3A_6 : vector<10240x1xf32>
    %rsqrt3A = math.rsqrt %add3A_7 : vector<10240x1xf32>
    %slice3A = vector.extract_strided_slice %rsqrt3A {offsets = [0, 0], sizes = [10000, 1], strides = [1, 1]} : vector<10240x1xf32> to vector<10000x1xf32>
    %get3A_8 = arith.constant 0 : index
    %get3A_9 = arith.constant 0 : index
    %get3A_10 = vector.load %arg0[%get3A_8, %get3A_9] : memref<10000x128xf32, #tpu.memory_space<vmem>>, vector<10000x128xf32>
    %get3A_11 = arith.constant 0 : index
    %get3A_12 = arith.constant 0 : index
    %get3A_13 = vector.load %arg1[%get3A_11, %get3A_12] : memref<128x128xf32, #tpu.memory_space<vmem>>, vector<128x128xf32>
    %dot_general3A = arith.constant dense<0.000000e+00> : vector<10000x128xf32>
    %dot_general3A_14 = tpu.matmul %get3A_10, %get3A_13, %dot_general3A {dimension_numbers = #tpu.dot_dimension_numbers<[1], [0], [0], [1], [0, 0, 1, 1], [], []>, transpose_lhs_hint = false} : vector<10000x128xf32>, vector<128x128xf32>, vector<10000x128xf32> -> vector<10000x128xf32>
    %mul3A = vector.broadcast %slice3A : vector<10000x1xf32> to vector<10000x128xf32>
    %mul3A_15 = arith.mulf %dot_general3A_14, %mul3A : vector<10000x128xf32>
    %swap3A = arith.constant 0 : index
    %swap3A_16 = arith.constant 0 : index
    %swap3A_17 = vector.load %arg4[%swap3A, %swap3A_16] : memref<10000x128xf32, #tpu.memory_space<vmem>>, vector<10000x128xf32>
    tpu.vector_store %arg4[%swap3A, %swap3A_16], %mul3A_15 {strides = array<i32>} : memref<10000x128xf32, #tpu.memory_space<vmem>>, vector<10000x128xf32>,
    return
  }
}

module attributes {stable_mosaic.version = 14 : i64} {
  func.func @body(%arg0: memref<2x10240x128xf32, #tpu.memory_space<vmem>>, %arg1: memref<10000x128xf32, #tpu.memory_space<vmem>>, %arg2: memref<10240x1xf32, #tpu.memory_space<vmem>>, %arg3: memref<10240x1xf32, #tpu.memory_space<vmem>>, %arg4: memref<128xf32, #tpu.memory_space<vmem>>, %arg5: memref<128xf32, #tpu.memory_space<vmem>>, %arg6: memref<128xf32, #tpu.memory_space<vmem>>, %arg7: memref<128x128xf32, #tpu.memory_space<vmem>>, %arg8: memref<10000x128xf32, #tpu.memory_space<vmem>>) attributes {dimension_semantics = [], scalar_prefetch = 0 : i64, scratch_operands = 0 : i64, tpu.core_type = #tpu.core_type<tc>} {
    %get3A = arith.constant 0 : index
    %get3A_0 = arith.constant 0 : index
    %get3A_1 = vector.load %arg2[%get3A, %get3A_0] : memref<10240x1xf32, #tpu.memory_space<vmem>>, vector<10240x1xf32>
    %get3A_2 = arith.constant 0 : index
    %get3A_3 = arith.constant 0 : index
    %get3A_4 = vector.load %arg3[%get3A_2, %get3A_3] : memref<10240x1xf32, #tpu.memory_space<vmem>>, vector<10240x1xf32>
    %add3A = arith.addf %get3A_1, %get3A_4 : vector<10240x1xf32>
    %add3A_5 = arith.constant 1.000000e+00 : f32
    %add3A_6 = vector.broadcast %add3A_5 : f32 to vector<10240x1xf32>
    %add3A_7 = arith.addf %add3A, %add3A_6 : vector<10240x1xf32>
    %rsqrt3A = math.rsqrt %add3A_7 : vector<10240x1xf32>
    %slice3A = vector.extract_strided_slice %rsqrt3A {offsets = [0, 0], sizes = [10000, 1], strides = [1, 1]} : vector<10240x1xf32> to vector<10000x1xf32>
    %get3A_8 = arith.constant 0 : index
    %get3A_9 = arith.constant 0 : index
    %get3A_10 = arith.constant 0 : index
    %get3A_11 = vector.load %arg0[%get3A_8, %get3A_9, %get3A_10] : memref<2x10240x128xf32, #tpu.memory_space<vmem>>, vector<1x10000x128xf32>
    %get3A_12 = vector.shape_cast %get3A_11 : vector<1x10000x128xf32> to vector<10000x128xf32>
    %get3A_13 = arith.constant 1 : index
    %get3A_14 = arith.constant 0 : index
    %get3A_15 = arith.constant 0 : index
    %get3A_16 = vector.load %arg0[%get3A_13, %get3A_14, %get3A_15] : memref<2x10240x128xf32, #tpu.memory_space<vmem>>, vector<1x10000x128xf32>
    %get3A_17 = vector.shape_cast %get3A_16 : vector<1x10000x128xf32> to vector<10000x128xf32>
    %add3A_18 = arith.addf %get3A_12, %get3A_17 : vector<10000x128xf32>
    %get3A_19 = arith.constant 0 : index
    %get3A_20 = arith.constant 0 : index
    %get3A_21 = vector.load %arg1[%get3A_19, %get3A_20] : memref<10000x128xf32, #tpu.memory_space<vmem>>, vector<10000x128xf32>
    %add3A_22 = arith.addf %add3A_18, %get3A_21 : vector<10000x128xf32>
    %mul3A = vector.broadcast %slice3A : vector<10000x1xf32> to vector<10000x128xf32>
    %mul3A_23 = arith.mulf %add3A_22, %mul3A : vector<10000x128xf32>
    %get3A_24 = arith.constant 0 : index
    %get3A_25 = vector.load %arg4[%get3A_24] : memref<128xf32, #tpu.memory_space<vmem>>, vector<128xf32>
    %broadcast_in_dim3A = vector.shape_cast %get3A_25 : vector<128xf32> to vector<1x128xf32>
    %add3A_26 = vector.broadcast %broadcast_in_dim3A : vector<1x128xf32> to vector<10000x128xf32>
    %add3A_27 = arith.addf %mul3A_23, %add3A_26 : vector<10000x128xf32>
    %reduce_sum3A = arith.constant dense<0.000000e+00> : vector<128xf32>
    %reduce_sum3A_28 = vector.multi_reduction <add>, %add3A_27, %reduce_sum3A [0] : vector<10000x128xf32> to vector<128xf32>
    %broadcast_in_dim3A_29 = vector.shape_cast %reduce_sum3A_28 : vector<128xf32> to vector<1x128xf32>
    %div3A = arith.constant 1.000000e+04 : f32
    %div3A_30 = vector.broadcast %div3A : f32 to vector<1x128xf32>
    %div3A_31 = arith.divf %broadcast_in_dim3A_29, %div3A_30 : vector<1x128xf32>
    %sub3A = vector.broadcast %div3A_31 : vector<1x128xf32> to vector<10000x128xf32>
    %sub3A_32 = arith.subf %add3A_27, %sub3A : vector<10000x128xf32>
    %sub3A_33 = vector.broadcast %div3A_31 : vector<1x128xf32> to vector<10000x128xf32>
    %sub3A_34 = arith.subf %add3A_27, %sub3A_33 : vector<10000x128xf32>
    %mul3A_35 = arith.mulf %sub3A_32, %sub3A_34 : vector<10000x128xf32>
    %reduce_sum3A_36 = arith.constant dense<0.000000e+00> : vector<128xf32>
    %reduce_sum3A_37 = vector.multi_reduction <add>, %mul3A_35, %reduce_sum3A_36 [0] : vector<10000x128xf32> to vector<128xf32>
    %broadcast_in_dim3A_38 = vector.shape_cast %reduce_sum3A_37 : vector<128xf32> to vector<1x128xf32>
    %div3A_39 = arith.constant 1.000000e+04 : f32
    %div3A_40 = vector.broadcast %div3A_39 : f32 to vector<1x128xf32>
    %div3A_41 = arith.divf %broadcast_in_dim3A_38, %div3A_40 : vector<1x128xf32>
    %sub3A_42 = vector.broadcast %div3A_31 : vector<1x128xf32> to vector<10000x128xf32>
    %sub3A_43 = arith.subf %add3A_27, %sub3A_42 : vector<10000x128xf32>
    %add3A_44 = arith.constant 9.99999974E-6 : f32
    %add3A_45 = vector.broadcast %add3A_44 : f32 to vector<1x128xf32>
    %add3A_46 = arith.addf %div3A_41, %add3A_45 : vector<1x128xf32>
    %rsqrt3A_47 = math.rsqrt %add3A_46 : vector<1x128xf32>
    %mul3A_48 = vector.broadcast %rsqrt3A_47 : vector<1x128xf32> to vector<10000x128xf32>
    %mul3A_49 = arith.mulf %sub3A_43, %mul3A_48 : vector<10000x128xf32>
    %get3A_50 = arith.constant 0 : index
    %get3A_51 = vector.load %arg5[%get3A_50] : memref<128xf32, #tpu.memory_space<vmem>>, vector<128xf32>
    %broadcast_in_dim3A_52 = vector.shape_cast %get3A_51 : vector<128xf32> to vector<1x128xf32>
    %mul3A_53 = vector.broadcast %broadcast_in_dim3A_52 : vector<1x128xf32> to vector<10000x128xf32>
    %mul3A_54 = arith.mulf %mul3A_49, %mul3A_53 : vector<10000x128xf32>
    %get3A_55 = arith.constant 0 : index
    %get3A_56 = vector.load %arg6[%get3A_55] : memref<128xf32, #tpu.memory_space<vmem>>, vector<128xf32>
    %broadcast_in_dim3A_57 = vector.shape_cast %get3A_56 : vector<128xf32> to vector<1x128xf32>
    %add3A_58 = vector.broadcast %broadcast_in_dim3A_57 : vector<1x128xf32> to vector<10000x128xf32>
    %add3A_59 = arith.addf %mul3A_54, %add3A_58 : vector<10000x128xf32>
    %max3A = arith.constant 0.000000e+00 : f32
    %max3A_60 = vector.broadcast %max3A : f32 to vector<10000x128xf32>
    %max3A_61 = arith.maximumf %add3A_59, %max3A_60 : vector<10000x128xf32>
    %get3A_62 = arith.constant 0 : index
    %get3A_63 = arith.constant 0 : index
    %get3A_64 = vector.load %arg7[%get3A_62, %get3A_63] : memref<128x128xf32, #tpu.memory_space<vmem>>, vector<128x128xf32>
    %dot_general3A = arith.constant dense<0.000000e+00> : vector<10000x128xf32>
    %dot_general3A_65 = tpu.matmul %max3A_61, %get3A_64, %dot_general3A {dimension_numbers = #tpu.dot_dimension_numbers<[1], [0], [0], [1], [0, 0, 1, 1], [], []>, transpose_lhs_hint = false} : vector<10000x128xf32>, vector<128x128xf32>, vector<10000x128xf32> -> vector<10000x128xf32>
    %mul3A_66 = vector.broadcast %slice3A : vector<10000x1xf32> to vector<10000x128xf32>
    %mul3A_67 = arith.mulf %dot_general3A_65, %mul3A_66 : vector<10000x128xf32>
    %swap3A = arith.constant 0 : index
    %swap3A_68 = arith.constant 0 : index
    %swap3A_69 = vector.load %arg8[%swap3A, %swap3A_68] : memref<10000x128xf32, #tpu.memory_space<vmem>>, vector<10000x128xf32>
    tpu.vector_store %arg8[%swap3A, %swap3A_68], %mul3A_67 {strides = array<i32>} : memref<10000x128xf32, #tpu.memory_space<vmem>>, vector<10000x128xf32>,
    return
  }
}

module attributes {stable_mosaic.version = 14 : i64} {
  func.func @body(%arg0: memref<2x10240x128xf32, #tpu.memory_space<vmem>>, %arg1: memref<10000x128xf32, #tpu.memory_space<vmem>>, %arg2: memref<10240x1xf32, #tpu.memory_space<vmem>>, %arg3: memref<10240x1xf32, #tpu.memory_space<vmem>>, %arg4: memref<128xf32, #tpu.memory_space<vmem>>, %arg5: memref<128xf32, #tpu.memory_space<vmem>>, %arg6: memref<128xf32, #tpu.memory_space<vmem>>, %arg7: memref<10000x128xf32, #tpu.memory_space<vmem>>) attributes {dimension_semantics = [], scalar_prefetch = 0 : i64, scratch_operands = 0 : i64, tpu.core_type = #tpu.core_type<tc>} {
    %get3A = arith.constant 0 : index
    %get3A_0 = arith.constant 0 : index
    %get3A_1 = vector.load %arg2[%get3A, %get3A_0] : memref<10240x1xf32, #tpu.memory_space<vmem>>, vector<10240x1xf32>
    %get3A_2 = arith.constant 0 : index
    %get3A_3 = arith.constant 0 : index
    %get3A_4 = vector.load %arg3[%get3A_2, %get3A_3] : memref<10240x1xf32, #tpu.memory_space<vmem>>, vector<10240x1xf32>
    %add3A = arith.addf %get3A_1, %get3A_4 : vector<10240x1xf32>
    %add3A_5 = arith.constant 1.000000e+00 : f32
    %add3A_6 = vector.broadcast %add3A_5 : f32 to vector<10240x1xf32>
    %add3A_7 = arith.addf %add3A, %add3A_6 : vector<10240x1xf32>
    %rsqrt3A = math.rsqrt %add3A_7 : vector<10240x1xf32>
    %slice3A = vector.extract_strided_slice %rsqrt3A {offsets = [0, 0], sizes = [10000, 1], strides = [1, 1]} : vector<10240x1xf32> to vector<10000x1xf32>
    %get3A_8 = arith.constant 0 : index
    %get3A_9 = arith.constant 0 : index
    %get3A_10 = arith.constant 0 : index
    %get3A_11 = vector.load %arg0[%get3A_8, %get3A_9, %get3A_10] : memref<2x10240x128xf32, #tpu.memory_space<vmem>>, vector<1x10000x128xf32>
    %get3A_12 = vector.shape_cast %get3A_11 : vector<1x10000x128xf32> to vector<10000x128xf32>
    %get3A_13 = arith.constant 1 : index
    %get3A_14 = arith.constant 0 : index
    %get3A_15 = arith.constant 0 : index
    %get3A_16 = vector.load %arg0[%get3A_13, %get3A_14, %get3A_15] : memref<2x10240x128xf32, #tpu.memory_space<vmem>>, vector<1x10000x128xf32>
    %get3A_17 = vector.shape_cast %get3A_16 : vector<1x10000x128xf32> to vector<10000x128xf32>
    %add3A_18 = arith.addf %get3A_12, %get3A_17 : vector<10000x128xf32>
    %get3A_19 = arith.constant 0 : index
    %get3A_20 = arith.constant 0 : index
    %get3A_21 = vector.load %arg1[%get3A_19, %get3A_20] : memref<10000x128xf32, #tpu.memory_space<vmem>>, vector<10000x128xf32>
    %add3A_22 = arith.addf %add3A_18, %get3A_21 : vector<10000x128xf32>
    %mul3A = vector.broadcast %slice3A : vector<10000x1xf32> to vector<10000x128xf32>
    %mul3A_23 = arith.mulf %add3A_22, %mul3A : vector<10000x128xf32>
    %get3A_24 = arith.constant 0 : index
    %get3A_25 = vector.load %arg4[%get3A_24] : memref<128xf32, #tpu.memory_space<vmem>>, vector<128xf32>
    %broadcast_in_dim3A = vector.shape_cast %get3A_25 : vector<128xf32> to vector<1x128xf32>
    %add3A_26 = vector.broadcast %broadcast_in_dim3A : vector<1x128xf32> to vector<10000x128xf32>
    %add3A_27 = arith.addf %mul3A_23, %add3A_26 : vector<10000x128xf32>
    %reduce_sum3A = arith.constant dense<0.000000e+00> : vector<128xf32>
    %reduce_sum3A_28 = vector.multi_reduction <add>, %add3A_27, %reduce_sum3A [0] : vector<10000x128xf32> to vector<128xf32>
    %broadcast_in_dim3A_29 = vector.shape_cast %reduce_sum3A_28 : vector<128xf32> to vector<1x128xf32>
    %div3A = arith.constant 1.000000e+04 : f32
    %div3A_30 = vector.broadcast %div3A : f32 to vector<1x128xf32>
    %div3A_31 = arith.divf %broadcast_in_dim3A_29, %div3A_30 : vector<1x128xf32>
    %sub3A = vector.broadcast %div3A_31 : vector<1x128xf32> to vector<10000x128xf32>
    %sub3A_32 = arith.subf %add3A_27, %sub3A : vector<10000x128xf32>
    %sub3A_33 = vector.broadcast %div3A_31 : vector<1x128xf32> to vector<10000x128xf32>
    %sub3A_34 = arith.subf %add3A_27, %sub3A_33 : vector<10000x128xf32>
    %mul3A_35 = arith.mulf %sub3A_32, %sub3A_34 : vector<10000x128xf32>
    %reduce_sum3A_36 = arith.constant dense<0.000000e+00> : vector<128xf32>
    %reduce_sum3A_37 = vector.multi_reduction <add>, %mul3A_35, %reduce_sum3A_36 [0] : vector<10000x128xf32> to vector<128xf32>
    %broadcast_in_dim3A_38 = vector.shape_cast %reduce_sum3A_37 : vector<128xf32> to vector<1x128xf32>
    %div3A_39 = arith.constant 1.000000e+04 : f32
    %div3A_40 = vector.broadcast %div3A_39 : f32 to vector<1x128xf32>
    %div3A_41 = arith.divf %broadcast_in_dim3A_38, %div3A_40 : vector<1x128xf32>
    %sub3A_42 = vector.broadcast %div3A_31 : vector<1x128xf32> to vector<10000x128xf32>
    %sub3A_43 = arith.subf %add3A_27, %sub3A_42 : vector<10000x128xf32>
    %add3A_44 = arith.constant 9.99999974E-6 : f32
    %add3A_45 = vector.broadcast %add3A_44 : f32 to vector<1x128xf32>
    %add3A_46 = arith.addf %div3A_41, %add3A_45 : vector<1x128xf32>
    %rsqrt3A_47 = math.rsqrt %add3A_46 : vector<1x128xf32>
    %mul3A_48 = vector.broadcast %rsqrt3A_47 : vector<1x128xf32> to vector<10000x128xf32>
    %mul3A_49 = arith.mulf %sub3A_43, %mul3A_48 : vector<10000x128xf32>
    %get3A_50 = arith.constant 0 : index
    %get3A_51 = vector.load %arg5[%get3A_50] : memref<128xf32, #tpu.memory_space<vmem>>, vector<128xf32>
    %broadcast_in_dim3A_52 = vector.shape_cast %get3A_51 : vector<128xf32> to vector<1x128xf32>
    %mul3A_53 = vector.broadcast %broadcast_in_dim3A_52 : vector<1x128xf32> to vector<10000x128xf32>
    %mul3A_54 = arith.mulf %mul3A_49, %mul3A_53 : vector<10000x128xf32>
    %get3A_55 = arith.constant 0 : index
    %get3A_56 = vector.load %arg6[%get3A_55] : memref<128xf32, #tpu.memory_space<vmem>>, vector<128xf32>
    %broadcast_in_dim3A_57 = vector.shape_cast %get3A_56 : vector<128xf32> to vector<1x128xf32>
    %add3A_58 = vector.broadcast %broadcast_in_dim3A_57 : vector<1x128xf32> to vector<10000x128xf32>
    %add3A_59 = arith.addf %mul3A_54, %add3A_58 : vector<10000x128xf32>
    %max3A = arith.constant 0.000000e+00 : f32
    %max3A_60 = vector.broadcast %max3A : f32 to vector<10000x128xf32>
    %max3A_61 = arith.maximumf %add3A_59, %max3A_60 : vector<10000x128xf32>
    %mul3A_62 = vector.broadcast %slice3A : vector<10000x1xf32> to vector<10000x128xf32>
    %mul3A_63 = arith.mulf %max3A_61, %mul3A_62 : vector<10000x128xf32>
    %swap3A = arith.constant 0 : index
    %swap3A_64 = arith.constant 0 : index
    %swap3A_65 = vector.load %arg7[%swap3A, %swap3A_64] : memref<10000x128xf32, #tpu.memory_space<vmem>>, vector<10000x128xf32>
    tpu.vector_store %arg7[%swap3A, %swap3A_64], %mul3A_63 {strides = array<i32>} : memref<10000x128xf32, #tpu.memory_space<vmem>>, vector<10000x128xf32>,
    return
  }
}

module attributes {stable_mosaic.version = 14 : i64} {
  func.func @body(%arg0: memref<2x10240x128xf32, #tpu.memory_space<vmem>>, %arg1: memref<10000x128xf32, #tpu.memory_space<vmem>>, %arg2: memref<10240x1xf32, #tpu.memory_space<vmem>>, %arg3: memref<10240x1xf32, #tpu.memory_space<vmem>>, %arg4: memref<128x40xf32, #tpu.memory_space<vmem>>, %arg5: memref<40xf32, #tpu.memory_space<vmem>>, %arg6: memref<10000x40xf32, #tpu.memory_space<vmem>>) attributes {dimension_semantics = [], scalar_prefetch = 0 : i64, scratch_operands = 0 : i64, tpu.core_type = #tpu.core_type<tc>} {
    %get3A = arith.constant 0 : index
    %get3A_0 = arith.constant 0 : index
    %get3A_1 = vector.load %arg2[%get3A, %get3A_0] : memref<10240x1xf32, #tpu.memory_space<vmem>>, vector<10240x1xf32>
    %get3A_2 = arith.constant 0 : index
    %get3A_3 = arith.constant 0 : index
    %get3A_4 = vector.load %arg3[%get3A_2, %get3A_3] : memref<10240x1xf32, #tpu.memory_space<vmem>>, vector<10240x1xf32>
    %add3A = arith.addf %get3A_1, %get3A_4 : vector<10240x1xf32>
    %add3A_5 = arith.constant 1.000000e+00 : f32
    %add3A_6 = vector.broadcast %add3A_5 : f32 to vector<10240x1xf32>
    %add3A_7 = arith.addf %add3A, %add3A_6 : vector<10240x1xf32>
    %rsqrt3A = math.rsqrt %add3A_7 : vector<10240x1xf32>
    %slice3A = vector.extract_strided_slice %rsqrt3A {offsets = [0, 0], sizes = [10000, 1], strides = [1, 1]} : vector<10240x1xf32> to vector<10000x1xf32>
    %get3A_8 = arith.constant 0 : index
    %get3A_9 = arith.constant 0 : index
    %get3A_10 = arith.constant 0 : index
    %get3A_11 = vector.load %arg0[%get3A_8, %get3A_9, %get3A_10] : memref<2x10240x128xf32, #tpu.memory_space<vmem>>, vector<1x10000x128xf32>
    %get3A_12 = vector.shape_cast %get3A_11 : vector<1x10000x128xf32> to vector<10000x128xf32>
    %get3A_13 = arith.constant 1 : index
    %get3A_14 = arith.constant 0 : index
    %get3A_15 = arith.constant 0 : index
    %get3A_16 = vector.load %arg0[%get3A_13, %get3A_14, %get3A_15] : memref<2x10240x128xf32, #tpu.memory_space<vmem>>, vector<1x10000x128xf32>
    %get3A_17 = vector.shape_cast %get3A_16 : vector<1x10000x128xf32> to vector<10000x128xf32>
    %add3A_18 = arith.addf %get3A_12, %get3A_17 : vector<10000x128xf32>
    %get3A_19 = arith.constant 0 : index
    %get3A_20 = arith.constant 0 : index
    %get3A_21 = vector.load %arg1[%get3A_19, %get3A_20] : memref<10000x128xf32, #tpu.memory_space<vmem>>, vector<10000x128xf32>
    %add3A_22 = arith.addf %add3A_18, %get3A_21 : vector<10000x128xf32>
    %mul3A = vector.broadcast %slice3A : vector<10000x1xf32> to vector<10000x128xf32>
    %mul3A_23 = arith.mulf %add3A_22, %mul3A : vector<10000x128xf32>
    %get3A_24 = arith.constant 0 : index
    %get3A_25 = arith.constant 0 : index
    %get3A_26 = vector.load %arg4[%get3A_24, %get3A_25] : memref<128x40xf32, #tpu.memory_space<vmem>>, vector<128x40xf32>
    %dot_general3A = arith.constant dense<0.000000e+00> : vector<10000x40xf32>
    %dot_general3A_27 = tpu.matmul %mul3A_23, %get3A_26, %dot_general3A {dimension_numbers = #tpu.dot_dimension_numbers<[1], [0], [0], [1], [0, 0, 1, 1], [], []>, transpose_lhs_hint = false} : vector<10000x128xf32>, vector<128x40xf32>, vector<10000x40xf32> -> vector<10000x40xf32>
    %get3A_28 = arith.constant 0 : index
    %get3A_29 = vector.load %arg5[%get3A_28] : memref<40xf32, #tpu.memory_space<vmem>>, vector<40xf32>
    %broadcast_in_dim3A = vector.shape_cast %get3A_29 : vector<40xf32> to vector<1x40xf32>
    %add3A_30 = vector.broadcast %broadcast_in_dim3A : vector<1x40xf32> to vector<10000x40xf32>
    %add3A_31 = arith.addf %dot_general3A_27, %add3A_30 : vector<10000x40xf32>
    %reduce_max3A = arith.constant dense<0xFF800000> : vector<10000xf32>
    %reduce_max3A_32 = vector.multi_reduction <maximumf>, %add3A_31, %reduce_max3A [1] : vector<10000x40xf32> to vector<10000xf32>
    %broadcast_in_dim3A_33 = vector.shape_cast %reduce_max3A_32 : vector<10000xf32> to vector<10000x1xf32>
    %sub3A = vector.broadcast %broadcast_in_dim3A_33 : vector<10000x1xf32> to vector<10000x40xf32>
    %sub3A_34 = arith.subf %add3A_31, %sub3A : vector<10000x40xf32>
    %exp3A = math.exp %sub3A_34 : vector<10000x40xf32>
    %reduce_sum3A = arith.constant dense<0.000000e+00> : vector<10000xf32>
    %reduce_sum3A_35 = vector.multi_reduction <add>, %exp3A, %reduce_sum3A [1] : vector<10000x40xf32> to vector<10000xf32>
    %broadcast_in_dim3A_36 = vector.shape_cast %reduce_sum3A_35 : vector<10000xf32> to vector<10000x1xf32>
    %log3A = math.log %broadcast_in_dim3A_36 : vector<10000x1xf32>
    %sub3A_37 = vector.broadcast %broadcast_in_dim3A_33 : vector<10000x1xf32> to vector<10000x40xf32>
    %sub3A_38 = arith.subf %add3A_31, %sub3A_37 : vector<10000x40xf32>
    %sub3A_39 = vector.broadcast %log3A : vector<10000x1xf32> to vector<10000x40xf32>
    %sub3A_40 = arith.subf %sub3A_38, %sub3A_39 : vector<10000x40xf32>
    %swap3A = arith.constant 0 : index
    %swap3A_41 = arith.constant 0 : index
    %swap3A_42 = vector.load %arg6[%swap3A, %swap3A_41] : memref<10000x40xf32, #tpu.memory_space<vmem>>, vector<10000x40xf32>
    tpu.vector_store %arg6[%swap3A, %swap3A_41], %sub3A_40 {strides = array<i32>} : memref<10000x40xf32, #tpu.memory_space<vmem>>, vector<10000x40xf32>,
    return
  }
}

</mosaic_0001>

<sc_bundles>
// kernel: kernel.10.cloned.1.call-start
scs
__scs_entry_jumppad:
0x0: {  	(pc) =	sbr.rel $0x88, $3  }
0x1: {  	(tag) =	ssettag $0x0;
	lr =	simm.s32 $0x1  }
0x2: {  	[smem:$0x3F95] =	sst lr;
	_ =	strace $0xD0000000  }
0x3: {  	_ = 	snop  }
0x4: {  	_ = 	snop  }
0x5: {  	_ = 	snop  }
0x6: {  	_ = 	snop  }
0x7: {  	_ = 	snop  }
__scs_overlays_trampoline_lowered:
0x8: {  	[smem:$0x3FA4] =	sst s0  }
0x9: {  	[smem:$0x3FA5] =	sst s1  }
0xa: {  	[smem:$0x3FA6] =	sst s2  }
0xb: {  	[smem:$0x3FA7] =	sst s3  }
0xc: {  	[smem:$0x3FA8] =	sst s4  }
0xd: {  	[smem:$0x3FA9] =	sst s5  }
0xe: {  	[smem:$0x3FAA] =	sst s6  }
0xf: {  	[smem:$0x3FAB] =	sst s7  }
0x10: {  	[smem:$0x3FAC] =	sst s8  }
0x11: {  	[smem:$0x3FAD] =	sst s9;
	s0 =	simm.s32 @!p0 $0x0  }
0x12: {  	s1 =	sld [smem:$0x3F93];
	s0 =	simm.s32 @p0 $0x1  }
0x13: {  	[smem:$0x3FAE] =	sst s0;
	s0 =	simm.s32 @!p1 $0x0  }
0x14: {  	s2 =	sld [smem:$0x3F92];
	s0 =	simm.s32 @p1 $0x1  }
0x15: {  	[smem:$0x3FAF] =	sst s0;
	s0 =	simm.s32 @!p2 $0x0  }
0x16: {  	s3 =	sld [smem:$0x3FDB];
	s0 =	simm.s32 @p2 $0x1  }
0x17: {  	s4 =	simm.s32 $0x1BF5;
	[smem:$0x3FB1] =	sst s0  }
0x18: {  	s0 =	sld [smem:$0x3F94];
	_ =	swait.ge [sflag:s4], $0x0  }
0x19: {  	s7 =	sld [smem:$0x3F95]  }
0x1a: {  	s8 =	sadd.s32 $0xFFFFE003, lr  }
0x1b: {  	s9 =	sadd.s32 $0xFFFFFEF7, lr;
	s5 =	simm.s32 $0xFFFFFFFF;
	p2 =	slt.u32 s8, $0xFFFFF086  }
0x1c: {  	p1 =	slt.u32 s9, $0xF7A;
	s5 =	simm.s32 @!p2 $0x0  }
0x1d: {  	s5 =	simm.s32 @p1 $0x1;
	p0 =	seq.s32 s7, s2  }
0x1e: {  	s7 =	smul.u32 @!p0 $0xF7A, s2;
	p2 =	seq.s32 @!p0 s5, $0x0  }
0x1f: {  	s9 =	smul.u32 $0xF7A, s1;
	s8 =	simm.s32 @!p0 $0x1BF5;
	p2 =	por !p2, p0  }
0x20: {  	[sflag:s8] =	ssyncset.s32 @!p0 $0xFFFFF086;
	s6 =	sadd.s32 @!p0 s3, s7;
	s7 =	simm.s32 @!p0 $0x108  }
0x21: {  	s3 =	sadd.s32 s3, s9;
	s6 =	sadd.s32 @!p0 $0x88, s6;
	s7 =	simm.s32 @p2 $0x1082  }
0x22: {  	[simem:s7], [sflag:s8] =	dma.local @!p0 [hbm:s6], $0xF7A  }
0x23: {  	s9 =	sor.u32 $0xD0000000, s2;
	s6 =	simm.s32 $0x108;
	_ =	swait.ge @!p0 [sflag:s8], $0x0  }
0x24: {  	s3 =	sadd.s32 $0x88, s3;
	s6 =	simm.s32 @!p1 $0x1082;
	[sflag:s4] =	ssyncset.s32 $0xFFFFF086  }
0x25: {  	[simem:s6], [sflag:s4] =	dma.local [hbm:s3], $0xF7A  }
0x26: {  	[smem:$0x3F95] =	sst s1;
	(tag) =	ssettag s2;
	_ =	strace s9  }
0x27: {  	s1 =	sld [smem:$0x3FA5]  }
0x28: {  	s2 =	sld [smem:$0x3FA6]  }
0x29: {  	s4 =	sld [smem:$0x3FA8]  }
0x2a: {  	p0 =	seq.s32 s5, $0x0;
	s5 =	sld [smem:$0x3FA9]  }
0x2b: {  	s6 =	sld [smem:$0x3FAA]  }
0x2c: {  	s7 =	sld [smem:$0x3FAB]  }
0x2d: {  	s3 =	simm.s32 $0x108;
	s8 =	sld [smem:$0x3FAC]  }
0x2e: {  	s3 =	simm.s32 @!p0 $0x1082;
	s9 =	sld [smem:$0x3FAD]  }
0x2f: {  	lr =	sadd.s32 s0, s3;
	s0 =	sld [smem:$0x3FA4]  }
0x30: {  	s3 =	sld [smem:$0x3FA7]  }
0x31: {  	[smem:$0x3FB0] =	sst s10  }
0x32: {  	s10 =	sld [smem:$0x3FAE];
	_ =	sdelay $0x3  }
0x33: {  	p0 =	seq.s32 s10, $0x1;
	s10 =	sld [smem:$0x3FB0];
	_ =	sdelay $0x3  }
0x34: {  	[smem:$0x3FB0] =	sst s10  }
0x35: {  	s10 =	sld [smem:$0x3FAF];
	_ =	sdelay $0x3  }
0x36: {  	p1 =	seq.s32 s10, $0x1;
	s10 =	sld [smem:$0x3FB0];
	_ =	sdelay $0x3  }
0x37: {  	[smem:$0x3FB0] =	sst s10  }
0x38: {  	s10 =	sld [smem:$0x3FB1]  }
0x39: {  	_ = 	snop;
	(pc) =	sbr.ind lr, $3  }
0x3a: {  	_ = 	snop  }
0x3b: {  	_ = 	snop  }
0x3c: {  	p2 =	seq.s32 s10, $0x1;
	s10 =	sld [smem:$0x3FB0]  }
0x3d: {  	_ =	shalt  }
0x3e: {  	_ =	shalt  }
0x3f: {  	_ =	shalt  }
0x40: {  	_ =	shalt  }
0x41: {  	_ =	shalt  }
0x42: {  	_ =	shalt  }
0x43: {  	_ =	shalt  }
0x44: {  	_ =	shalt  }
0x45: {  	_ =	shalt  }
0x46: {  	_ =	shalt  }
0x47: {  	_ =	shalt  }
0x48: {  	_ =	shalt  }
0x49: {  	_ =	shalt  }
0x4a: {  	_ =	shalt  }
0x4b: {  	_ =	shalt  }
0x4c: {  	_ =	shalt  }
0x4d: {  	_ =	shalt  }
0x4e: {  	_ =	shalt  }
0x4f: {  	_ =	shalt  }
0x50: {  	_ =	shalt  }
0x51: {  	_ =	shalt  }
0x52: {  	_ =	shalt  }
0x53: {  	_ =	shalt  }
0x54: {  	_ =	shalt  }
0x55: {  	_ =	shalt  }
0x56: {  	_ =	shalt  }
0x57: {  	_ =	shalt  }
0x58: {  	_ =	shalt  }
0x59: {  	_ =	shalt  }
0x5a: {  	_ =	shalt  }
0x5b: {  	_ =	shalt  }
0x5c: {  	_ =	shalt  }
0x5d: {  	_ =	shalt  }
0x5e: {  	_ =	shalt  }
0x5f: {  	_ =	shalt  }
0x60: {  	_ =	shalt  }
0x61: {  	_ =	shalt  }
0x62: {  	_ =	shalt  }
0x63: {  	_ =	shalt  }
0x64: {  	_ =	shalt  }
0x65: {  	_ =	shalt  }
0x66: {  	_ =	shalt  }
0x67: {  	_ =	shalt  }
0x68: {  	_ =	shalt  }
0x69: {  	_ =	shalt  }
0x6a: {  	_ =	shalt  }
0x6b: {  	_ =	shalt  }
0x6c: {  	_ =	shalt  }
0x6d: {  	_ =	shalt  }
0x6e: {  	_ =	shalt  }
0x6f: {  	_ =	shalt  }
0x70: {  	_ =	shalt  }
0x71: {  	_ =	shalt  }
0x72: {  	_ =	shalt  }
0x73: {  	_ =	shalt  }
0x74: {  	_ =	shalt  }
0x75: {  	_ =	shalt  }
0x76: {  	_ =	shalt  }
0x77: {  	_ =	shalt  }
0x78: {  	_ =	shalt  }
0x79: {  	_ =	shalt  }
0x7a: {  	_ =	shalt  }
0x7b: {  	_ =	shalt  }
0x7c: {  	_ =	shalt  }
0x7d: {  	_ =	shalt  }
0x7e: {  	_ =	shalt  }
0x7f: {  	_ =	shalt  }
0x80: {  	_ =	shalt  }
0x81: {  	_ =	shalt  }
0x82: {  	_ =	shalt  }
0x83: {  	_ =	shalt  }
0x84: {  	_ =	shalt  }
0x85: {  	_ =	shalt  }
0x86: {  	_ =	shalt  }
0x87: {  	_ =	shalt  }
.Lfunc_end0:
.L_simem_size_0:
called_computation_lowered:
.L_overlay_start_0:
0x88: {  	s2 =	sld [smem:$0x3FD9]  }
0x89: {  	s3 =	sld [smem:$0x3FFE];
	_ =	sdelay $0x1  }
0x8a: {  	s1 =	srdreg.scid  }
0x8b: {  	s0 =	sand.u32 $0x1, s1  }
0x8c: {  	s17 =	sshll.u32 s0, $0xA;
	s2 =	sadd.s32 s3, s2  }
0x8d: {  	s2 =	sadd.s32 s2, s17  }
0x8e: {  	[smem:$0x3FBC] =	sst s2  }
0x8f: {  	_ = 	snop  }
0x90: {  	s2 =	sld [smem:$0x3FD0];
	(tm) =	ssettm $0x1  }
0x91: {  	s18 =	sld [smem:$0x3FFB];
	_ =	sdelay $0x3  }
0x92: {  	_ =	strace s18  }
0x93: {  	s3 =	sld [smem:$0x3FFC];
	_ =	sdelay $0x3  }
0x94: {  	_ =	strace s3  }
0x95: {  	s3 =	sld [smem:$0x3FFD];
	_ =	sdelay $0x3  }
0x96: {  	_ =	strace s3  }
0x97: {  	_ =	strace $0x8FFFFFFF  }
0x98: {  	s19 =	sld [smem:$0x3FDB];
	_ =	sdelay $0x1  }
0x99: {  	s4 =	simm.s32 $_scs_section_size  }
0x9a: {  	s5 =	simm.s32 $_size__tile_overlayer_lowered;
	s6 =	simm.s32 $_tile_overlayer_lowered  }
0x9b: {  	s22 =	simm.s32 $0x1BFF;
	s21 =	sshll.u32 s6, $0x1;
	s3 =	sadd.s32 s4, s19  }
0x9c: {  	s7 =	simm.s32 $0x0;
	s20 =	sshll.u32 s5, $0x1;
	s5 =	sadd.s32 s21, s3  }
0x9d: {  	[timem:s7], [sflag:s22] =	dma.local [hbm:s5], s20  }
0x9e: {  	_ =	swait.ge [sflag:s22], s20  }
0x9f: {  	s4 =	ssub.s32 $0x0, s20;
	[sflag:s22] =	ssyncset.done $0x0  }
0xa0: {  	[sflag:s22] =	ssyncadd.s32 s4;
	_ =	sdelay $0x1  }
0xa1: {  	s23 =	simm.s32 $0x1B8B  }
0xa2: {  	_ =	swait.ge [sflag:s23], $0x1  }
0xa3: {  	[sflag:s23] =	ssyncset.done $0x0  }
0xa4: {  	s25 =	simm.s32 $0x1B8E;
	s24 =	sld [smem:$0x3FFE];
	[sflag:s23] =	ssyncadd.s32 $0xFFFFFFFF  }
0xa5: {  	s26 =	simm.s32 $execute0_lowered;
	[smem:$0x3FD2] =	sst s25  }
0xa6: {  	s5 =	sshll.u32 s26, $0x1;
	_ =	strace $0x80000046;
	[dreg:$0x1] =	wrdreg $0xFFFFFFFF  }
0xa7: {  	s28 =	simm.s32 $_size_execute0_lowered;
	s3 =	sadd.s32 s3, s5;
	[dreg:$0x0] =	wrdreg $0x0  }
0xa8: {  	s5 =	sshll.u32 s28, $0x1;
	[dreg:$0x2] =	wrdreg s3  }
0xa9: {  	[dreg:$0x3] =	wrdreg s5  }
0xaa: {  	[dreg:$0x4] =	wrdreg $0xC0  }
0xab: {  	_ =	task [dreg:s7], $0x5FFFF  }
0xac: {  	[dreg:$0x1] =	wrdreg $0xFFFFFFFF  }
0xad: {  	[dreg:$0x0] =	wrdreg $0x60  }
0xae: {  	[dreg:$0x2] =	wrdreg s2  }
0xaf: {  	[dreg:$0x3] =	wrdreg s24  }
0xb0: {  	[dreg:$0x4] =	wrdreg $0x28800  }
0xb1: {  	[dreg:$0x5] =	wrdreg $0x9  }
0xb2: {  	_ =	task.clear_ibuf [dreg:s7], $0x6FFFF;
	_ =	strace $0x90000046  }
0xb3: {  	s29 =	simm.s32 $0x9;
	_ =	strace $0x80000048  }
0xb4: {  	_ =	swait.ge [sflag:s29], $0x1  }
0xb5: {  	[sflag:s29] =	ssyncadd.s32 $0xFFFFFFFF  }
0xb6: {  	_ =	strace $0x90000048  }
0xb7: {  	_ =	sfence  }
0xb8: {  	s30 =	sld [smem:$0x0];
	_ =	sdelay $0x2  }
0xb9: {  	s31 =	sshll.u32 s1, $0xD;
	s1 =	sshrl.u32 s1, $0x2  }
0xba: {  	s3 =	sand.u32 $0x4000, s31;
	s1 =	sadd.s32 s1, s30  }
0xbb: {  	s0 =	sor.u32 s3, s0;
	s1 =	sshll.u32 s1, $0x11  }
0xbc: {  	s0 =	sor.u32 s1, s0  }
0xbd: {  	s0 =	sadd.s32 $0x8F2B, s0  }
0xbe: {  	[sflag:s0] =	ssyncadd.remote.s32 $0x1  }
0xbf: {  	_ =	sfence.sel $0xFFFF  }
0xc0: {  	[dreg:$0x0] =	wrdreg $0xFFFFFFFF;
	(pc) =	sbr.abs _section_cstart, $3  }
0xc1: {  	[dreg:$0x1] =	wrdreg $0xFFFFFFFF  }
0xc2: {  	_ =	task.clear_ibuf [dreg:s7], $0x2FFFF;
	_ =	strace $0x9FFFFFFF  }
0xc3: {  	(tm) =	ssettm $0x7FFFFFFF  }
tec
execute0_lowered:
.L_overlay_start_1:
0x0: {  	(tag) =	ssettag $0x1  }
0x1: {  	s5 =	rddreg [dreg:$0x0]  }
0x2: {  	s6 =	rddreg [dreg:$0x1]  }
0x3: {  	s1 =	rddreg [dreg:$0x2];
	s2 =	srdreg.scid  }
0x4: {  	s0 =	rddreg [dreg:$0x3];
	s12 =	stileid.u32  }
0x5: {  	s14 =	simm.s32 $0x0;
	s4 =	sand.u32 $0x1, s2;
	s2 =	simm.s32 $0x0  }
0x6: {  	s8 =	smul.u32 $0x280, s12;
	s3 =	sadd.s32 $0xDA00, s6;
	p0 =	sne.s32 s12, $0x0  }
0x7: {  	s7 =	smul.u32 $0x2800, s4;
	[smem:$0x7FF] =	sst s2;
	s9 =	sshll.u32 s4, $0x4  }
0x8: {  	s10 =	ssub.s32 $0x2, s4;
	s4 =	sadd.s32 $0xD400, s6;
	_ =	strace $0x80000047  }
0x9: {  	s9 =	sor.u32 s12, s9;
	s11 =	sshrl.u32 s10, $0x1;
	s13 =	sadd.s32 s8, s1  }
0xa: {  	s12 =	sshll.u32 s12, $0x6;
	s7 =	sadd.s32 s8, s7;
	s9 =	smul.u32 $0x500, s9  }
0xb: {  	s31 =	ssub.s32 s10, s11;
	s8 =	sshrl.u32 @!p0 s1, $0x3;
	s10 =	simm.s32 $0x2800  }
0xc: {  	s11 =	simm.s32 $0x80;
	s12 =	sor.u32 $0x1C01, s12;
	s7 =	sshrl.u32 s7, $0x3  }
0xd: {  	s13 =	sshrl.u32 s13, $0x3;
	s6 =	sadd.s32 s7, s6;
	s5 =	sadd.s32 s5, s9  }
0xe: {  	s7 =	smax.u32 s31, $0x1;
	s9 =	simm.s32 $0x1;
	s6 =	sadd.s32 $0xDC00, s6  }
.LBB2_1:
0xf: {  	s15 =	simm.s32 @!p0 $0x1C01  }
0x10: {  	[spmem:s8], [sflag:s15] =	dma.local @!p0 [hbm:s4], $0x500  }
0x11: {  	s15 =	simm.s32 @!p0 $0x1  }
0x12: {  	_ =	swait.ge @!p0 [sflag:s15], $0x500  }
0x13: {  	[sflag:s15] =	ssyncset.done @!p0 $0x0  }
0x14: {  	[sflag:s15] =	ssyncadd.s32 @!p0 $0xFFFFFB00  }
0x15: {  	[tilespmem:s2], [sflag:$0x1] =	stream.linear.gather [hbm4b:s5+s2], $0x2800, $0x38;
	[tilespmem:$0x2B00] =	vst v63  }
0x16: {  	_ =	swait.ge [sflag:s9], $0x2800  }
0x17: {  	[sflag:s9] =	ssyncset.done $0x0  }
0x18: {  	[sflag:s9] =	ssyncadd.s32 $0xFFFFD800  }
0x19: {  	[tilespmem:s10], [sflag:$0x1] =	stream.linear.gather [hbm4b:s3+s2], $0x80, $0x38;
	[tilespmem:$0x2B00] =	vst v63  }
0x1a: {  	_ =	swait.ge [sflag:s9], $0x80  }
0x1b: {  	[sflag:s9] =	ssyncset.done $0x0  }
0x1c: {  	[sflag:s9] =	ssyncadd.s32 $0xFFFFFF80  }
0x1d: {  	s31 =	simm.s32 $0x0;
	[bflag:$0x0] =	sbarrier.arrive $0xFFFF  }
0x1e: {  	[spmem:s1] =	stream.indirect.scatter.add.f32 [tilespmem:s10], [sflag:$0x1], $0x1, s31, s11, $0xb8;
	[tilespmem:$0x2B00] =	vst v63  }
0x1f: {  	_ =	swait.ge [sflag:s9], $0x80  }
0x20: {  	s15 =	simm.s32 $0x200;
	[sflag:s9] =	ssyncset.done $0x0  }
.LBB2_2:
0x21: {  	s16 =	sshra.s32 s15, $0x2;
	[sflag:s9] =	ssyncadd.s32 $0xFFFFFF80;
	p1 =	sne.s32 s15, $0x9E00  }
0x22: {  	[spmem:s1] =	stream.indirect.scatter.add.f32 [tilespmem:s10], [sflag:$0x1], $0x1, s16, s11, $0xb8;
	[tilespmem:$0x2B00] =	vst v63  }
.Ltmp0:
0x23: {  	_ = 	snop;
	(pc) =	sbr.rel @p1 .LBB2_2-.Ltmp0, $4  }
0x24: {  	_ = 	snop  }
0x25: {  	s15 =	sadd.s32 $0x200, s15  }
0x26: {  	_ =	swait.ge [sflag:s9], $0x80  }
0x27: {  	[sflag:s9] =	ssyncset.done $0x0  }
0x28: {  	s14 =	sadd.s32 $0x1, s14  }
0x29: {  	[sflag:s9] =	ssyncadd.s32 $0xFFFFFF80;
	p1 =	sne.s32 s14, s7  }
.Ltmp1:
0x2a: {  	[bflag:$0x0] =	sbarrier.arrive $0xFFFF;
	(pc) =	sbr.rel @p1 .LBB2_1-.Ltmp1, $4  }
0x2b: {  	[hbm:s6], [sflag:s12] =	dma.local [spmem:s13], $0x50  }
0x2c: {  	_ =	swait.ge [sflag:s9], $0x50  }
0x2d: {  	[sflag:s9] =	ssyncset.done $0x0  }
0x2e: {  	[sflag:s9] =	ssyncadd.s32 $0xFFFFFFB0  }
0x2f: {  	_ =	sfence.sel $0x180000  }
0x30: {  	[bflag:$0x0] =	sbarrier.arrive $0xFFFF  }
0x31: {  	_ =	strace $0x90000047  }
0x32: {  	s0 =	sadd.s32 @!p0 $0x100000, s0;
	[bflag:$0x2] =	sbarrier.arrive $0xFFFF  }
0x33: {  	[sflag:s0] =	ssyncadd.tile.s32 @!p0 $0x1;
	_ =	shalt  }
.Lfunc_end2:
_tile_overlayer_lowered:
.L_overlay_start_2:
0x34: {  	(tag) =	ssettag $0x2  }
0x35: {  	s0 =	rddreg [dreg:$0x0];
	s2 =	stileid.u32  }
0x36: {  	s1 =	rddreg [dreg:$0x1];
	p0 =	sne.s32 s2, $0x0  }
0x37: {  	s3 =	rddreg [dreg:$0x2];
	[bflag:$0x3] =	sbarrier.arrive $0xFFFF;
	s2 =	simm.s32 @!p0 $0x1C01  }
0x38: {  	[timem:s3], [sflag:s2] =	dma.local @!p0 [hbm:s0], s1  }
0x39: {  	s0 =	simm.s32 @!p0 $0x1  }
0x3a: {  	_ =	swait.ge @!p0 [sflag:s0], s1  }
0x3b: {  	s1 =	ssub.s32 @!p0 $0x0, s1;
	[sflag:s0] =	ssyncset.done @!p0 $0x0  }
0x3c: {  	[sflag:s0] =	ssyncadd.s32 @!p0 s1  }
0x3d: {  	[bflag:$0x3] =	sbarrier.arrive $0xFFFF  }
0x3e: {  	_ =	shalt  }

// kernel: kernel.13.cloned.1.call-start
scs
__scs_entry_jumppad:
0x0: {  	(pc) =	sbr.rel $0x88, $3  }
0x1: {  	(tag) =	ssettag $0x0;
	lr =	simm.s32 $0x1  }
0x2: {  	[smem:$0x3F95] =	sst lr;
	_ =	strace $0xD0000000  }
0x3: {  	_ = 	snop  }
0x4: {  	_ = 	snop  }
0x5: {  	_ = 	snop  }
0x6: {  	_ = 	snop  }
0x7: {  	_ = 	snop  }
__scs_overlays_trampoline_lowered:
0x8: {  	[smem:$0x3FA4] =	sst s0  }
0x9: {  	[smem:$0x3FA5] =	sst s1  }
0xa: {  	[smem:$0x3FA6] =	sst s2  }
0xb: {  	[smem:$0x3FA7] =	sst s3  }
0xc: {  	[smem:$0x3FA8] =	sst s4  }
0xd: {  	[smem:$0x3FA9] =	sst s5  }
0xe: {  	[smem:$0x3FAA] =	sst s6  }
0xf: {  	[smem:$0x3FAB] =	sst s7  }
0x10: {  	[smem:$0x3FAC] =	sst s8  }
0x11: {  	[smem:$0x3FAD] =	sst s9;
	s0 =	simm.s32 @!p0 $0x0  }
0x12: {  	s1 =	sld [smem:$0x3F93];
	s0 =	simm.s32 @p0 $0x1  }
0x13: {  	[smem:$0x3FAE] =	sst s0;
	s0 =	simm.s32 @!p1 $0x0  }
0x14: {  	s2 =	sld [smem:$0x3F92];
	s0 =	simm.s32 @p1 $0x1  }
0x15: {  	[smem:$0x3FAF] =	sst s0;
	s0 =	simm.s32 @!p2 $0x0  }
0x16: {  	s3 =	sld [smem:$0x3FDB];
	s0 =	simm.s32 @p2 $0x1  }
0x17: {  	s4 =	simm.s32 $0x1BF5;
	[smem:$0x3FB1] =	sst s0  }
0x18: {  	s0 =	sld [smem:$0x3F94];
	_ =	swait.ge [sflag:s4], $0x0  }
0x19: {  	s7 =	sld [smem:$0x3F95]  }
0x1a: {  	s8 =	sadd.s32 $0xFFFFE003, lr  }
0x1b: {  	s9 =	sadd.s32 $0xFFFFFEF7, lr;
	s5 =	simm.s32 $0xFFFFFFFF;
	p2 =	slt.u32 s8, $0xFFFFF086  }
0x1c: {  	p1 =	slt.u32 s9, $0xF7A;
	s5 =	simm.s32 @!p2 $0x0  }
0x1d: {  	s5 =	simm.s32 @p1 $0x1;
	p0 =	seq.s32 s7, s2  }
0x1e: {  	s7 =	smul.u32 @!p0 $0xF7A, s2;
	p2 =	seq.s32 @!p0 s5, $0x0  }
0x1f: {  	s9 =	smul.u32 $0xF7A, s1;
	s8 =	simm.s32 @!p0 $0x1BF5;
	p2 =	por !p2, p0  }
0x20: {  	[sflag:s8] =	ssyncset.s32 @!p0 $0xFFFFF086;
	s6 =	sadd.s32 @!p0 s3, s7;
	s7 =	simm.s32 @!p0 $0x108  }
0x21: {  	s3 =	sadd.s32 s3, s9;
	s6 =	sadd.s32 @!p0 $0x88, s6;
	s7 =	simm.s32 @p2 $0x1082  }
0x22: {  	[simem:s7], [sflag:s8] =	dma.local @!p0 [hbm:s6], $0xF7A  }
0x23: {  	s9 =	sor.u32 $0xD0000000, s2;
	s6 =	simm.s32 $0x108;
	_ =	swait.ge @!p0 [sflag:s8], $0x0  }
0x24: {  	s3 =	sadd.s32 $0x88, s3;
	s6 =	simm.s32 @!p1 $0x1082;
	[sflag:s4] =	ssyncset.s32 $0xFFFFF086  }
0x25: {  	[simem:s6], [sflag:s4] =	dma.local [hbm:s3], $0xF7A  }
0x26: {  	[smem:$0x3F95] =	sst s1;
	(tag) =	ssettag s2;
	_ =	strace s9  }
0x27: {  	s1 =	sld [smem:$0x3FA5]  }
0x28: {  	s2 =	sld [smem:$0x3FA6]  }
0x29: {  	s4 =	sld [smem:$0x3FA8]  }
0x2a: {  	p0 =	seq.s32 s5, $0x0;
	s5 =	sld [smem:$0x3FA9]  }
0x2b: {  	s6 =	sld [smem:$0x3FAA]  }
0x2c: {  	s7 =	sld [smem:$0x3FAB]  }
0x2d: {  	s3 =	simm.s32 $0x108;
	s8 =	sld [smem:$0x3FAC]  }
0x2e: {  	s3 =	simm.s32 @!p0 $0x1082;
	s9 =	sld [smem:$0x3FAD]  }
0x2f: {  	lr =	sadd.s32 s0, s3;
	s0 =	sld [smem:$0x3FA4]  }
0x30: {  	s3 =	sld [smem:$0x3FA7]  }
0x31: {  	[smem:$0x3FB0] =	sst s10  }
0x32: {  	s10 =	sld [smem:$0x3FAE];
	_ =	sdelay $0x3  }
0x33: {  	p0 =	seq.s32 s10, $0x1;
	s10 =	sld [smem:$0x3FB0];
	_ =	sdelay $0x3  }
0x34: {  	[smem:$0x3FB0] =	sst s10  }
0x35: {  	s10 =	sld [smem:$0x3FAF];
	_ =	sdelay $0x3  }
0x36: {  	p1 =	seq.s32 s10, $0x1;
	s10 =	sld [smem:$0x3FB0];
	_ =	sdelay $0x3  }
0x37: {  	[smem:$0x3FB0] =	sst s10  }
0x38: {  	s10 =	sld [smem:$0x3FB1]  }
0x39: {  	_ = 	snop;
	(pc) =	sbr.ind lr, $3  }
0x3a: {  	_ = 	snop  }
0x3b: {  	_ = 	snop  }
0x3c: {  	p2 =	seq.s32 s10, $0x1;
	s10 =	sld [smem:$0x3FB0]  }
0x3d: {  	_ =	shalt  }
0x3e: {  	_ =	shalt  }
0x3f: {  	_ =	shalt  }
0x40: {  	_ =	shalt  }
0x41: {  	_ =	shalt  }
0x42: {  	_ =	shalt  }
0x43: {  	_ =	shalt  }
0x44: {  	_ =	shalt  }
0x45: {  	_ =	shalt  }
0x46: {  	_ =	shalt  }
0x47: {  	_ =	shalt  }
0x48: {  	_ =	shalt  }
0x49: {  	_ =	shalt  }
0x4a: {  	_ =	shalt  }
0x4b: {  	_ =	shalt  }
0x4c: {  	_ =	shalt  }
0x4d: {  	_ =	shalt  }
0x4e: {  	_ =	shalt  }
0x4f: {  	_ =	shalt  }
0x50: {  	_ =	shalt  }
0x51: {  	_ =	shalt  }
0x52: {  	_ =	shalt  }
0x53: {  	_ =	shalt  }
0x54: {  	_ =	shalt  }
0x55: {  	_ =	shalt  }
0x56: {  	_ =	shalt  }
0x57: {  	_ =	shalt  }
0x58: {  	_ =	shalt  }
0x59: {  	_ =	shalt  }
0x5a: {  	_ =	shalt  }
0x5b: {  	_ =	shalt  }
0x5c: {  	_ =	shalt  }
0x5d: {  	_ =	shalt  }
0x5e: {  	_ =	shalt  }
0x5f: {  	_ =	shalt  }
0x60: {  	_ =	shalt  }
0x61: {  	_ =	shalt  }
0x62: {  	_ =	shalt  }
0x63: {  	_ =	shalt  }
0x64: {  	_ =	shalt  }
0x65: {  	_ =	shalt  }
0x66: {  	_ =	shalt  }
0x67: {  	_ =	shalt  }
0x68: {  	_ =	shalt  }
0x69: {  	_ =	shalt  }
0x6a: {  	_ =	shalt  }
0x6b: {  	_ =	shalt  }
0x6c: {  	_ =	shalt  }
0x6d: {  	_ =	shalt  }
0x6e: {  	_ =	shalt  }
0x6f: {  	_ =	shalt  }
0x70: {  	_ =	shalt  }
0x71: {  	_ =	shalt  }
0x72: {  	_ =	shalt  }
0x73: {  	_ =	shalt  }
0x74: {  	_ =	shalt  }
0x75: {  	_ =	shalt  }
0x76: {  	_ =	shalt  }
0x77: {  	_ =	shalt  }
0x78: {  	_ =	shalt  }
0x79: {  	_ =	shalt  }
0x7a: {  	_ =	shalt  }
0x7b: {  	_ =	shalt  }
0x7c: {  	_ =	shalt  }
0x7d: {  	_ =	shalt  }
0x7e: {  	_ =	shalt  }
0x7f: {  	_ =	shalt  }
0x80: {  	_ =	shalt  }
0x81: {  	_ =	shalt  }
0x82: {  	_ =	shalt  }
0x83: {  	_ =	shalt  }
0x84: {  	_ =	shalt  }
0x85: {  	_ =	shalt  }
0x86: {  	_ =	shalt  }
0x87: {  	_ =	shalt  }
.Lfunc_end0:
.L_simem_size_0:
called_computation.1_lowered:
.L_overlay_start_0:
0x88: {  	s2 =	sld [smem:$0x3FD9]  }
0x89: {  	s3 =	sld [smem:$0x3FFE];
	_ =	sdelay $0x1  }
0x8a: {  	s1 =	srdreg.scid  }
0x8b: {  	s0 =	sand.u32 $0x1, s1  }
0x8c: {  	s17 =	sshll.u32 s0, $0xA;
	s2 =	sadd.s32 s3, s2  }
0x8d: {  	s2 =	sadd.s32 s2, s17  }
0x8e: {  	[smem:$0x3FBC] =	sst s2  }
0x8f: {  	_ = 	snop  }
0x90: {  	s2 =	sld [smem:$0x3FD0];
	(tm) =	ssettm $0x1  }
0x91: {  	s18 =	sld [smem:$0x3FFB];
	_ =	sdelay $0x3  }
0x92: {  	_ =	strace s18  }
0x93: {  	s3 =	sld [smem:$0x3FFC];
	_ =	sdelay $0x3  }
0x94: {  	_ =	strace s3  }
0x95: {  	s3 =	sld [smem:$0x3FFD];
	_ =	sdelay $0x3  }
0x96: {  	_ =	strace s3  }
0x97: {  	_ =	strace $0x8FFFFFFF  }
0x98: {  	s19 =	sld [smem:$0x3FDB];
	_ =	sdelay $0x1  }
0x99: {  	s4 =	simm.s32 $_scs_section_size  }
0x9a: {  	s5 =	simm.s32 $_size__tile_overlayer_lowered;
	s6 =	simm.s32 $_tile_overlayer_lowered  }
0x9b: {  	s22 =	simm.s32 $0x1BFF;
	s21 =	sshll.u32 s6, $0x1;
	s3 =	sadd.s32 s4, s19  }
0x9c: {  	s7 =	simm.s32 $0x0;
	s20 =	sshll.u32 s5, $0x1;
	s5 =	sadd.s32 s21, s3  }
0x9d: {  	[timem:s7], [sflag:s22] =	dma.local [hbm:s5], s20  }
0x9e: {  	_ =	swait.ge [sflag:s22], s20  }
0x9f: {  	s4 =	ssub.s32 $0x0, s20;
	[sflag:s22] =	ssyncset.done $0x0  }
0xa0: {  	[sflag:s22] =	ssyncadd.s32 s4;
	_ =	sdelay $0x1  }
0xa1: {  	s23 =	simm.s32 $0x1B8B  }
0xa2: {  	_ =	swait.ge [sflag:s23], $0x1  }
0xa3: {  	[sflag:s23] =	ssyncset.done $0x0  }
0xa4: {  	s25 =	simm.s32 $0x1B8E;
	s24 =	sld [smem:$0x3FFE];
	[sflag:s23] =	ssyncadd.s32 $0xFFFFFFFF  }
0xa5: {  	s26 =	simm.s32 $execute0_lowered;
	[smem:$0x3FD2] =	sst s25  }
0xa6: {  	s5 =	sshll.u32 s26, $0x1;
	_ =	strace $0x80000049;
	[dreg:$0x1] =	wrdreg $0xFFFFFFFF  }
0xa7: {  	s28 =	simm.s32 $_size_execute0_lowered;
	s3 =	sadd.s32 s3, s5;
	[dreg:$0x0] =	wrdreg $0x0  }
0xa8: {  	s5 =	sshll.u32 s28, $0x1;
	[dreg:$0x2] =	wrdreg s3  }
0xa9: {  	[dreg:$0x3] =	wrdreg s5  }
0xaa: {  	[dreg:$0x4] =	wrdreg $0xC0  }
0xab: {  	_ =	task [dreg:s7], $0x5FFFF  }
0xac: {  	[dreg:$0x1] =	wrdreg $0xFFFFFFFF  }
0xad: {  	[dreg:$0x0] =	wrdreg $0x60  }
0xae: {  	[dreg:$0x2] =	wrdreg s24  }
0xaf: {  	[dreg:$0x3] =	wrdreg s2  }
0xb0: {  	[dreg:$0x4] =	wrdreg $0xA8000  }
0xb1: {  	[dreg:$0x5] =	wrdreg $0x9  }
0xb2: {  	_ =	task.clear_ibuf [dreg:s7], $0x6FFFF;
	_ =	strace $0x90000049  }
0xb3: {  	s29 =	simm.s32 $0x9;
	_ =	strace $0x8000004B  }
0xb4: {  	_ =	swait.ge [sflag:s29], $0x1  }
0xb5: {  	[sflag:s29] =	ssyncadd.s32 $0xFFFFFFFF  }
0xb6: {  	_ =	strace $0x9000004B  }
0xb7: {  	_ =	sfence  }
0xb8: {  	s30 =	sld [smem:$0x0];
	_ =	sdelay $0x2  }
0xb9: {  	s31 =	sshll.u32 s1, $0xD;
	s1 =	sshrl.u32 s1, $0x2  }
0xba: {  	s3 =	sand.u32 $0x4000, s31;
	s1 =	sadd.s32 s1, s30  }
0xbb: {  	s0 =	sor.u32 s3, s0;
	s1 =	sshll.u32 s1, $0x11  }
0xbc: {  	s0 =	sor.u32 s1, s0  }
0xbd: {  	s0 =	sadd.s32 $0x8F2B, s0  }
0xbe: {  	[sflag:s0] =	ssyncadd.remote.s32 $0x1  }
0xbf: {  	_ =	sfence.sel $0xFFFF  }
0xc0: {  	[dreg:$0x0] =	wrdreg $0xFFFFFFFF;
	(pc) =	sbr.abs _section_cstart, $3  }
0xc1: {  	[dreg:$0x1] =	wrdreg $0xFFFFFFFF  }
0xc2: {  	_ =	task.clear_ibuf [dreg:s7], $0x2FFFF;
	_ =	strace $0x9FFFFFFF  }
0xc3: {  	(tm) =	ssettm $0x7FFFFFFF  }
tec
execute0_lowered:
.L_overlay_start_1:
0x0: {  	(tag) =	ssettag $0x1  }
0x1: {  	s5 =	rddreg [dreg:$0x0]  }
0x2: {  	s10 =	rddreg [dreg:$0x1]  }
0x3: {  	s2 =	rddreg [dreg:$0x2]  }
0x4: {  	s0 =	rddreg [dreg:$0x3];
	s1 =	stileid.u32  }
0x5: {  	s4 =	srdreg.scid;
	s3 =	simm.s32 $0x0;
	s16 =	simm.s32 $0x80  }
0x6: {  	s17 =	simm.s32 $0x2800;
	s18 =	simm.s32 $0x6800;
	s19 =	simm.s32 $0x1  }
0x7: {  	s20 =	simm.s32 $0x1380;
	s21 =	simm.s32 $0x2700;
	s22 =	simm.s32 $0x2780  }
0x8: {  	s23 =	simm.s32 $0x0;
	s6 =	smul.u32 $0x14000, s1;
	s7 =	sand.u32 $0x1, s4  }
0x9: {  	[smem:$0x7FF] =	sst s3;
	s4 =	sadd.s32 $0xD400, s5;
	s26 =	smul.u32 $0x50000, s1  }
0xa: {  	s11 =	sadd.s32 $0x3400, s5;
	s30 =	sshll.u32 s1, $0x6;
	s8 =	smul.u32 $0x140000, s7  }
0xb: {  	_ =	strace $0x8000004A;
	s12 =	sshll.u32 s7, $0x4;
	s28 =	ssub.s32 $0x2, s7  }
0xc: {  	s9 =	sshrl.u32 s6, $0x3;
	s29 =	sor.u32 s1, s12;
	s7 =	sshrl.u32 s28, $0x1  }
0xd: {  	s9 =	sadd.s32 s9, s5;
	s6 =	sadd.s32 s6, s8;
	s12 =	smul.u32 $0x2800, s29  }
0xe: {  	s8 =	sshrl.u32 s26, $0x2;
	s14 =	ssub.s32 s28, s7;
	s6 =	sshrl.u32 s6, $0x3  }
0xf: {  	s15 =	sadd.s32 s8, s2;
	s13 =	sadd.s32 s6, s5;
	s31 =	sshrl.u32 s12, $0x3  }
0x10: {  	s5 =	sadd.s32 $0x34600, s9;
	s6 =	sor.u32 $0x1C02, s30;
	s12 =	sadd.s32 $0x280, s31  }
0x11: {  	s7 =	sadd.s32 s11, s31;
	s8 =	sadd.s32 s10, s31;
	s9 =	sadd.s32 s11, s12  }
0x12: {  	s10 =	sadd.s32 s10, s12;
	s11 =	sadd.s32 $0x5C600, s13;
	s12 =	smax.u32 s14, $0x1  }
0x13: {  	s13 =	sshrl.u32 s15, $0x3;
	s14 =	simm.s32 $0x2;
	s15 =	simm.s32 $0x1400  }
.LBB2_1:
0x14: {  	[spmem:s13], [sflag:s6] =	dma.local [hbm:s5], $0x2800  }
0x15: {  	_ =	swait.ge [sflag:s14], $0x2800  }
0x16: {  	[sflag:s14] =	ssyncset.done $0x0  }
0x17: {  	[sflag:s14] =	ssyncadd.s32 $0xFFFFD800  }
0x18: {  	[tilespmem:s3], [sflag:$0x2] =	stream.linear.gather [hbm4b:s7+s3], $0x1400, $0x38;
	[tilespmem:$0x1E800] =	vst v63  }
0x19: {  	_ =	swait.ge [sflag:s14], $0x1400  }
0x1a: {  	[sflag:s14] =	ssyncset.done $0x0  }
0x1b: {  	[sflag:s14] =	ssyncadd.s32 $0xFFFFEC00  }
0x1c: {  	[tilespmem:s15], [sflag:$0x2] =	stream.linear.gather [hbm4b:s8+s3], $0x1400, $0x38;
	[tilespmem:$0x1E800] =	vst v63  }
0x1d: {  	_ =	swait.ge [sflag:s14], $0x1400  }
0x1e: {  	[sflag:s14] =	ssyncset.done $0x0  }
0x1f: {  	[sflag:s14] =	ssyncadd.s32 $0xFFFFEC00  }
0x20: {  	[bflag:$0x0] =	sbarrier.arrive $0xFFFF  }
0x21: {  	[tilespmem:s17], [sflag:$0x1] =	stream.indirect.gather [hbm4b:s4+s16], $0x80, s3, s16, $0xb8;
	[tilespmem:$0x1E800] =	vst v63  }
0x22: {  	s24 =	simm.s32 $0x80  }
0x23: {  	[tilespmem:s18], [sflag:$0x1] =	stream.indirect.gather [hbm4b:s4+s16], $0x80, s24, s16, $0xb8;
	[tilespmem:$0x1E800] =	vst v63  }
0x24: {  	_ =	swait.ge [sflag:s19], $0x4000  }
0x25: {  	[sflag:s19] =	ssyncset.done $0x0  }
0x26: {  	s29 =	simm.s32 $0x1400;
	[sflag:s19] =	ssyncadd.s32 $0xFFFFC000  }
0x27: {  	[spmem:s2] =	stream.indirect.scatter.add.f32 [tilespmem:s17], [sflag:$0x2], $0x80, s29, s16, $0xb8;
	[tilespmem:$0x1E800] =	vst v63  }
0x28: {  	_ =	swait.ge [sflag:s14], $0x4000  }
0x29: {  	[sflag:s14] =	ssyncset.done $0x0  }
0x2a: {  	s30 =	simm.s32 $0x100;
	[sflag:s14] =	ssyncadd.s32 $0xFFFFC000  }
0x2b: {  	[tilespmem:s17], [sflag:$0x1] =	stream.indirect.gather [hbm4b:s4+s16], $0x80, s30, s16, $0xb8;
	[tilespmem:$0x1E800] =	vst v63  }
0x2c: {  	_ =	swait.ge [sflag:s19], $0x4000  }
0x2d: {  	[sflag:s19] =	ssyncset.done $0x0  }
0x2e: {  	s31 =	simm.s32 $0x1480;
	[sflag:s19] =	ssyncadd.s32 $0xFFFFC000  }
0x2f: {  	[spmem:s2] =	stream.indirect.scatter.add.f32 [tilespmem:s18], [sflag:$0x2], $0x80, s31, s16, $0xb8;
	[tilespmem:$0x1E800] =	vst v63  }
0x30: {  	_ =	swait.ge [sflag:s14], $0x4000  }
0x31: {  	s25 =	simm.s32 $0x800;
	s24 =	simm.s32 $0x100;
	[sflag:s14] =	ssyncset.done $0x0  }
.LBB2_2:
0x32: {  	s26 =	sadd.s32 $0x80, s24  }
0x33: {  	[sflag:s14] =	ssyncadd.s32 $0xFFFFC000;
	s28 =	smov.u32 s25;
	s29 =	sadd.s32 $0x400, s25  }
0x34: {  	[tilespmem:s18], [sflag:$0x1] =	stream.indirect.gather [hbm4b:s4+s16], $0x80, s26, s16, $0xb8;
	[tilespmem:$0x1E800] =	vst v63  }
0x35: {  	p0 =	sne.s32 s25, $0x4800;
	_ =	swait.ge [sflag:s19], $0x4000  }
0x36: {  	[sflag:s19] =	ssyncset.done $0x0  }
0x37: {  	s25 =	sadd.s32 $0x1400, s24;
	[sflag:s19] =	ssyncadd.s32 $0xFFFFC000  }
0x38: {  	[spmem:s2] =	stream.indirect.scatter.add.f32 [tilespmem:s17], [sflag:$0x2], $0x80, s25, s16, $0xb8;
	[tilespmem:$0x1E800] =	vst v63  }
0x39: {  	_ =	swait.ge [sflag:s14], $0x4000  }
0x3a: {  	[sflag:s14] =	ssyncset.done $0x0  }
0x3b: {  	s25 =	sadd.s32 $0x100, s24;
	[sflag:s14] =	ssyncadd.s32 $0xFFFFC000  }
0x3c: {  	[tilespmem:s17], [sflag:$0x1] =	stream.indirect.gather [hbm4b:s4+s16], $0x80, s25, s16, $0xb8;
	[tilespmem:$0x1E800] =	vst v63  }
0x3d: {  	_ =	swait.ge [sflag:s19], $0x4000  }
.Ltmp0:
0x3e: {  	[sflag:s19] =	ssyncset.done $0x0;
	(pc) =	sbr.rel @p0 .LBB2_2-.Ltmp0, $4  }
0x3f: {  	s24 =	sadd.s32 $0x1480, s24;
	[sflag:s19] =	ssyncadd.s32 $0xFFFFC000  }
0x40: {  	[spmem:s2] =	stream.indirect.scatter.add.f32 [tilespmem:s18], [sflag:$0x2], $0x80, s24, s16, $0xb8;
	[tilespmem:$0x1E800] =	vst v63  }
0x41: {  	_ =	swait.ge [sflag:s14], $0x4000  }
0x42: {  	s25 =	smov.u32 s29;
	s24 =	sshra.s32 s28, $0x2;
	[sflag:s14] =	ssyncset.done $0x0  }
0x43: {  	s25 =	sadd.s32 $0x80, s24;
	[sflag:s14] =	ssyncadd.s32 $0xFFFFC000  }
0x44: {  	[tilespmem:s18], [sflag:$0x1] =	stream.indirect.gather [hbm4b:s4+s16], $0x80, s25, s16, $0xb8;
	[tilespmem:$0x1E800] =	vst v63  }
0x45: {  	_ =	swait.ge [sflag:s19], $0x4000  }
0x46: {  	[sflag:s19] =	ssyncset.done $0x0  }
0x47: {  	s30 =	sadd.s32 $0x1400, s24;
	[sflag:s19] =	ssyncadd.s32 $0xFFFFC000  }
0x48: {  	[spmem:s2] =	stream.indirect.scatter.add.f32 [tilespmem:s17], [sflag:$0x2], $0x80, s30, s16, $0xb8;
	[tilespmem:$0x1E800] =	vst v63  }
0x49: {  	_ =	swait.ge [sflag:s14], $0x4000  }
0x4a: {  	[sflag:s14] =	ssyncset.done $0x0  }
0x4b: {  	s31 =	sadd.s32 $0x100, s24;
	[sflag:s14] =	ssyncadd.s32 $0xFFFFC000  }
0x4c: {  	[tilespmem:s17], [sflag:$0x1] =	stream.indirect.gather [hbm4b:s4+s16], $0x80, s31, s16, $0xb8;
	[tilespmem:$0x1E800] =	vst v63  }
0x4d: {  	_ =	swait.ge [sflag:s19], $0x4000  }
0x4e: {  	[sflag:s19] =	ssyncset.done $0x0  }
0x4f: {  	s25 =	sadd.s32 $0x1480, s24;
	[sflag:s19] =	ssyncadd.s32 $0xFFFFC000  }
0x50: {  	[spmem:s2] =	stream.indirect.scatter.add.f32 [tilespmem:s18], [sflag:$0x2], $0x80, s25, s16, $0xb8;
	[tilespmem:$0x1E800] =	vst v63  }
0x51: {  	_ =	swait.ge [sflag:s14], $0x4000  }
0x52: {  	[sflag:s14] =	ssyncset.done $0x0  }
0x53: {  	[sflag:s14] =	ssyncadd.s32 $0xFFFFC000  }
0x54: {  	[tilespmem:s18], [sflag:$0x1] =	stream.indirect.gather [hbm4b:s4+s16], $0x80, s20, s16, $0xb8;
	[tilespmem:$0x1E800] =	vst v63  }
0x55: {  	_ =	swait.ge [sflag:s19], $0x4000  }
0x56: {  	[sflag:s19] =	ssyncset.done $0x0  }
0x57: {  	[sflag:s19] =	ssyncadd.s32 $0xFFFFC000  }
0x58: {  	[spmem:s2] =	stream.indirect.scatter.add.f32 [tilespmem:s17], [sflag:$0x2], $0x80, s21, s16, $0xb8;
	[tilespmem:$0x1E800] =	vst v63  }
0x59: {  	_ =	swait.ge [sflag:s14], $0x4000  }
0x5a: {  	[sflag:s14] =	ssyncset.done $0x0  }
0x5b: {  	[sflag:s14] =	ssyncadd.s32 $0xFFFFC000  }
0x5c: {  	_ =	swait.ge [sflag:s19], $0x4000  }
0x5d: {  	[sflag:s19] =	ssyncset.done $0x0  }
0x5e: {  	[sflag:s19] =	ssyncadd.s32 $0xFFFFC000  }
0x5f: {  	[spmem:s2] =	stream.indirect.scatter.add.f32 [tilespmem:s18], [sflag:$0x2], $0x80, s22, s16, $0xb8;
	[tilespmem:$0x1E800] =	vst v63  }
0x60: {  	_ =	swait.ge [sflag:s14], $0x4000  }
0x61: {  	[sflag:s14] =	ssyncset.done $0x0  }
0x62: {  	s26 =	simm.s32 $0x0;
	[sflag:s14] =	ssyncadd.s32 $0xFFFFC000  }
0x63: {  	[tilespmem:s26], [sflag:$0x2] =	stream.linear.gather [hbm4b:s9+s26], $0x1400, $0x38;
	[tilespmem:$0x1E800] =	vst v63  }
0x64: {  	_ =	swait.ge [sflag:s14], $0x1400  }
0x65: {  	[sflag:s14] =	ssyncset.done $0x0  }
0x66: {  	[sflag:s14] =	ssyncadd.s32 $0xFFFFEC00  }
0x67: {  	[tilespmem:s15], [sflag:$0x2] =	stream.linear.gather [hbm4b:s10+s26], $0x1400, $0x38;
	[tilespmem:$0x1E800] =	vst v63  }
0x68: {  	_ =	swait.ge [sflag:s14], $0x1400  }
0x69: {  	[sflag:s14] =	ssyncset.done $0x0  }
0x6a: {  	[sflag:s14] =	ssyncadd.s32 $0xFFFFEC00  }
0x6b: {  	[tilespmem:s17], [sflag:$0x1] =	stream.indirect.gather [hbm4b:s4+s16], $0x80, s26, s16, $0xb8;
	[tilespmem:$0x1E800] =	vst v63  }
0x6c: {  	s28 =	simm.s32 $0x80  }
0x6d: {  	[tilespmem:s18], [sflag:$0x1] =	stream.indirect.gather [hbm4b:s4+s16], $0x80, s28, s16, $0xb8;
	[tilespmem:$0x1E800] =	vst v63  }
0x6e: {  	_ =	swait.ge [sflag:s19], $0x4000  }
0x6f: {  	[sflag:s19] =	ssyncset.done $0x0  }
0x70: {  	s29 =	simm.s32 $0x1400;
	[sflag:s19] =	ssyncadd.s32 $0xFFFFC000  }
0x71: {  	[spmem:s2] =	stream.indirect.scatter.add.f32 [tilespmem:s17], [sflag:$0x2], $0x80, s29, s16, $0xb8;
	[tilespmem:$0x1E800] =	vst v63  }
0x72: {  	_ =	swait.ge [sflag:s14], $0x4000  }
0x73: {  	[sflag:s14] =	ssyncset.done $0x0  }
0x74: {  	s30 =	simm.s32 $0x100;
	[sflag:s14] =	ssyncadd.s32 $0xFFFFC000  }
0x75: {  	[tilespmem:s17], [sflag:$0x1] =	stream.indirect.gather [hbm4b:s4+s16], $0x80, s30, s16, $0xb8;
	[tilespmem:$0x1E800] =	vst v63  }
0x76: {  	_ =	swait.ge [sflag:s19], $0x4000  }
0x77: {  	[sflag:s19] =	ssyncset.done $0x0  }
0x78: {  	s31 =	simm.s32 $0x1480;
	[sflag:s19] =	ssyncadd.s32 $0xFFFFC000  }
0x79: {  	[spmem:s2] =	stream.indirect.scatter.add.f32 [tilespmem:s18], [sflag:$0x2], $0x80, s31, s16, $0xb8;
	[tilespmem:$0x1E800] =	vst v63  }
0x7a: {  	_ =	swait.ge [sflag:s14], $0x4000  }
0x7b: {  	s24 =	simm.s32 $0x100;
	s25 =	simm.s32 $0x800;
	[sflag:s14] =	ssyncset.done $0x0  }
.LBB2_4:
0x7c: {  	s26 =	sadd.s32 $0x80, s24  }
0x7d: {  	[sflag:s14] =	ssyncadd.s32 $0xFFFFC000;
	s28 =	smov.u32 s25;
	s29 =	sadd.s32 $0x400, s25  }
0x7e: {  	[tilespmem:s18], [sflag:$0x1] =	stream.indirect.gather [hbm4b:s4+s16], $0x80, s26, s16, $0xb8;
	[tilespmem:$0x1E800] =	vst v63  }
0x7f: {  	p0 =	sne.s32 s25, $0x4800;
	_ =	swait.ge [sflag:s19], $0x4000  }
0x80: {  	[sflag:s19] =	ssyncset.done $0x0  }
0x81: {  	s25 =	sadd.s32 $0x1400, s24;
	[sflag:s19] =	ssyncadd.s32 $0xFFFFC000  }
0x82: {  	[spmem:s2] =	stream.indirect.scatter.add.f32 [tilespmem:s17], [sflag:$0x2], $0x80, s25, s16, $0xb8;
	[tilespmem:$0x1E800] =	vst v63  }
0x83: {  	_ =	swait.ge [sflag:s14], $0x4000  }
0x84: {  	[sflag:s14] =	ssyncset.done $0x0  }
0x85: {  	s25 =	sadd.s32 $0x100, s24;
	[sflag:s14] =	ssyncadd.s32 $0xFFFFC000  }
0x86: {  	[tilespmem:s17], [sflag:$0x1] =	stream.indirect.gather [hbm4b:s4+s16], $0x80, s25, s16, $0xb8;
	[tilespmem:$0x1E800] =	vst v63  }
0x87: {  	_ =	swait.ge [sflag:s19], $0x4000  }
.Ltmp1:
0x88: {  	[sflag:s19] =	ssyncset.done $0x0;
	(pc) =	sbr.rel @p0 .LBB2_4-.Ltmp1, $4  }
0x89: {  	s24 =	sadd.s32 $0x1480, s24;
	[sflag:s19] =	ssyncadd.s32 $0xFFFFC000  }
0x8a: {  	[spmem:s2] =	stream.indirect.scatter.add.f32 [tilespmem:s18], [sflag:$0x2], $0x80, s24, s16, $0xb8;
	[tilespmem:$0x1E800] =	vst v63  }
0x8b: {  	_ =	swait.ge [sflag:s14], $0x4000  }
0x8c: {  	s25 =	smov.u32 s29;
	s24 =	sshra.s32 s28, $0x2;
	[sflag:s14] =	ssyncset.done $0x0  }
0x8d: {  	s25 =	sadd.s32 $0x80, s24;
	[sflag:s14] =	ssyncadd.s32 $0xFFFFC000  }
0x8e: {  	[tilespmem:s18], [sflag:$0x1] =	stream.indirect.gather [hbm4b:s4+s16], $0x80, s25, s16, $0xb8;
	[tilespmem:$0x1E800] =	vst v63  }
0x8f: {  	_ =	swait.ge [sflag:s19], $0x4000  }
0x90: {  	[sflag:s19] =	ssyncset.done $0x0  }
0x91: {  	s29 =	sadd.s32 $0x1400, s24;
	[sflag:s19] =	ssyncadd.s32 $0xFFFFC000  }
0x92: {  	[spmem:s2] =	stream.indirect.scatter.add.f32 [tilespmem:s17], [sflag:$0x2], $0x80, s29, s16, $0xb8;
	[tilespmem:$0x1E800] =	vst v63  }
0x93: {  	_ =	swait.ge [sflag:s14], $0x4000  }
0x94: {  	[sflag:s14] =	ssyncset.done $0x0  }
0x95: {  	s30 =	sadd.s32 $0x100, s24;
	[sflag:s14] =	ssyncadd.s32 $0xFFFFC000  }
0x96: {  	[tilespmem:s17], [sflag:$0x1] =	stream.indirect.gather [hbm4b:s4+s16], $0x80, s30, s16, $0xb8;
	[tilespmem:$0x1E800] =	vst v63  }
0x97: {  	_ =	swait.ge [sflag:s19], $0x4000  }
0x98: {  	[sflag:s19] =	ssyncset.done $0x0  }
0x99: {  	s31 =	sadd.s32 $0x1480, s24;
	[sflag:s19] =	ssyncadd.s32 $0xFFFFC000  }
0x9a: {  	[spmem:s2] =	stream.indirect.scatter.add.f32 [tilespmem:s18], [sflag:$0x2], $0x80, s31, s16, $0xb8;
	[tilespmem:$0x1E800] =	vst v63  }
0x9b: {  	_ =	swait.ge [sflag:s14], $0x4000  }
0x9c: {  	[sflag:s14] =	ssyncset.done $0x0  }
0x9d: {  	[sflag:s14] =	ssyncadd.s32 $0xFFFFC000  }
0x9e: {  	[tilespmem:s18], [sflag:$0x1] =	stream.indirect.gather [hbm4b:s4+s16], $0x80, s20, s16, $0xb8;
	[tilespmem:$0x1E800] =	vst v63  }
0x9f: {  	_ =	swait.ge [sflag:s19], $0x4000  }
0xa0: {  	[sflag:s19] =	ssyncset.done $0x0  }
0xa1: {  	[sflag:s19] =	ssyncadd.s32 $0xFFFFC000  }
0xa2: {  	[spmem:s2] =	stream.indirect.scatter.add.f32 [tilespmem:s17], [sflag:$0x2], $0x80, s21, s16, $0xb8;
	[tilespmem:$0x1E800] =	vst v63  }
0xa3: {  	_ =	swait.ge [sflag:s14], $0x4000  }
0xa4: {  	[sflag:s14] =	ssyncset.done $0x0  }
0xa5: {  	[sflag:s14] =	ssyncadd.s32 $0xFFFFC000  }
0xa6: {  	_ =	swait.ge [sflag:s19], $0x4000  }
0xa7: {  	[sflag:s19] =	ssyncset.done $0x0  }
0xa8: {  	[sflag:s19] =	ssyncadd.s32 $0xFFFFC000  }
0xa9: {  	[spmem:s2] =	stream.indirect.scatter.add.f32 [tilespmem:s18], [sflag:$0x2], $0x80, s22, s16, $0xb8;
	[tilespmem:$0x1E800] =	vst v63  }
0xaa: {  	_ =	swait.ge [sflag:s14], $0x4000  }
0xab: {  	s23 =	sadd.s32 $0x1, s23;
	[sflag:s14] =	ssyncset.done $0x0  }
0xac: {  	p0 =	sne.s32 s23, s12;
	[sflag:s14] =	ssyncadd.s32 $0xFFFFC000  }
.Ltmp2:
0xad: {  	[bflag:$0x0] =	sbarrier.arrive $0xFFFF;
	(pc) =	sbr.rel @p0 .LBB2_1-.Ltmp2, $4  }
0xae: {  	[hbm:s11], [sflag:s6] =	dma.local [spmem:s13], $0x2800  }
0xaf: {  	_ =	swait.ge [sflag:s14], $0x2800  }
0xb0: {  	[sflag:s14] =	ssyncset.done $0x0  }
0xb1: {  	[sflag:s14] =	ssyncadd.s32 $0xFFFFD800  }
0xb2: {  	_ =	sfence.sel $0x180000  }
0xb3: {  	[bflag:$0x0] =	sbarrier.arrive $0xFFFF  }
0xb4: {  	p0 =	sne.s32 s1, $0x0;
	_ =	strace $0x9000004A  }
0xb5: {  	s0 =	sadd.s32 @!p0 $0x100000, s0;
	[bflag:$0x2] =	sbarrier.arrive $0xFFFF  }
0xb6: {  	[sflag:s0] =	ssyncadd.tile.s32 @!p0 $0x1;
	_ =	shalt  }
.Lfunc_end2:
_tile_overlayer_lowered:
.L_overlay_start_2:
0xb7: {  	(tag) =	ssettag $0x2  }
0xb8: {  	s0 =	rddreg [dreg:$0x0];
	s2 =	stileid.u32  }
0xb9: {  	s1 =	rddreg [dreg:$0x1];
	p0 =	sne.s32 s2, $0x0  }
0xba: {  	s3 =	rddreg [dreg:$0x2];
	[bflag:$0x3] =	sbarrier.arrive $0xFFFF;
	s2 =	simm.s32 @!p0 $0x1C02  }
0xbb: {  	[timem:s3], [sflag:s2] =	dma.local @!p0 [hbm:s0], s1  }
0xbc: {  	s0 =	simm.s32 @!p0 $0x2  }
0xbd: {  	_ =	swait.ge @!p0 [sflag:s0], s1  }
0xbe: {  	s1 =	ssub.s32 @!p0 $0x0, s1;
	[sflag:s0] =	ssyncset.done @!p0 $0x0  }
0xbf: {  	[sflag:s0] =	ssyncadd.s32 @!p0 s1  }
0xc0: {  	[bflag:$0x3] =	sbarrier.arrive $0xFFFF  }
0xc1: {  	_ =	shalt  }

// kernel: kernel.16.cloned.1.call-start
scs
__scs_entry_jumppad:
0x0: {  	(pc) =	sbr.rel $0x88, $3  }
0x1: {  	(tag) =	ssettag $0x0;
	lr =	simm.s32 $0x1  }
0x2: {  	[smem:$0x3F95] =	sst lr;
	_ =	strace $0xD0000000  }
0x3: {  	_ = 	snop  }
0x4: {  	_ = 	snop  }
0x5: {  	_ = 	snop  }
0x6: {  	_ = 	snop  }
0x7: {  	_ = 	snop  }
__scs_overlays_trampoline_lowered:
0x8: {  	[smem:$0x3FA4] =	sst s0  }
0x9: {  	[smem:$0x3FA5] =	sst s1  }
0xa: {  	[smem:$0x3FA6] =	sst s2  }
0xb: {  	[smem:$0x3FA7] =	sst s3  }
0xc: {  	[smem:$0x3FA8] =	sst s4  }
0xd: {  	[smem:$0x3FA9] =	sst s5  }
0xe: {  	[smem:$0x3FAA] =	sst s6  }
0xf: {  	[smem:$0x3FAB] =	sst s7  }
0x10: {  	[smem:$0x3FAC] =	sst s8  }
0x11: {  	[smem:$0x3FAD] =	sst s9;
	s0 =	simm.s32 @!p0 $0x0  }
0x12: {  	s1 =	sld [smem:$0x3F93];
	s0 =	simm.s32 @p0 $0x1  }
0x13: {  	[smem:$0x3FAE] =	sst s0;
	s0 =	simm.s32 @!p1 $0x0  }
0x14: {  	s2 =	sld [smem:$0x3F92];
	s0 =	simm.s32 @p1 $0x1  }
0x15: {  	[smem:$0x3FAF] =	sst s0;
	s0 =	simm.s32 @!p2 $0x0  }
0x16: {  	s3 =	sld [smem:$0x3FDB];
	s0 =	simm.s32 @p2 $0x1  }
0x17: {  	s4 =	simm.s32 $0x1BF5;
	[smem:$0x3FB1] =	sst s0  }
0x18: {  	s0 =	sld [smem:$0x3F94];
	_ =	swait.ge [sflag:s4], $0x0  }
0x19: {  	s7 =	sld [smem:$0x3F95]  }
0x1a: {  	s8 =	sadd.s32 $0xFFFFE003, lr  }
0x1b: {  	s9 =	sadd.s32 $0xFFFFFEF7, lr;
	s5 =	simm.s32 $0xFFFFFFFF;
	p2 =	slt.u32 s8, $0xFFFFF086  }
0x1c: {  	p1 =	slt.u32 s9, $0xF7A;
	s5 =	simm.s32 @!p2 $0x0  }
0x1d: {  	s5 =	simm.s32 @p1 $0x1;
	p0 =	seq.s32 s7, s2  }
0x1e: {  	s7 =	smul.u32 @!p0 $0xF7A, s2;
	p2 =	seq.s32 @!p0 s5, $0x0  }
0x1f: {  	s9 =	smul.u32 $0xF7A, s1;
	s8 =	simm.s32 @!p0 $0x1BF5;
	p2 =	por !p2, p0  }
0x20: {  	[sflag:s8] =	ssyncset.s32 @!p0 $0xFFFFF086;
	s6 =	sadd.s32 @!p0 s3, s7;
	s7 =	simm.s32 @!p0 $0x108  }
0x21: {  	s3 =	sadd.s32 s3, s9;
	s6 =	sadd.s32 @!p0 $0x88, s6;
	s7 =	simm.s32 @p2 $0x1082  }
0x22: {  	[simem:s7], [sflag:s8] =	dma.local @!p0 [hbm:s6], $0xF7A  }
0x23: {  	s9 =	sor.u32 $0xD0000000, s2;
	s6 =	simm.s32 $0x108;
	_ =	swait.ge @!p0 [sflag:s8], $0x0  }
0x24: {  	s3 =	sadd.s32 $0x88, s3;
	s6 =	simm.s32 @!p1 $0x1082;
	[sflag:s4] =	ssyncset.s32 $0xFFFFF086  }
0x25: {  	[simem:s6], [sflag:s4] =	dma.local [hbm:s3], $0xF7A  }
0x26: {  	[smem:$0x3F95] =	sst s1;
	(tag) =	ssettag s2;
	_ =	strace s9  }
0x27: {  	s1 =	sld [smem:$0x3FA5]  }
0x28: {  	s2 =	sld [smem:$0x3FA6]  }
0x29: {  	s4 =	sld [smem:$0x3FA8]  }
0x2a: {  	p0 =	seq.s32 s5, $0x0;
	s5 =	sld [smem:$0x3FA9]  }
0x2b: {  	s6 =	sld [smem:$0x3FAA]  }
0x2c: {  	s7 =	sld [smem:$0x3FAB]  }
0x2d: {  	s3 =	simm.s32 $0x108;
	s8 =	sld [smem:$0x3FAC]  }
0x2e: {  	s3 =	simm.s32 @!p0 $0x1082;
	s9 =	sld [smem:$0x3FAD]  }
0x2f: {  	lr =	sadd.s32 s0, s3;
	s0 =	sld [smem:$0x3FA4]  }
0x30: {  	s3 =	sld [smem:$0x3FA7]  }
0x31: {  	[smem:$0x3FB0] =	sst s10  }
0x32: {  	s10 =	sld [smem:$0x3FAE];
	_ =	sdelay $0x3  }
0x33: {  	p0 =	seq.s32 s10, $0x1;
	s10 =	sld [smem:$0x3FB0];
	_ =	sdelay $0x3  }
0x34: {  	[smem:$0x3FB0] =	sst s10  }
0x35: {  	s10 =	sld [smem:$0x3FAF];
	_ =	sdelay $0x3  }
0x36: {  	p1 =	seq.s32 s10, $0x1;
	s10 =	sld [smem:$0x3FB0];
	_ =	sdelay $0x3  }
0x37: {  	[smem:$0x3FB0] =	sst s10  }
0x38: {  	s10 =	sld [smem:$0x3FB1]  }
0x39: {  	_ = 	snop;
	(pc) =	sbr.ind lr, $3  }
0x3a: {  	_ = 	snop  }
0x3b: {  	_ = 	snop  }
0x3c: {  	p2 =	seq.s32 s10, $0x1;
	s10 =	sld [smem:$0x3FB0]  }
0x3d: {  	_ =	shalt  }
0x3e: {  	_ =	shalt  }
0x3f: {  	_ =	shalt  }
0x40: {  	_ =	shalt  }
0x41: {  	_ =	shalt  }
0x42: {  	_ =	shalt  }
0x43: {  	_ =	shalt  }
0x44: {  	_ =	shalt  }
0x45: {  	_ =	shalt  }
0x46: {  	_ =	shalt  }
0x47: {  	_ =	shalt  }
0x48: {  	_ =	shalt  }
0x49: {  	_ =	shalt  }
0x4a: {  	_ =	shalt  }
0x4b: {  	_ =	shalt  }
0x4c: {  	_ =	shalt  }
0x4d: {  	_ =	shalt  }
0x4e: {  	_ =	shalt  }
0x4f: {  	_ =	shalt  }
0x50: {  	_ =	shalt  }
0x51: {  	_ =	shalt  }
0x52: {  	_ =	shalt  }
0x53: {  	_ =	shalt  }
0x54: {  	_ =	shalt  }
0x55: {  	_ =	shalt  }
0x56: {  	_ =	shalt  }
0x57: {  	_ =	shalt  }
0x58: {  	_ =	shalt  }
0x59: {  	_ =	shalt  }
0x5a: {  	_ =	shalt  }
0x5b: {  	_ =	shalt  }
0x5c: {  	_ =	shalt  }
0x5d: {  	_ =	shalt  }
0x5e: {  	_ =	shalt  }
0x5f: {  	_ =	shalt  }
0x60: {  	_ =	shalt  }
0x61: {  	_ =	shalt  }
0x62: {  	_ =	shalt  }
0x63: {  	_ =	shalt  }
0x64: {  	_ =	shalt  }
0x65: {  	_ =	shalt  }
0x66: {  	_ =	shalt  }
0x67: {  	_ =	shalt  }
0x68: {  	_ =	shalt  }
0x69: {  	_ =	shalt  }
0x6a: {  	_ =	shalt  }
0x6b: {  	_ =	shalt  }
0x6c: {  	_ =	shalt  }
0x6d: {  	_ =	shalt  }
0x6e: {  	_ =	shalt  }
0x6f: {  	_ =	shalt  }
0x70: {  	_ =	shalt  }
0x71: {  	_ =	shalt  }
0x72: {  	_ =	shalt  }
0x73: {  	_ =	shalt  }
0x74: {  	_ =	shalt  }
0x75: {  	_ =	shalt  }
0x76: {  	_ =	shalt  }
0x77: {  	_ =	shalt  }
0x78: {  	_ =	shalt  }
0x79: {  	_ =	shalt  }
0x7a: {  	_ =	shalt  }
0x7b: {  	_ =	shalt  }
0x7c: {  	_ =	shalt  }
0x7d: {  	_ =	shalt  }
0x7e: {  	_ =	shalt  }
0x7f: {  	_ =	shalt  }
0x80: {  	_ =	shalt  }
0x81: {  	_ =	shalt  }
0x82: {  	_ =	shalt  }
0x83: {  	_ =	shalt  }
0x84: {  	_ =	shalt  }
0x85: {  	_ =	shalt  }
0x86: {  	_ =	shalt  }
0x87: {  	_ =	shalt  }
.Lfunc_end0:
.L_simem_size_0:
called_computation.2_lowered:
.L_overlay_start_0:
0x88: {  	s2 =	sld [smem:$0x3FD9]  }
0x89: {  	s3 =	sld [smem:$0x3FFE];
	_ =	sdelay $0x1  }
0x8a: {  	s1 =	srdreg.scid  }
0x8b: {  	s0 =	sand.u32 $0x1, s1  }
0x8c: {  	s17 =	sshll.u32 s0, $0xA;
	s2 =	sadd.s32 s3, s2  }
0x8d: {  	s2 =	sadd.s32 s2, s17  }
0x8e: {  	[smem:$0x3FBC] =	sst s2  }
0x8f: {  	_ = 	snop  }
0x90: {  	s2 =	sld [smem:$0x3FD0];
	(tm) =	ssettm $0x1  }
0x91: {  	s18 =	sld [smem:$0x3FFB];
	_ =	sdelay $0x3  }
0x92: {  	_ =	strace s18  }
0x93: {  	s3 =	sld [smem:$0x3FFC];
	_ =	sdelay $0x3  }
0x94: {  	_ =	strace s3  }
0x95: {  	s3 =	sld [smem:$0x3FFD];
	_ =	sdelay $0x3  }
0x96: {  	_ =	strace s3  }
0x97: {  	_ =	strace $0x8FFFFFFF  }
0x98: {  	s19 =	sld [smem:$0x3FDB];
	_ =	sdelay $0x1  }
0x99: {  	s4 =	simm.s32 $_scs_section_size  }
0x9a: {  	s5 =	simm.s32 $_size__tile_overlayer_lowered;
	s6 =	simm.s32 $_tile_overlayer_lowered  }
0x9b: {  	s22 =	simm.s32 $0x1BFF;
	s21 =	sshll.u32 s6, $0x1;
	s3 =	sadd.s32 s4, s19  }
0x9c: {  	s7 =	simm.s32 $0x0;
	s20 =	sshll.u32 s5, $0x1;
	s5 =	sadd.s32 s21, s3  }
0x9d: {  	[timem:s7], [sflag:s22] =	dma.local [hbm:s5], s20  }
0x9e: {  	_ =	swait.ge [sflag:s22], s20  }
0x9f: {  	s4 =	ssub.s32 $0x0, s20;
	[sflag:s22] =	ssyncset.done $0x0  }
0xa0: {  	[sflag:s22] =	ssyncadd.s32 s4;
	_ =	sdelay $0x1  }
0xa1: {  	s23 =	simm.s32 $0x1B8B  }
0xa2: {  	_ =	swait.ge [sflag:s23], $0x1  }
0xa3: {  	[sflag:s23] =	ssyncset.done $0x0  }
0xa4: {  	s25 =	simm.s32 $0x1B8E;
	s24 =	sld [smem:$0x3FFE];
	[sflag:s23] =	ssyncadd.s32 $0xFFFFFFFF  }
0xa5: {  	s26 =	simm.s32 $execute0_lowered;
	[smem:$0x3FD2] =	sst s25  }
0xa6: {  	s5 =	sshll.u32 s26, $0x1;
	_ =	strace $0x8000004C;
	[dreg:$0x1] =	wrdreg $0xFFFFFFFF  }
0xa7: {  	s28 =	simm.s32 $_size_execute0_lowered;
	s3 =	sadd.s32 s3, s5;
	[dreg:$0x0] =	wrdreg $0x0  }
0xa8: {  	s5 =	sshll.u32 s28, $0x1;
	[dreg:$0x2] =	wrdreg s3  }
0xa9: {  	[dreg:$0x3] =	wrdreg s5  }
0xaa: {  	[dreg:$0x4] =	wrdreg $0xC0  }
0xab: {  	_ =	task [dreg:s7], $0x5FFFF  }
0xac: {  	[dreg:$0x1] =	wrdreg $0xFFFFFFFF  }
0xad: {  	[dreg:$0x0] =	wrdreg $0x60  }
0xae: {  	[dreg:$0x2] =	wrdreg s24  }
0xaf: {  	[dreg:$0x3] =	wrdreg s2  }
0xb0: {  	[dreg:$0x4] =	wrdreg $0xA8000  }
0xb1: {  	[dreg:$0x5] =	wrdreg $0x9  }
0xb2: {  	_ =	task.clear_ibuf [dreg:s7], $0x6FFFF;
	_ =	strace $0x9000004C  }
0xb3: {  	s29 =	simm.s32 $0x9;
	_ =	strace $0x8000004E  }
0xb4: {  	_ =	swait.ge [sflag:s29], $0x1  }
0xb5: {  	[sflag:s29] =	ssyncadd.s32 $0xFFFFFFFF  }
0xb6: {  	_ =	strace $0x9000004E  }
0xb7: {  	_ =	sfence  }
0xb8: {  	s30 =	sld [smem:$0x0];
	_ =	sdelay $0x2  }
0xb9: {  	s31 =	sshll.u32 s1, $0xD;
	s1 =	sshrl.u32 s1, $0x2  }
0xba: {  	s3 =	sand.u32 $0x4000, s31;
	s1 =	sadd.s32 s1, s30  }
0xbb: {  	s0 =	sor.u32 s3, s0;
	s1 =	sshll.u32 s1, $0x11  }
0xbc: {  	s0 =	sor.u32 s1, s0  }
0xbd: {  	s0 =	sadd.s32 $0x8F2B, s0  }
0xbe: {  	[sflag:s0] =	ssyncadd.remote.s32 $0x1  }
0xbf: {  	_ =	sfence.sel $0xFFFF  }
0xc0: {  	[dreg:$0x0] =	wrdreg $0xFFFFFFFF;
	(pc) =	sbr.abs _section_cstart, $3  }
0xc1: {  	[dreg:$0x1] =	wrdreg $0xFFFFFFFF  }
0xc2: {  	_ =	task.clear_ibuf [dreg:s7], $0x2FFFF;
	_ =	strace $0x9FFFFFFF  }
0xc3: {  	(tm) =	ssettm $0x7FFFFFFF  }
tec
execute0_lowered:
.L_overlay_start_1:
0x0: {  	(tag) =	ssettag $0x1  }
0x1: {  	s5 =	rddreg [dreg:$0x0]  }
0x2: {  	s10 =	rddreg [dreg:$0x1]  }
0x3: {  	s2 =	rddreg [dreg:$0x2]  }
0x4: {  	s0 =	rddreg [dreg:$0x3];
	s1 =	stileid.u32  }
0x5: {  	s4 =	srdreg.scid;
	s3 =	simm.s32 $0x0;
	s16 =	simm.s32 $0x80  }
0x6: {  	s17 =	simm.s32 $0x2800;
	s18 =	simm.s32 $0x6800;
	s19 =	simm.s32 $0x1  }
0x7: {  	s20 =	simm.s32 $0x1380;
	s21 =	simm.s32 $0x2700;
	s22 =	simm.s32 $0x2780  }
0x8: {  	s23 =	simm.s32 $0x0;
	s6 =	smul.u32 $0x14000, s1;
	s7 =	sand.u32 $0x1, s4  }
0x9: {  	[smem:$0x7FF] =	sst s3;
	s4 =	sadd.s32 $0xD400, s5;
	s26 =	smul.u32 $0x50000, s1  }
0xa: {  	s11 =	sadd.s32 $0x3400, s5;
	s30 =	sshll.u32 s1, $0x6;
	s8 =	smul.u32 $0x140000, s7  }
0xb: {  	_ =	strace $0x8000004D;
	s12 =	sshll.u32 s7, $0x4;
	s28 =	ssub.s32 $0x2, s7  }
0xc: {  	s9 =	sshrl.u32 s6, $0x3;
	s29 =	sor.u32 s1, s12;
	s7 =	sshrl.u32 s28, $0x1  }
0xd: {  	s9 =	sadd.s32 s9, s5;
	s6 =	sadd.s32 s6, s8;
	s12 =	smul.u32 $0x2800, s29  }
0xe: {  	s8 =	sshrl.u32 s26, $0x2;
	s14 =	ssub.s32 s28, s7;
	s6 =	sshrl.u32 s6, $0x3  }
0xf: {  	s15 =	sadd.s32 s8, s2;
	s13 =	sadd.s32 s6, s5;
	s31 =	sshrl.u32 s12, $0x3  }
0x10: {  	s5 =	sadd.s32 $0x34600, s9;
	s6 =	sor.u32 $0x1C02, s30;
	s12 =	sadd.s32 $0x280, s31  }
0x11: {  	s7 =	sadd.s32 s11, s31;
	s8 =	sadd.s32 s10, s31;
	s9 =	sadd.s32 s11, s12  }
0x12: {  	s10 =	sadd.s32 s10, s12;
	s11 =	sadd.s32 $0x5C600, s13;
	s12 =	smax.u32 s14, $0x1  }
0x13: {  	s13 =	sshrl.u32 s15, $0x3;
	s14 =	simm.s32 $0x2;
	s15 =	simm.s32 $0x1400  }
.LBB2_1:
0x14: {  	[spmem:s13], [sflag:s6] =	dma.local [hbm:s5], $0x2800  }
0x15: {  	_ =	swait.ge [sflag:s14], $0x2800  }
0x16: {  	[sflag:s14] =	ssyncset.done $0x0  }
0x17: {  	[sflag:s14] =	ssyncadd.s32 $0xFFFFD800  }
0x18: {  	[tilespmem:s3], [sflag:$0x2] =	stream.linear.gather [hbm4b:s7+s3], $0x1400, $0x38;
	[tilespmem:$0x1E800] =	vst v63  }
0x19: {  	_ =	swait.ge [sflag:s14], $0x1400  }
0x1a: {  	[sflag:s14] =	ssyncset.done $0x0  }
0x1b: {  	[sflag:s14] =	ssyncadd.s32 $0xFFFFEC00  }
0x1c: {  	[tilespmem:s15], [sflag:$0x2] =	stream.linear.gather [hbm4b:s8+s3], $0x1400, $0x38;
	[tilespmem:$0x1E800] =	vst v63  }
0x1d: {  	_ =	swait.ge [sflag:s14], $0x1400  }
0x1e: {  	[sflag:s14] =	ssyncset.done $0x0  }
0x1f: {  	[sflag:s14] =	ssyncadd.s32 $0xFFFFEC00  }
0x20: {  	[bflag:$0x0] =	sbarrier.arrive $0xFFFF  }
0x21: {  	[tilespmem:s17], [sflag:$0x1] =	stream.indirect.gather [hbm4b:s4+s16], $0x80, s3, s16, $0xb8;
	[tilespmem:$0x1E800] =	vst v63  }
0x22: {  	s24 =	simm.s32 $0x80  }
0x23: {  	[tilespmem:s18], [sflag:$0x1] =	stream.indirect.gather [hbm4b:s4+s16], $0x80, s24, s16, $0xb8;
	[tilespmem:$0x1E800] =	vst v63  }
0x24: {  	_ =	swait.ge [sflag:s19], $0x4000  }
0x25: {  	[sflag:s19] =	ssyncset.done $0x0  }
0x26: {  	s29 =	simm.s32 $0x1400;
	[sflag:s19] =	ssyncadd.s32 $0xFFFFC000  }
0x27: {  	[spmem:s2] =	stream.indirect.scatter.add.f32 [tilespmem:s17], [sflag:$0x2], $0x80, s29, s16, $0xb8;
	[tilespmem:$0x1E800] =	vst v63  }
0x28: {  	_ =	swait.ge [sflag:s14], $0x4000  }
0x29: {  	[sflag:s14] =	ssyncset.done $0x0  }
0x2a: {  	s30 =	simm.s32 $0x100;
	[sflag:s14] =	ssyncadd.s32 $0xFFFFC000  }
0x2b: {  	[tilespmem:s17], [sflag:$0x1] =	stream.indirect.gather [hbm4b:s4+s16], $0x80, s30, s16, $0xb8;
	[tilespmem:$0x1E800] =	vst v63  }
0x2c: {  	_ =	swait.ge [sflag:s19], $0x4000  }
0x2d: {  	[sflag:s19] =	ssyncset.done $0x0  }
0x2e: {  	s31 =	simm.s32 $0x1480;
	[sflag:s19] =	ssyncadd.s32 $0xFFFFC000  }
0x2f: {  	[spmem:s2] =	stream.indirect.scatter.add.f32 [tilespmem:s18], [sflag:$0x2], $0x80, s31, s16, $0xb8;
	[tilespmem:$0x1E800] =	vst v63  }
0x30: {  	_ =	swait.ge [sflag:s14], $0x4000  }
0x31: {  	s25 =	simm.s32 $0x800;
	s24 =	simm.s32 $0x100;
	[sflag:s14] =	ssyncset.done $0x0  }
.LBB2_2:
0x32: {  	s26 =	sadd.s32 $0x80, s24  }
0x33: {  	[sflag:s14] =	ssyncadd.s32 $0xFFFFC000;
	s28 =	smov.u32 s25;
	s29 =	sadd.s32 $0x400, s25  }
0x34: {  	[tilespmem:s18], [sflag:$0x1] =	stream.indirect.gather [hbm4b:s4+s16], $0x80, s26, s16, $0xb8;
	[tilespmem:$0x1E800] =	vst v63  }
0x35: {  	p0 =	sne.s32 s25, $0x4800;
	_ =	swait.ge [sflag:s19], $0x4000  }
0x36: {  	[sflag:s19] =	ssyncset.done $0x0  }
0x37: {  	s25 =	sadd.s32 $0x1400, s24;
	[sflag:s19] =	ssyncadd.s32 $0xFFFFC000  }
0x38: {  	[spmem:s2] =	stream.indirect.scatter.add.f32 [tilespmem:s17], [sflag:$0x2], $0x80, s25, s16, $0xb8;
	[tilespmem:$0x1E800] =	vst v63  }
0x39: {  	_ =	swait.ge [sflag:s14], $0x4000  }
0x3a: {  	[sflag:s14] =	ssyncset.done $0x0  }
0x3b: {  	s25 =	sadd.s32 $0x100, s24;
	[sflag:s14] =	ssyncadd.s32 $0xFFFFC000  }
0x3c: {  	[tilespmem:s17], [sflag:$0x1] =	stream.indirect.gather [hbm4b:s4+s16], $0x80, s25, s16, $0xb8;
	[tilespmem:$0x1E800] =	vst v63  }
0x3d: {  	_ =	swait.ge [sflag:s19], $0x4000  }
.Ltmp0:
0x3e: {  	[sflag:s19] =	ssyncset.done $0x0;
	(pc) =	sbr.rel @p0 .LBB2_2-.Ltmp0, $4  }
0x3f: {  	s24 =	sadd.s32 $0x1480, s24;
	[sflag:s19] =	ssyncadd.s32 $0xFFFFC000  }
0x40: {  	[spmem:s2] =	stream.indirect.scatter.add.f32 [tilespmem:s18], [sflag:$0x2], $0x80, s24, s16, $0xb8;
	[tilespmem:$0x1E800] =	vst v63  }
0x41: {  	_ =	swait.ge [sflag:s14], $0x4000  }
0x42: {  	s25 =	smov.u32 s29;
	s24 =	sshra.s32 s28, $0x2;
	[sflag:s14] =	ssyncset.done $0x0  }
0x43: {  	s25 =	sadd.s32 $0x80, s24;
	[sflag:s14] =	ssyncadd.s32 $0xFFFFC000  }
0x44: {  	[tilespmem:s18], [sflag:$0x1] =	stream.indirect.gather [hbm4b:s4+s16], $0x80, s25, s16, $0xb8;
	[tilespmem:$0x1E800] =	vst v63  }
0x45: {  	_ =	swait.ge [sflag:s19], $0x4000  }
0x46: {  	[sflag:s19] =	ssyncset.done $0x0  }
0x47: {  	s30 =	sadd.s32 $0x1400, s24;
	[sflag:s19] =	ssyncadd.s32 $0xFFFFC000  }
0x48: {  	[spmem:s2] =	stream.indirect.scatter.add.f32 [tilespmem:s17], [sflag:$0x2], $0x80, s30, s16, $0xb8;
	[tilespmem:$0x1E800] =	vst v63  }
0x49: {  	_ =	swait.ge [sflag:s14], $0x4000  }
0x4a: {  	[sflag:s14] =	ssyncset.done $0x0  }
0x4b: {  	s31 =	sadd.s32 $0x100, s24;
	[sflag:s14] =	ssyncadd.s32 $0xFFFFC000  }
0x4c: {  	[tilespmem:s17], [sflag:$0x1] =	stream.indirect.gather [hbm4b:s4+s16], $0x80, s31, s16, $0xb8;
	[tilespmem:$0x1E800] =	vst v63  }
0x4d: {  	_ =	swait.ge [sflag:s19], $0x4000  }
0x4e: {  	[sflag:s19] =	ssyncset.done $0x0  }
0x4f: {  	s25 =	sadd.s32 $0x1480, s24;
	[sflag:s19] =	ssyncadd.s32 $0xFFFFC000  }
0x50: {  	[spmem:s2] =	stream.indirect.scatter.add.f32 [tilespmem:s18], [sflag:$0x2], $0x80, s25, s16, $0xb8;
	[tilespmem:$0x1E800] =	vst v63  }
0x51: {  	_ =	swait.ge [sflag:s14], $0x4000  }
0x52: {  	[sflag:s14] =	ssyncset.done $0x0  }
0x53: {  	[sflag:s14] =	ssyncadd.s32 $0xFFFFC000  }
0x54: {  	[tilespmem:s18], [sflag:$0x1] =	stream.indirect.gather [hbm4b:s4+s16], $0x80, s20, s16, $0xb8;
	[tilespmem:$0x1E800] =	vst v63  }
0x55: {  	_ =	swait.ge [sflag:s19], $0x4000  }
0x56: {  	[sflag:s19] =	ssyncset.done $0x0  }
0x57: {  	[sflag:s19] =	ssyncadd.s32 $0xFFFFC000  }
0x58: {  	[spmem:s2] =	stream.indirect.scatter.add.f32 [tilespmem:s17], [sflag:$0x2], $0x80, s21, s16, $0xb8;
	[tilespmem:$0x1E800] =	vst v63  }
0x59: {  	_ =	swait.ge [sflag:s14], $0x4000  }
0x5a: {  	[sflag:s14] =	ssyncset.done $0x0  }
0x5b: {  	[sflag:s14] =	ssyncadd.s32 $0xFFFFC000  }
0x5c: {  	_ =	swait.ge [sflag:s19], $0x4000  }
0x5d: {  	[sflag:s19] =	ssyncset.done $0x0  }
0x5e: {  	[sflag:s19] =	ssyncadd.s32 $0xFFFFC000  }
0x5f: {  	[spmem:s2] =	stream.indirect.scatter.add.f32 [tilespmem:s18], [sflag:$0x2], $0x80, s22, s16, $0xb8;
	[tilespmem:$0x1E800] =	vst v63  }
0x60: {  	_ =	swait.ge [sflag:s14], $0x4000  }
0x61: {  	[sflag:s14] =	ssyncset.done $0x0  }
0x62: {  	s26 =	simm.s32 $0x0;
	[sflag:s14] =	ssyncadd.s32 $0xFFFFC000  }
0x63: {  	[tilespmem:s26], [sflag:$0x2] =	stream.linear.gather [hbm4b:s9+s26], $0x1400, $0x38;
	[tilespmem:$0x1E800] =	vst v63  }
0x64: {  	_ =	swait.ge [sflag:s14], $0x1400  }
0x65: {  	[sflag:s14] =	ssyncset.done $0x0  }
0x66: {  	[sflag:s14] =	ssyncadd.s32 $0xFFFFEC00  }
0x67: {  	[tilespmem:s15], [sflag:$0x2] =	stream.linear.gather [hbm4b:s10+s26], $0x1400, $0x38;
	[tilespmem:$0x1E800] =	vst v63  }
0x68: {  	_ =	swait.ge [sflag:s14], $0x1400  }
0x69: {  	[sflag:s14] =	ssyncset.done $0x0  }
0x6a: {  	[sflag:s14] =	ssyncadd.s32 $0xFFFFEC00  }
0x6b: {  	[tilespmem:s17], [sflag:$0x1] =	stream.indirect.gather [hbm4b:s4+s16], $0x80, s26, s16, $0xb8;
	[tilespmem:$0x1E800] =	vst v63  }
0x6c: {  	s28 =	simm.s32 $0x80  }
0x6d: {  	[tilespmem:s18], [sflag:$0x1] =	stream.indirect.gather [hbm4b:s4+s16], $0x80, s28, s16, $0xb8;
	[tilespmem:$0x1E800] =	vst v63  }
0x6e: {  	_ =	swait.ge [sflag:s19], $0x4000  }
0x6f: {  	[sflag:s19] =	ssyncset.done $0x0  }
0x70: {  	s29 =	simm.s32 $0x1400;
	[sflag:s19] =	ssyncadd.s32 $0xFFFFC000  }
0x71: {  	[spmem:s2] =	stream.indirect.scatter.add.f32 [tilespmem:s17], [sflag:$0x2], $0x80, s29, s16, $0xb8;
	[tilespmem:$0x1E800] =	vst v63  }
0x72: {  	_ =	swait.ge [sflag:s14], $0x4000  }
0x73: {  	[sflag:s14] =	ssyncset.done $0x0  }
0x74: {  	s30 =	simm.s32 $0x100;
	[sflag:s14] =	ssyncadd.s32 $0xFFFFC000  }
0x75: {  	[tilespmem:s17], [sflag:$0x1] =	stream.indirect.gather [hbm4b:s4+s16], $0x80, s30, s16, $0xb8;
	[tilespmem:$0x1E800] =	vst v63  }
0x76: {  	_ =	swait.ge [sflag:s19], $0x4000  }
0x77: {  	[sflag:s19] =	ssyncset.done $0x0  }
0x78: {  	s31 =	simm.s32 $0x1480;
	[sflag:s19] =	ssyncadd.s32 $0xFFFFC000  }
0x79: {  	[spmem:s2] =	stream.indirect.scatter.add.f32 [tilespmem:s18], [sflag:$0x2], $0x80, s31, s16, $0xb8;
	[tilespmem:$0x1E800] =	vst v63  }
0x7a: {  	_ =	swait.ge [sflag:s14], $0x4000  }
0x7b: {  	s24 =	simm.s32 $0x100;
	s25 =	simm.s32 $0x800;
	[sflag:s14] =	ssyncset.done $0x0  }
.LBB2_4:
0x7c: {  	s26 =	sadd.s32 $0x80, s24  }
0x7d: {  	[sflag:s14] =	ssyncadd.s32 $0xFFFFC000;
	s28 =	smov.u32 s25;
	s29 =	sadd.s32 $0x400, s25  }
0x7e: {  	[tilespmem:s18], [sflag:$0x1] =	stream.indirect.gather [hbm4b:s4+s16], $0x80, s26, s16, $0xb8;
	[tilespmem:$0x1E800] =	vst v63  }
0x7f: {  	p0 =	sne.s32 s25, $0x4800;
	_ =	swait.ge [sflag:s19], $0x4000  }
0x80: {  	[sflag:s19] =	ssyncset.done $0x0  }
0x81: {  	s25 =	sadd.s32 $0x1400, s24;
	[sflag:s19] =	ssyncadd.s32 $0xFFFFC000  }
0x82: {  	[spmem:s2] =	stream.indirect.scatter.add.f32 [tilespmem:s17], [sflag:$0x2], $0x80, s25, s16, $0xb8;
	[tilespmem:$0x1E800] =	vst v63  }
0x83: {  	_ =	swait.ge [sflag:s14], $0x4000  }
0x84: {  	[sflag:s14] =	ssyncset.done $0x0  }
0x85: {  	s25 =	sadd.s32 $0x100, s24;
	[sflag:s14] =	ssyncadd.s32 $0xFFFFC000  }
0x86: {  	[tilespmem:s17], [sflag:$0x1] =	stream.indirect.gather [hbm4b:s4+s16], $0x80, s25, s16, $0xb8;
	[tilespmem:$0x1E800] =	vst v63  }
0x87: {  	_ =	swait.ge [sflag:s19], $0x4000  }
.Ltmp1:
0x88: {  	[sflag:s19] =	ssyncset.done $0x0;
	(pc) =	sbr.rel @p0 .LBB2_4-.Ltmp1, $4  }
0x89: {  	s24 =	sadd.s32 $0x1480, s24;
	[sflag:s19] =	ssyncadd.s32 $0xFFFFC000  }
0x8a: {  	[spmem:s2] =	stream.indirect.scatter.add.f32 [tilespmem:s18], [sflag:$0x2], $0x80, s24, s16, $0xb8;
	[tilespmem:$0x1E800] =	vst v63  }
0x8b: {  	_ =	swait.ge [sflag:s14], $0x4000  }
0x8c: {  	s25 =	smov.u32 s29;
	s24 =	sshra.s32 s28, $0x2;
	[sflag:s14] =	ssyncset.done $0x0  }
0x8d: {  	s25 =	sadd.s32 $0x80, s24;
	[sflag:s14] =	ssyncadd.s32 $0xFFFFC000  }
0x8e: {  	[tilespmem:s18], [sflag:$0x1] =	stream.indirect.gather [hbm4b:s4+s16], $0x80, s25, s16, $0xb8;
	[tilespmem:$0x1E800] =	vst v63  }
0x8f: {  	_ =	swait.ge [sflag:s19], $0x4000  }
0x90: {  	[sflag:s19] =	ssyncset.done $0x0  }
0x91: {  	s29 =	sadd.s32 $0x1400, s24;
	[sflag:s19] =	ssyncadd.s32 $0xFFFFC000  }
0x92: {  	[spmem:s2] =	stream.indirect.scatter.add.f32 [tilespmem:s17], [sflag:$0x2], $0x80, s29, s16, $0xb8;
	[tilespmem:$0x1E800] =	vst v63  }
0x93: {  	_ =	swait.ge [sflag:s14], $0x4000  }
0x94: {  	[sflag:s14] =	ssyncset.done $0x0  }
0x95: {  	s30 =	sadd.s32 $0x100, s24;
	[sflag:s14] =	ssyncadd.s32 $0xFFFFC000  }
0x96: {  	[tilespmem:s17], [sflag:$0x1] =	stream.indirect.gather [hbm4b:s4+s16], $0x80, s30, s16, $0xb8;
	[tilespmem:$0x1E800] =	vst v63  }
0x97: {  	_ =	swait.ge [sflag:s19], $0x4000  }
0x98: {  	[sflag:s19] =	ssyncset.done $0x0  }
0x99: {  	s31 =	sadd.s32 $0x1480, s24;
	[sflag:s19] =	ssyncadd.s32 $0xFFFFC000  }
0x9a: {  	[spmem:s2] =	stream.indirect.scatter.add.f32 [tilespmem:s18], [sflag:$0x2], $0x80, s31, s16, $0xb8;
	[tilespmem:$0x1E800] =	vst v63  }
0x9b: {  	_ =	swait.ge [sflag:s14], $0x4000  }
0x9c: {  	[sflag:s14] =	ssyncset.done $0x0  }
0x9d: {  	[sflag:s14] =	ssyncadd.s32 $0xFFFFC000  }
0x9e: {  	[tilespmem:s18], [sflag:$0x1] =	stream.indirect.gather [hbm4b:s4+s16], $0x80, s20, s16, $0xb8;
	[tilespmem:$0x1E800] =	vst v63  }
0x9f: {  	_ =	swait.ge [sflag:s19], $0x4000  }
0xa0: {  	[sflag:s19] =	ssyncset.done $0x0  }
0xa1: {  	[sflag:s19] =	ssyncadd.s32 $0xFFFFC000  }
0xa2: {  	[spmem:s2] =	stream.indirect.scatter.add.f32 [tilespmem:s17], [sflag:$0x2], $0x80, s21, s16, $0xb8;
	[tilespmem:$0x1E800] =	vst v63  }
0xa3: {  	_ =	swait.ge [sflag:s14], $0x4000  }
0xa4: {  	[sflag:s14] =	ssyncset.done $0x0  }
0xa5: {  	[sflag:s14] =	ssyncadd.s32 $0xFFFFC000  }
0xa6: {  	_ =	swait.ge [sflag:s19], $0x4000  }
0xa7: {  	[sflag:s19] =	ssyncset.done $0x0  }
0xa8: {  	[sflag:s19] =	ssyncadd.s32 $0xFFFFC000  }
0xa9: {  	[spmem:s2] =	stream.indirect.scatter.add.f32 [tilespmem:s18], [sflag:$0x2], $0x80, s22, s16, $0xb8;
	[tilespmem:$0x1E800] =	vst v63  }
0xaa: {  	_ =	swait.ge [sflag:s14], $0x4000  }
0xab: {  	s23 =	sadd.s32 $0x1, s23;
	[sflag:s14] =	ssyncset.done $0x0  }
0xac: {  	p0 =	sne.s32 s23, s12;
	[sflag:s14] =	ssyncadd.s32 $0xFFFFC000  }
.Ltmp2:
0xad: {  	[bflag:$0x0] =	sbarrier.arrive $0xFFFF;
	(pc) =	sbr.rel @p0 .LBB2_1-.Ltmp2, $4  }
0xae: {  	[hbm:s11], [sflag:s6] =	dma.local [spmem:s13], $0x2800  }
0xaf: {  	_ =	swait.ge [sflag:s14], $0x2800  }
0xb0: {  	[sflag:s14] =	ssyncset.done $0x0  }
0xb1: {  	[sflag:s14] =	ssyncadd.s32 $0xFFFFD800  }
0xb2: {  	_ =	sfence.sel $0x180000  }
0xb3: {  	[bflag:$0x0] =	sbarrier.arrive $0xFFFF  }
0xb4: {  	p0 =	sne.s32 s1, $0x0;
	_ =	strace $0x9000004D  }
0xb5: {  	s0 =	sadd.s32 @!p0 $0x100000, s0;
	[bflag:$0x2] =	sbarrier.arrive $0xFFFF  }
0xb6: {  	[sflag:s0] =	ssyncadd.tile.s32 @!p0 $0x1;
	_ =	shalt  }
.Lfunc_end2:
_tile_overlayer_lowered:
.L_overlay_start_2:
0xb7: {  	(tag) =	ssettag $0x2  }
0xb8: {  	s0 =	rddreg [dreg:$0x0];
	s2 =	stileid.u32  }
0xb9: {  	s1 =	rddreg [dreg:$0x1];
	p0 =	sne.s32 s2, $0x0  }
0xba: {  	s3 =	rddreg [dreg:$0x2];
	[bflag:$0x3] =	sbarrier.arrive $0xFFFF;
	s2 =	simm.s32 @!p0 $0x1C02  }
0xbb: {  	[timem:s3], [sflag:s2] =	dma.local @!p0 [hbm:s0], s1  }
0xbc: {  	s0 =	simm.s32 @!p0 $0x2  }
0xbd: {  	_ =	swait.ge @!p0 [sflag:s0], s1  }
0xbe: {  	s1 =	ssub.s32 @!p0 $0x0, s1;
	[sflag:s0] =	ssyncset.done @!p0 $0x0  }
0xbf: {  	[sflag:s0] =	ssyncadd.s32 @!p0 s1  }
0xc0: {  	[bflag:$0x3] =	sbarrier.arrive $0xFFFF  }
0xc1: {  	_ =	shalt  }

// kernel: kernel.19.cloned.1.call-start
scs
__scs_entry_jumppad:
0x0: {  	(pc) =	sbr.rel $0x88, $3  }
0x1: {  	(tag) =	ssettag $0x0;
	lr =	simm.s32 $0x1  }
0x2: {  	[smem:$0x3F95] =	sst lr;
	_ =	strace $0xD0000000  }
0x3: {  	_ = 	snop  }
0x4: {  	_ = 	snop  }
0x5: {  	_ = 	snop  }
0x6: {  	_ = 	snop  }
0x7: {  	_ = 	snop  }
__scs_overlays_trampoline_lowered:
0x8: {  	[smem:$0x3FA4] =	sst s0  }
0x9: {  	[smem:$0x3FA5] =	sst s1  }
0xa: {  	[smem:$0x3FA6] =	sst s2  }
0xb: {  	[smem:$0x3FA7] =	sst s3  }
0xc: {  	[smem:$0x3FA8] =	sst s4  }
0xd: {  	[smem:$0x3FA9] =	sst s5  }
0xe: {  	[smem:$0x3FAA] =	sst s6  }
0xf: {  	[smem:$0x3FAB] =	sst s7  }
0x10: {  	[smem:$0x3FAC] =	sst s8  }
0x11: {  	[smem:$0x3FAD] =	sst s9;
	s0 =	simm.s32 @!p0 $0x0  }
0x12: {  	s1 =	sld [smem:$0x3F93];
	s0 =	simm.s32 @p0 $0x1  }
0x13: {  	[smem:$0x3FAE] =	sst s0;
	s0 =	simm.s32 @!p1 $0x0  }
0x14: {  	s2 =	sld [smem:$0x3F92];
	s0 =	simm.s32 @p1 $0x1  }
0x15: {  	[smem:$0x3FAF] =	sst s0;
	s0 =	simm.s32 @!p2 $0x0  }
0x16: {  	s3 =	sld [smem:$0x3FDB];
	s0 =	simm.s32 @p2 $0x1  }
0x17: {  	s4 =	simm.s32 $0x1BF5;
	[smem:$0x3FB1] =	sst s0  }
0x18: {  	s0 =	sld [smem:$0x3F94];
	_ =	swait.ge [sflag:s4], $0x0  }
0x19: {  	s7 =	sld [smem:$0x3F95]  }
0x1a: {  	s8 =	sadd.s32 $0xFFFFE003, lr  }
0x1b: {  	s9 =	sadd.s32 $0xFFFFFEF7, lr;
	s5 =	simm.s32 $0xFFFFFFFF;
	p2 =	slt.u32 s8, $0xFFFFF086  }
0x1c: {  	p1 =	slt.u32 s9, $0xF7A;
	s5 =	simm.s32 @!p2 $0x0  }
0x1d: {  	s5 =	simm.s32 @p1 $0x1;
	p0 =	seq.s32 s7, s2  }
0x1e: {  	s7 =	smul.u32 @!p0 $0xF7A, s2;
	p2 =	seq.s32 @!p0 s5, $0x0  }
0x1f: {  	s9 =	smul.u32 $0xF7A, s1;
	s8 =	simm.s32 @!p0 $0x1BF5;
	p2 =	por !p2, p0  }
0x20: {  	[sflag:s8] =	ssyncset.s32 @!p0 $0xFFFFF086;
	s6 =	sadd.s32 @!p0 s3, s7;
	s7 =	simm.s32 @!p0 $0x108  }
0x21: {  	s3 =	sadd.s32 s3, s9;
	s6 =	sadd.s32 @!p0 $0x88, s6;
	s7 =	simm.s32 @p2 $0x1082  }
0x22: {  	[simem:s7], [sflag:s8] =	dma.local @!p0 [hbm:s6], $0xF7A  }
0x23: {  	s9 =	sor.u32 $0xD0000000, s2;
	s6 =	simm.s32 $0x108;
	_ =	swait.ge @!p0 [sflag:s8], $0x0  }
0x24: {  	s3 =	sadd.s32 $0x88, s3;
	s6 =	simm.s32 @!p1 $0x1082;
	[sflag:s4] =	ssyncset.s32 $0xFFFFF086  }
0x25: {  	[simem:s6], [sflag:s4] =	dma.local [hbm:s3], $0xF7A  }
0x26: {  	[smem:$0x3F95] =	sst s1;
	(tag) =	ssettag s2;
	_ =	strace s9  }
0x27: {  	s1 =	sld [smem:$0x3FA5]  }
0x28: {  	s2 =	sld [smem:$0x3FA6]  }
0x29: {  	s4 =	sld [smem:$0x3FA8]  }
0x2a: {  	p0 =	seq.s32 s5, $0x0;
	s5 =	sld [smem:$0x3FA9]  }
0x2b: {  	s6 =	sld [smem:$0x3FAA]  }
0x2c: {  	s7 =	sld [smem:$0x3FAB]  }
0x2d: {  	s3 =	simm.s32 $0x108;
	s8 =	sld [smem:$0x3FAC]  }
0x2e: {  	s3 =	simm.s32 @!p0 $0x1082;
	s9 =	sld [smem:$0x3FAD]  }
0x2f: {  	lr =	sadd.s32 s0, s3;
	s0 =	sld [smem:$0x3FA4]  }
0x30: {  	s3 =	sld [smem:$0x3FA7]  }
0x31: {  	[smem:$0x3FB0] =	sst s10  }
0x32: {  	s10 =	sld [smem:$0x3FAE];
	_ =	sdelay $0x3  }
0x33: {  	p0 =	seq.s32 s10, $0x1;
	s10 =	sld [smem:$0x3FB0];
	_ =	sdelay $0x3  }
0x34: {  	[smem:$0x3FB0] =	sst s10  }
0x35: {  	s10 =	sld [smem:$0x3FAF];
	_ =	sdelay $0x3  }
0x36: {  	p1 =	seq.s32 s10, $0x1;
	s10 =	sld [smem:$0x3FB0];
	_ =	sdelay $0x3  }
0x37: {  	[smem:$0x3FB0] =	sst s10  }
0x38: {  	s10 =	sld [smem:$0x3FB1]  }
0x39: {  	_ = 	snop;
	(pc) =	sbr.ind lr, $3  }
0x3a: {  	_ = 	snop  }
0x3b: {  	_ = 	snop  }
0x3c: {  	p2 =	seq.s32 s10, $0x1;
	s10 =	sld [smem:$0x3FB0]  }
0x3d: {  	_ =	shalt  }
0x3e: {  	_ =	shalt  }
0x3f: {  	_ =	shalt  }
0x40: {  	_ =	shalt  }
0x41: {  	_ =	shalt  }
0x42: {  	_ =	shalt  }
0x43: {  	_ =	shalt  }
0x44: {  	_ =	shalt  }
0x45: {  	_ =	shalt  }
0x46: {  	_ =	shalt  }
0x47: {  	_ =	shalt  }
0x48: {  	_ =	shalt  }
0x49: {  	_ =	shalt  }
0x4a: {  	_ =	shalt  }
0x4b: {  	_ =	shalt  }
0x4c: {  	_ =	shalt  }
0x4d: {  	_ =	shalt  }
0x4e: {  	_ =	shalt  }
0x4f: {  	_ =	shalt  }
0x50: {  	_ =	shalt  }
0x51: {  	_ =	shalt  }
0x52: {  	_ =	shalt  }
0x53: {  	_ =	shalt  }
0x54: {  	_ =	shalt  }
0x55: {  	_ =	shalt  }
0x56: {  	_ =	shalt  }
0x57: {  	_ =	shalt  }
0x58: {  	_ =	shalt  }
0x59: {  	_ =	shalt  }
0x5a: {  	_ =	shalt  }
0x5b: {  	_ =	shalt  }
0x5c: {  	_ =	shalt  }
0x5d: {  	_ =	shalt  }
0x5e: {  	_ =	shalt  }
0x5f: {  	_ =	shalt  }
0x60: {  	_ =	shalt  }
0x61: {  	_ =	shalt  }
0x62: {  	_ =	shalt  }
0x63: {  	_ =	shalt  }
0x64: {  	_ =	shalt  }
0x65: {  	_ =	shalt  }
0x66: {  	_ =	shalt  }
0x67: {  	_ =	shalt  }
0x68: {  	_ =	shalt  }
0x69: {  	_ =	shalt  }
0x6a: {  	_ =	shalt  }
0x6b: {  	_ =	shalt  }
0x6c: {  	_ =	shalt  }
0x6d: {  	_ =	shalt  }
0x6e: {  	_ =	shalt  }
0x6f: {  	_ =	shalt  }
0x70: {  	_ =	shalt  }
0x71: {  	_ =	shalt  }
0x72: {  	_ =	shalt  }
0x73: {  	_ =	shalt  }
0x74: {  	_ =	shalt  }
0x75: {  	_ =	shalt  }
0x76: {  	_ =	shalt  }
0x77: {  	_ =	shalt  }
0x78: {  	_ =	shalt  }
0x79: {  	_ =	shalt  }
0x7a: {  	_ =	shalt  }
0x7b: {  	_ =	shalt  }
0x7c: {  	_ =	shalt  }
0x7d: {  	_ =	shalt  }
0x7e: {  	_ =	shalt  }
0x7f: {  	_ =	shalt  }
0x80: {  	_ =	shalt  }
0x81: {  	_ =	shalt  }
0x82: {  	_ =	shalt  }
0x83: {  	_ =	shalt  }
0x84: {  	_ =	shalt  }
0x85: {  	_ =	shalt  }
0x86: {  	_ =	shalt  }
0x87: {  	_ =	shalt  }
.Lfunc_end0:
.L_simem_size_0:
called_computation.3_lowered:
.L_overlay_start_0:
0x88: {  	s2 =	sld [smem:$0x3FD9]  }
0x89: {  	s3 =	sld [smem:$0x3FFE];
	_ =	sdelay $0x1  }
0x8a: {  	s1 =	srdreg.scid  }
0x8b: {  	s0 =	sand.u32 $0x1, s1  }
0x8c: {  	s17 =	sshll.u32 s0, $0xA;
	s2 =	sadd.s32 s3, s2  }
0x8d: {  	s2 =	sadd.s32 s2, s17  }
0x8e: {  	[smem:$0x3FBC] =	sst s2  }
0x8f: {  	_ = 	snop  }
0x90: {  	s2 =	sld [smem:$0x3FD0];
	(tm) =	ssettm $0x1  }
0x91: {  	s18 =	sld [smem:$0x3FFB];
	_ =	sdelay $0x3  }
0x92: {  	_ =	strace s18  }
0x93: {  	s3 =	sld [smem:$0x3FFC];
	_ =	sdelay $0x3  }
0x94: {  	_ =	strace s3  }
0x95: {  	s3 =	sld [smem:$0x3FFD];
	_ =	sdelay $0x3  }
0x96: {  	_ =	strace s3  }
0x97: {  	_ =	strace $0x8FFFFFFF  }
0x98: {  	s19 =	sld [smem:$0x3FDB];
	_ =	sdelay $0x1  }
0x99: {  	s4 =	simm.s32 $_scs_section_size  }
0x9a: {  	s5 =	simm.s32 $_size__tile_overlayer_lowered;
	s6 =	simm.s32 $_tile_overlayer_lowered  }
0x9b: {  	s22 =	simm.s32 $0x1BFF;
	s21 =	sshll.u32 s6, $0x1;
	s3 =	sadd.s32 s4, s19  }
0x9c: {  	s7 =	simm.s32 $0x0;
	s20 =	sshll.u32 s5, $0x1;
	s5 =	sadd.s32 s21, s3  }
0x9d: {  	[timem:s7], [sflag:s22] =	dma.local [hbm:s5], s20  }
0x9e: {  	_ =	swait.ge [sflag:s22], s20  }
0x9f: {  	s4 =	ssub.s32 $0x0, s20;
	[sflag:s22] =	ssyncset.done $0x0  }
0xa0: {  	[sflag:s22] =	ssyncadd.s32 s4;
	_ =	sdelay $0x1  }
0xa1: {  	s23 =	simm.s32 $0x1B8B  }
0xa2: {  	_ =	swait.ge [sflag:s23], $0x1  }
0xa3: {  	[sflag:s23] =	ssyncset.done $0x0  }
0xa4: {  	s25 =	simm.s32 $0x1B8E;
	s24 =	sld [smem:$0x3FFE];
	[sflag:s23] =	ssyncadd.s32 $0xFFFFFFFF  }
0xa5: {  	s26 =	simm.s32 $execute0_lowered;
	[smem:$0x3FD2] =	sst s25  }
0xa6: {  	s5 =	sshll.u32 s26, $0x1;
	_ =	strace $0x8000004F;
	[dreg:$0x1] =	wrdreg $0xFFFFFFFF  }
0xa7: {  	s28 =	simm.s32 $_size_execute0_lowered;
	s3 =	sadd.s32 s3, s5;
	[dreg:$0x0] =	wrdreg $0x0  }
0xa8: {  	s5 =	sshll.u32 s28, $0x1;
	[dreg:$0x2] =	wrdreg s3  }
0xa9: {  	[dreg:$0x3] =	wrdreg s5  }
0xaa: {  	[dreg:$0x4] =	wrdreg $0xC0  }
0xab: {  	_ =	task [dreg:s7], $0x5FFFF  }
0xac: {  	[dreg:$0x1] =	wrdreg $0xFFFFFFFF  }
0xad: {  	[dreg:$0x0] =	wrdreg $0x60  }
0xae: {  	[dreg:$0x2] =	wrdreg s24  }
0xaf: {  	[dreg:$0x3] =	wrdreg s2  }
0xb0: {  	[dreg:$0x4] =	wrdreg $0xA8000  }
0xb1: {  	[dreg:$0x5] =	wrdreg $0x9  }
0xb2: {  	_ =	task.clear_ibuf [dreg:s7], $0x6FFFF;
	_ =	strace $0x9000004F  }
0xb3: {  	s29 =	simm.s32 $0x9;
	_ =	strace $0x80000051  }
0xb4: {  	_ =	swait.ge [sflag:s29], $0x1  }
0xb5: {  	[sflag:s29] =	ssyncadd.s32 $0xFFFFFFFF  }
0xb6: {  	_ =	strace $0x90000051  }
0xb7: {  	_ =	sfence  }
0xb8: {  	s30 =	sld [smem:$0x0];
	_ =	sdelay $0x2  }
0xb9: {  	s31 =	sshll.u32 s1, $0xD;
	s1 =	sshrl.u32 s1, $0x2  }
0xba: {  	s3 =	sand.u32 $0x4000, s31;
	s1 =	sadd.s32 s1, s30  }
0xbb: {  	s0 =	sor.u32 s3, s0;
	s1 =	sshll.u32 s1, $0x11  }
0xbc: {  	s0 =	sor.u32 s1, s0  }
0xbd: {  	s0 =	sadd.s32 $0x8F2B, s0  }
0xbe: {  	[sflag:s0] =	ssyncadd.remote.s32 $0x1  }
0xbf: {  	_ =	sfence.sel $0xFFFF  }
0xc0: {  	[dreg:$0x0] =	wrdreg $0xFFFFFFFF;
	(pc) =	sbr.abs _section_cstart, $3  }
0xc1: {  	[dreg:$0x1] =	wrdreg $0xFFFFFFFF  }
0xc2: {  	_ =	task.clear_ibuf [dreg:s7], $0x2FFFF;
	_ =	strace $0x9FFFFFFF  }
0xc3: {  	(tm) =	ssettm $0x7FFFFFFF  }
tec
execute0_lowered:
.L_overlay_start_1:
0x0: {  	(tag) =	ssettag $0x1  }
0x1: {  	s5 =	rddreg [dreg:$0x0]  }
0x2: {  	s10 =	rddreg [dreg:$0x1]  }
0x3: {  	s2 =	rddreg [dreg:$0x2]  }
0x4: {  	s0 =	rddreg [dreg:$0x3];
	s1 =	stileid.u32  }
0x5: {  	s4 =	srdreg.scid;
	s3 =	simm.s32 $0x0;
	s16 =	simm.s32 $0x80  }
0x6: {  	s17 =	simm.s32 $0x2800;
	s18 =	simm.s32 $0x6800;
	s19 =	simm.s32 $0x1  }
0x7: {  	s20 =	simm.s32 $0x1380;
	s21 =	simm.s32 $0x2700;
	s22 =	simm.s32 $0x2780  }
0x8: {  	s23 =	simm.s32 $0x0;
	s6 =	smul.u32 $0x14000, s1;
	s7 =	sand.u32 $0x1, s4  }
0x9: {  	[smem:$0x7FF] =	sst s3;
	s4 =	sadd.s32 $0xD400, s5;
	s26 =	smul.u32 $0x50000, s1  }
0xa: {  	s11 =	sadd.s32 $0x3400, s5;
	s30 =	sshll.u32 s1, $0x6;
	s8 =	smul.u32 $0x140000, s7  }
0xb: {  	_ =	strace $0x80000050;
	s12 =	sshll.u32 s7, $0x4;
	s28 =	ssub.s32 $0x2, s7  }
0xc: {  	s9 =	sshrl.u32 s6, $0x3;
	s29 =	sor.u32 s1, s12;
	s7 =	sshrl.u32 s28, $0x1  }
0xd: {  	s9 =	sadd.s32 s9, s5;
	s6 =	sadd.s32 s6, s8;
	s12 =	smul.u32 $0x2800, s29  }
0xe: {  	s8 =	sshrl.u32 s26, $0x2;
	s14 =	ssub.s32 s28, s7;
	s6 =	sshrl.u32 s6, $0x3  }
0xf: {  	s15 =	sadd.s32 s8, s2;
	s13 =	sadd.s32 s6, s5;
	s31 =	sshrl.u32 s12, $0x3  }
0x10: {  	s5 =	sadd.s32 $0x34600, s9;
	s6 =	sor.u32 $0x1C02, s30;
	s12 =	sadd.s32 $0x280, s31  }
0x11: {  	s7 =	sadd.s32 s11, s31;
	s8 =	sadd.s32 s10, s31;
	s9 =	sadd.s32 s11, s12  }
0x12: {  	s10 =	sadd.s32 s10, s12;
	s11 =	sadd.s32 $0x5C600, s13;
	s12 =	smax.u32 s14, $0x1  }
0x13: {  	s13 =	sshrl.u32 s15, $0x3;
	s14 =	simm.s32 $0x2;
	s15 =	simm.s32 $0x1400  }
.LBB2_1:
0x14: {  	[spmem:s13], [sflag:s6] =	dma.local [hbm:s5], $0x2800  }
0x15: {  	_ =	swait.ge [sflag:s14], $0x2800  }
0x16: {  	[sflag:s14] =	ssyncset.done $0x0  }
0x17: {  	[sflag:s14] =	ssyncadd.s32 $0xFFFFD800  }
0x18: {  	[tilespmem:s3], [sflag:$0x2] =	stream.linear.gather [hbm4b:s7+s3], $0x1400, $0x38;
	[tilespmem:$0x1E800] =	vst v63  }
0x19: {  	_ =	swait.ge [sflag:s14], $0x1400  }
0x1a: {  	[sflag:s14] =	ssyncset.done $0x0  }
0x1b: {  	[sflag:s14] =	ssyncadd.s32 $0xFFFFEC00  }
0x1c: {  	[tilespmem:s15], [sflag:$0x2] =	stream.linear.gather [hbm4b:s8+s3], $0x1400, $0x38;
	[tilespmem:$0x1E800] =	vst v63  }
0x1d: {  	_ =	swait.ge [sflag:s14], $0x1400  }
0x1e: {  	[sflag:s14] =	ssyncset.done $0x0  }
0x1f: {  	[sflag:s14] =	ssyncadd.s32 $0xFFFFEC00  }
0x20: {  	[bflag:$0x0] =	sbarrier.arrive $0xFFFF  }
0x21: {  	[tilespmem:s17], [sflag:$0x1] =	stream.indirect.gather [hbm4b:s4+s16], $0x80, s3, s16, $0xb8;
	[tilespmem:$0x1E800] =	vst v63  }
0x22: {  	s24 =	simm.s32 $0x80  }
0x23: {  	[tilespmem:s18], [sflag:$0x1] =	stream.indirect.gather [hbm4b:s4+s16], $0x80, s24, s16, $0xb8;
	[tilespmem:$0x1E800] =	vst v63  }
0x24: {  	_ =	swait.ge [sflag:s19], $0x4000  }
0x25: {  	[sflag:s19] =	ssyncset.done $0x0  }
0x26: {  	s29 =	simm.s32 $0x1400;
	[sflag:s19] =	ssyncadd.s32 $0xFFFFC000  }
0x27: {  	[spmem:s2] =	stream.indirect.scatter.add.f32 [tilespmem:s17], [sflag:$0x2], $0x80, s29, s16, $0xb8;
	[tilespmem:$0x1E800] =	vst v63  }
0x28: {  	_ =	swait.ge [sflag:s14], $0x4000  }
0x29: {  	[sflag:s14] =	ssyncset.done $0x0  }
0x2a: {  	s30 =	simm.s32 $0x100;
	[sflag:s14] =	ssyncadd.s32 $0xFFFFC000  }
0x2b: {  	[tilespmem:s17], [sflag:$0x1] =	stream.indirect.gather [hbm4b:s4+s16], $0x80, s30, s16, $0xb8;
	[tilespmem:$0x1E800] =	vst v63  }
0x2c: {  	_ =	swait.ge [sflag:s19], $0x4000  }
0x2d: {  	[sflag:s19] =	ssyncset.done $0x0  }
0x2e: {  	s31 =	simm.s32 $0x1480;
	[sflag:s19] =	ssyncadd.s32 $0xFFFFC000  }
0x2f: {  	[spmem:s2] =	stream.indirect.scatter.add.f32 [tilespmem:s18], [sflag:$0x2], $0x80, s31, s16, $0xb8;
	[tilespmem:$0x1E800] =	vst v63  }
0x30: {  	_ =	swait.ge [sflag:s14], $0x4000  }
0x31: {  	s25 =	simm.s32 $0x800;
	s24 =	simm.s32 $0x100;
	[sflag:s14] =	ssyncset.done $0x0  }
.LBB2_2:
0x32: {  	s26 =	sadd.s32 $0x80, s24  }
0x33: {  	[sflag:s14] =	ssyncadd.s32 $0xFFFFC000;
	s28 =	smov.u32 s25;
	s29 =	sadd.s32 $0x400, s25  }
0x34: {  	[tilespmem:s18], [sflag:$0x1] =	stream.indirect.gather [hbm4b:s4+s16], $0x80, s26, s16, $0xb8;
	[tilespmem:$0x1E800] =	vst v63  }
0x35: {  	p0 =	sne.s32 s25, $0x4800;
	_ =	swait.ge [sflag:s19], $0x4000  }
0x36: {  	[sflag:s19] =	ssyncset.done $0x0  }
0x37: {  	s25 =	sadd.s32 $0x1400, s24;
	[sflag:s19] =	ssyncadd.s32 $0xFFFFC000  }
0x38: {  	[spmem:s2] =	stream.indirect.scatter.add.f32 [tilespmem:s17], [sflag:$0x2], $0x80, s25, s16, $0xb8;
	[tilespmem:$0x1E800] =	vst v63  }
0x39: {  	_ =	swait.ge [sflag:s14], $0x4000  }
0x3a: {  	[sflag:s14] =	ssyncset.done $0x0  }
0x3b: {  	s25 =	sadd.s32 $0x100, s24;
	[sflag:s14] =	ssyncadd.s32 $0xFFFFC000  }
0x3c: {  	[tilespmem:s17], [sflag:$0x1] =	stream.indirect.gather [hbm4b:s4+s16], $0x80, s25, s16, $0xb8;
	[tilespmem:$0x1E800] =	vst v63  }
0x3d: {  	_ =	swait.ge [sflag:s19], $0x4000  }
.Ltmp0:
0x3e: {  	[sflag:s19] =	ssyncset.done $0x0;
	(pc) =	sbr.rel @p0 .LBB2_2-.Ltmp0, $4  }
0x3f: {  	s24 =	sadd.s32 $0x1480, s24;
	[sflag:s19] =	ssyncadd.s32 $0xFFFFC000  }
0x40: {  	[spmem:s2] =	stream.indirect.scatter.add.f32 [tilespmem:s18], [sflag:$0x2], $0x80, s24, s16, $0xb8;
	[tilespmem:$0x1E800] =	vst v63  }
0x41: {  	_ =	swait.ge [sflag:s14], $0x4000  }
0x42: {  	s25 =	smov.u32 s29;
	s24 =	sshra.s32 s28, $0x2;
	[sflag:s14] =	ssyncset.done $0x0  }
0x43: {  	s25 =	sadd.s32 $0x80, s24;
	[sflag:s14] =	ssyncadd.s32 $0xFFFFC000  }
0x44: {  	[tilespmem:s18], [sflag:$0x1] =	stream.indirect.gather [hbm4b:s4+s16], $0x80, s25, s16, $0xb8;
	[tilespmem:$0x1E800] =	vst v63  }
0x45: {  	_ =	swait.ge [sflag:s19], $0x4000  }
0x46: {  	[sflag:s19] =	ssyncset.done $0x0  }
0x47: {  	s30 =	sadd.s32 $0x1400, s24;
	[sflag:s19] =	ssyncadd.s32 $0xFFFFC000  }
0x48: {  	[spmem:s2] =	stream.indirect.scatter.add.f32 [tilespmem:s17], [sflag:$0x2], $0x80, s30, s16, $0xb8;
	[tilespmem:$0x1E800] =	vst v63  }
0x49: {  	_ =	swait.ge [sflag:s14], $0x4000  }
0x4a: {  	[sflag:s14] =	ssyncset.done $0x0  }
0x4b: {  	s31 =	sadd.s32 $0x100, s24;
	[sflag:s14] =	ssyncadd.s32 $0xFFFFC000  }
0x4c: {  	[tilespmem:s17], [sflag:$0x1] =	stream.indirect.gather [hbm4b:s4+s16], $0x80, s31, s16, $0xb8;
	[tilespmem:$0x1E800] =	vst v63  }
0x4d: {  	_ =	swait.ge [sflag:s19], $0x4000  }
0x4e: {  	[sflag:s19] =	ssyncset.done $0x0  }
0x4f: {  	s25 =	sadd.s32 $0x1480, s24;
	[sflag:s19] =	ssyncadd.s32 $0xFFFFC000  }
0x50: {  	[spmem:s2] =	stream.indirect.scatter.add.f32 [tilespmem:s18], [sflag:$0x2], $0x80, s25, s16, $0xb8;
	[tilespmem:$0x1E800] =	vst v63  }
0x51: {  	_ =	swait.ge [sflag:s14], $0x4000  }
0x52: {  	[sflag:s14] =	ssyncset.done $0x0  }
0x53: {  	[sflag:s14] =	ssyncadd.s32 $0xFFFFC000  }
0x54: {  	[tilespmem:s18], [sflag:$0x1] =	stream.indirect.gather [hbm4b:s4+s16], $0x80, s20, s16, $0xb8;
	[tilespmem:$0x1E800] =	vst v63  }
0x55: {  	_ =	swait.ge [sflag:s19], $0x4000  }
0x56: {  	[sflag:s19] =	ssyncset.done $0x0  }
0x57: {  	[sflag:s19] =	ssyncadd.s32 $0xFFFFC000  }
0x58: {  	[spmem:s2] =	stream.indirect.scatter.add.f32 [tilespmem:s17], [sflag:$0x2], $0x80, s21, s16, $0xb8;
	[tilespmem:$0x1E800] =	vst v63  }
0x59: {  	_ =	swait.ge [sflag:s14], $0x4000  }
0x5a: {  	[sflag:s14] =	ssyncset.done $0x0  }
0x5b: {  	[sflag:s14] =	ssyncadd.s32 $0xFFFFC000  }
0x5c: {  	_ =	swait.ge [sflag:s19], $0x4000  }
0x5d: {  	[sflag:s19] =	ssyncset.done $0x0  }
0x5e: {  	[sflag:s19] =	ssyncadd.s32 $0xFFFFC000  }
0x5f: {  	[spmem:s2] =	stream.indirect.scatter.add.f32 [tilespmem:s18], [sflag:$0x2], $0x80, s22, s16, $0xb8;
	[tilespmem:$0x1E800] =	vst v63  }
0x60: {  	_ =	swait.ge [sflag:s14], $0x4000  }
0x61: {  	[sflag:s14] =	ssyncset.done $0x0  }
0x62: {  	s26 =	simm.s32 $0x0;
	[sflag:s14] =	ssyncadd.s32 $0xFFFFC000  }
0x63: {  	[tilespmem:s26], [sflag:$0x2] =	stream.linear.gather [hbm4b:s9+s26], $0x1400, $0x38;
	[tilespmem:$0x1E800] =	vst v63  }
0x64: {  	_ =	swait.ge [sflag:s14], $0x1400  }
0x65: {  	[sflag:s14] =	ssyncset.done $0x0  }
0x66: {  	[sflag:s14] =	ssyncadd.s32 $0xFFFFEC00  }
0x67: {  	[tilespmem:s15], [sflag:$0x2] =	stream.linear.gather [hbm4b:s10+s26], $0x1400, $0x38;
	[tilespmem:$0x1E800] =	vst v63  }
0x68: {  	_ =	swait.ge [sflag:s14], $0x1400  }
0x69: {  	[sflag:s14] =	ssyncset.done $0x0  }
0x6a: {  	[sflag:s14] =	ssyncadd.s32 $0xFFFFEC00  }
0x6b: {  	[tilespmem:s17], [sflag:$0x1] =	stream.indirect.gather [hbm4b:s4+s16], $0x80, s26, s16, $0xb8;
	[tilespmem:$0x1E800] =	vst v63  }
0x6c: {  	s28 =	simm.s32 $0x80  }
0x6d: {  	[tilespmem:s18], [sflag:$0x1] =	stream.indirect.gather [hbm4b:s4+s16], $0x80, s28, s16, $0xb8;
	[tilespmem:$0x1E800] =	vst v63  }
0x6e: {  	_ =	swait.ge [sflag:s19], $0x4000  }
0x6f: {  	[sflag:s19] =	ssyncset.done $0x0  }
0x70: {  	s29 =	simm.s32 $0x1400;
	[sflag:s19] =	ssyncadd.s32 $0xFFFFC000  }
0x71: {  	[spmem:s2] =	stream.indirect.scatter.add.f32 [tilespmem:s17], [sflag:$0x2], $0x80, s29, s16, $0xb8;
	[tilespmem:$0x1E800] =	vst v63  }
0x72: {  	_ =	swait.ge [sflag:s14], $0x4000  }
0x73: {  	[sflag:s14] =	ssyncset.done $0x0  }
0x74: {  	s30 =	simm.s32 $0x100;
	[sflag:s14] =	ssyncadd.s32 $0xFFFFC000  }
0x75: {  	[tilespmem:s17], [sflag:$0x1] =	stream.indirect.gather [hbm4b:s4+s16], $0x80, s30, s16, $0xb8;
	[tilespmem:$0x1E800] =	vst v63  }
0x76: {  	_ =	swait.ge [sflag:s19], $0x4000  }
0x77: {  	[sflag:s19] =	ssyncset.done $0x0  }
0x78: {  	s31 =	simm.s32 $0x1480;
	[sflag:s19] =	ssyncadd.s32 $0xFFFFC000  }
0x79: {  	[spmem:s2] =	stream.indirect.scatter.add.f32 [tilespmem:s18], [sflag:$0x2], $0x80, s31, s16, $0xb8;
	[tilespmem:$0x1E800] =	vst v63  }
0x7a: {  	_ =	swait.ge [sflag:s14], $0x4000  }
0x7b: {  	s24 =	simm.s32 $0x100;
	s25 =	simm.s32 $0x800;
	[sflag:s14] =	ssyncset.done $0x0  }
.LBB2_4:
0x7c: {  	s26 =	sadd.s32 $0x80, s24  }
0x7d: {  	[sflag:s14] =	ssyncadd.s32 $0xFFFFC000;
	s28 =	smov.u32 s25;
	s29 =	sadd.s32 $0x400, s25  }
0x7e: {  	[tilespmem:s18], [sflag:$0x1] =	stream.indirect.gather [hbm4b:s4+s16], $0x80, s26, s16, $0xb8;
	[tilespmem:$0x1E800] =	vst v63  }
0x7f: {  	p0 =	sne.s32 s25, $0x4800;
	_ =	swait.ge [sflag:s19], $0x4000  }
0x80: {  	[sflag:s19] =	ssyncset.done $0x0  }
0x81: {  	s25 =	sadd.s32 $0x1400, s24;
	[sflag:s19] =	ssyncadd.s32 $0xFFFFC000  }
0x82: {  	[spmem:s2] =	stream.indirect.scatter.add.f32 [tilespmem:s17], [sflag:$0x2], $0x80, s25, s16, $0xb8;
	[tilespmem:$0x1E800] =	vst v63  }
0x83: {  	_ =	swait.ge [sflag:s14], $0x4000  }
0x84: {  	[sflag:s14] =	ssyncset.done $0x0  }
0x85: {  	s25 =	sadd.s32 $0x100, s24;
	[sflag:s14] =	ssyncadd.s32 $0xFFFFC000  }
0x86: {  	[tilespmem:s17], [sflag:$0x1] =	stream.indirect.gather [hbm4b:s4+s16], $0x80, s25, s16, $0xb8;
	[tilespmem:$0x1E800] =	vst v63  }
0x87: {  	_ =	swait.ge [sflag:s19], $0x4000  }
.Ltmp1:
0x88: {  	[sflag:s19] =	ssyncset.done $0x0;
	(pc) =	sbr.rel @p0 .LBB2_4-.Ltmp1, $4  }
0x89: {  	s24 =	sadd.s32 $0x1480, s24;
	[sflag:s19] =	ssyncadd.s32 $0xFFFFC000  }
0x8a: {  	[spmem:s2] =	stream.indirect.scatter.add.f32 [tilespmem:s18], [sflag:$0x2], $0x80, s24, s16, $0xb8;
	[tilespmem:$0x1E800] =	vst v63  }
0x8b: {  	_ =	swait.ge [sflag:s14], $0x4000  }
0x8c: {  	s25 =	smov.u32 s29;
	s24 =	sshra.s32 s28, $0x2;
	[sflag:s14] =	ssyncset.done $0x0  }
0x8d: {  	s25 =	sadd.s32 $0x80, s24;
	[sflag:s14] =	ssyncadd.s32 $0xFFFFC000  }
0x8e: {  	[tilespmem:s18], [sflag:$0x1] =	stream.indirect.gather [hbm4b:s4+s16], $0x80, s25, s16, $0xb8;
	[tilespmem:$0x1E800] =	vst v63  }
0x8f: {  	_ =	swait.ge [sflag:s19], $0x4000  }
0x90: {  	[sflag:s19] =	ssyncset.done $0x0  }
0x91: {  	s29 =	sadd.s32 $0x1400, s24;
	[sflag:s19] =	ssyncadd.s32 $0xFFFFC000  }
0x92: {  	[spmem:s2] =	stream.indirect.scatter.add.f32 [tilespmem:s17], [sflag:$0x2], $0x80, s29, s16, $0xb8;
	[tilespmem:$0x1E800] =	vst v63  }
0x93: {  	_ =	swait.ge [sflag:s14], $0x4000  }
0x94: {  	[sflag:s14] =	ssyncset.done $0x0  }
0x95: {  	s30 =	sadd.s32 $0x100, s24;
	[sflag:s14] =	ssyncadd.s32 $0xFFFFC000  }
0x96: {  	[tilespmem:s17], [sflag:$0x1] =	stream.indirect.gather [hbm4b:s4+s16], $0x80, s30, s16, $0xb8;
	[tilespmem:$0x1E800] =	vst v63  }
0x97: {  	_ =	swait.ge [sflag:s19], $0x4000  }
0x98: {  	[sflag:s19] =	ssyncset.done $0x0  }
0x99: {  	s31 =	sadd.s32 $0x1480, s24;
	[sflag:s19] =	ssyncadd.s32 $0xFFFFC000  }
0x9a: {  	[spmem:s2] =	stream.indirect.scatter.add.f32 [tilespmem:s18], [sflag:$0x2], $0x80, s31, s16, $0xb8;
	[tilespmem:$0x1E800] =	vst v63  }
0x9b: {  	_ =	swait.ge [sflag:s14], $0x4000  }
0x9c: {  	[sflag:s14] =	ssyncset.done $0x0  }
0x9d: {  	[sflag:s14] =	ssyncadd.s32 $0xFFFFC000  }
0x9e: {  	[tilespmem:s18], [sflag:$0x1] =	stream.indirect.gather [hbm4b:s4+s16], $0x80, s20, s16, $0xb8;
	[tilespmem:$0x1E800] =	vst v63  }
0x9f: {  	_ =	swait.ge [sflag:s19], $0x4000  }
0xa0: {  	[sflag:s19] =	ssyncset.done $0x0  }
0xa1: {  	[sflag:s19] =	ssyncadd.s32 $0xFFFFC000  }
0xa2: {  	[spmem:s2] =	stream.indirect.scatter.add.f32 [tilespmem:s17], [sflag:$0x2], $0x80, s21, s16, $0xb8;
	[tilespmem:$0x1E800] =	vst v63  }
0xa3: {  	_ =	swait.ge [sflag:s14], $0x4000  }
0xa4: {  	[sflag:s14] =	ssyncset.done $0x0  }
0xa5: {  	[sflag:s14] =	ssyncadd.s32 $0xFFFFC000  }
0xa6: {  	_ =	swait.ge [sflag:s19], $0x4000  }
0xa7: {  	[sflag:s19] =	ssyncset.done $0x0  }
0xa8: {  	[sflag:s19] =	ssyncadd.s32 $0xFFFFC000  }
0xa9: {  	[spmem:s2] =	stream.indirect.scatter.add.f32 [tilespmem:s18], [sflag:$0x2], $0x80, s22, s16, $0xb8;
	[tilespmem:$0x1E800] =	vst v63  }
0xaa: {  	_ =	swait.ge [sflag:s14], $0x4000  }
0xab: {  	s23 =	sadd.s32 $0x1, s23;
	[sflag:s14] =	ssyncset.done $0x0  }
0xac: {  	p0 =	sne.s32 s23, s12;
	[sflag:s14] =	ssyncadd.s32 $0xFFFFC000  }
.Ltmp2:
0xad: {  	[bflag:$0x0] =	sbarrier.arrive $0xFFFF;
	(pc) =	sbr.rel @p0 .LBB2_1-.Ltmp2, $4  }
0xae: {  	[hbm:s11], [sflag:s6] =	dma.local [spmem:s13], $0x2800  }
0xaf: {  	_ =	swait.ge [sflag:s14], $0x2800  }
0xb0: {  	[sflag:s14] =	ssyncset.done $0x0  }
0xb1: {  	[sflag:s14] =	ssyncadd.s32 $0xFFFFD800  }
0xb2: {  	_ =	sfence.sel $0x180000  }
0xb3: {  	[bflag:$0x0] =	sbarrier.arrive $0xFFFF  }
0xb4: {  	p0 =	sne.s32 s1, $0x0;
	_ =	strace $0x90000050  }
0xb5: {  	s0 =	sadd.s32 @!p0 $0x100000, s0;
	[bflag:$0x2] =	sbarrier.arrive $0xFFFF  }
0xb6: {  	[sflag:s0] =	ssyncadd.tile.s32 @!p0 $0x1;
	_ =	shalt  }
.Lfunc_end2:
_tile_overlayer_lowered:
.L_overlay_start_2:
0xb7: {  	(tag) =	ssettag $0x2  }
0xb8: {  	s0 =	rddreg [dreg:$0x0];
	s2 =	stileid.u32  }
0xb9: {  	s1 =	rddreg [dreg:$0x1];
	p0 =	sne.s32 s2, $0x0  }
0xba: {  	s3 =	rddreg [dreg:$0x2];
	[bflag:$0x3] =	sbarrier.arrive $0xFFFF;
	s2 =	simm.s32 @!p0 $0x1C02  }
0xbb: {  	[timem:s3], [sflag:s2] =	dma.local @!p0 [hbm:s0], s1  }
0xbc: {  	s0 =	simm.s32 @!p0 $0x2  }
0xbd: {  	_ =	swait.ge @!p0 [sflag:s0], s1  }
0xbe: {  	s1 =	ssub.s32 @!p0 $0x0, s1;
	[sflag:s0] =	ssyncset.done @!p0 $0x0  }
0xbf: {  	[sflag:s0] =	ssyncadd.s32 @!p0 s1  }
0xc0: {  	[bflag:$0x3] =	sbarrier.arrive $0xFFFF  }
0xc1: {  	_ =	shalt  }

</sc_bundles>
